<compile_context>
chip_gen: v7x
topology: tpu7x:2x2x1
jax: 0.10.2.dev20260603
libtpu: 0.0.44.dev20260713+nightly
codegen_flags: <defaults>
</compile_context>

<pallas_src>
import functools

import jax
import jax.numpy as jnp
from jax import lax
from jax.experimental import pallas as pl
from jax.experimental.pallas import tpu as pltpu
from jax.experimental.pallas import tpu_sc as plsc

N = 10000
E = 160000
DIN = 256
DH = 512

NCORES = 2
NTILES = 16
B = 128
DC = 128
RPT = 640
NP = NTILES * RPT
EPT = 10240
STEPS = EPT // B
NH = 2
HSTEPS = STEPS // NH
EP = NTILES * EPT


def _sc_segsum(tables, srcp, dstp, zrows, zdeg, ones1, with_deg):
    nt = len(tables)
    per_core = nt // NCORES
    mesh = plsc.VectorSubcoreMesh(core_axis_name="c", subcore_axis_name="s")
    out_type = [jax.ShapeDtypeStruct((NP, DC), jnp.float32) for _ in range(nt)]
    if with_deg:
        out_type.append(jax.ShapeDtypeStruct((NP,), jnp.float32))

    scratch = [
        pltpu.VMEM((HSTEPS, B), jnp.int32),
        pltpu.VMEM((HSTEPS, B), jnp.int32),
        pltpu.VMEM((B, DC), jnp.float32),
        pltpu.VMEM((B,), jnp.float32),
        pltpu.VMEM_SHARED((NP, DC), jnp.float32),
        pltpu.VMEM_SHARED((NP,), jnp.float32),
        pltpu.SemaphoreType.DMA,
    ]

    @functools.partial(pl.kernel, out_type=out_type, mesh=mesh,
                       scratch_types=scratch)
    def k(*refs):
        ins = refs[:nt + 5]
        tables_r = ins[:nt]
        srcp_r, dstp_r, zrows_r, zdeg_r, ones1_r = ins[nt:]
        outs = refs[nt + 5: nt + 5 + nt]
        if with_deg:
            deg_out = refs[nt + 5 + nt]
            rest = refs[nt + 6 + nt:]
        else:
            deg_out = None
            rest = refs[nt + 5 + nt:]
        src_v, dst_v, gbuf, ones_v, accum, degacc, sem = rest

        c = lax.axis_index("c")
        s = lax.axis_index("s")
        row0 = s * RPT

        pltpu.sync_copy(ones1_r, ones_v)

        for ch in range(per_core):
            pltpu.sync_copy(zrows_r, accum.at[pl.ds(row0, RPT)])
            if with_deg and ch == 0:
                @pl.when(c == 0)
                def _():
                    pltpu.sync_copy(zdeg_r, degacc.at[pl.ds(row0, RPT)])
            plsc.subcore_barrier()

            for h in range(NH):
                piece = s * NH + h
                pltpu.sync_copy(srcp_r.at[piece], src_v)
                pltpu.sync_copy(dstp_r.at[piece], dst_v)
                for cc in range(NCORES):
                    tab = tables_r[cc * per_core + ch]

                    @pl.when(c == cc)
                    def _(tab=tab):
                        def step(j, carry):
                            pltpu.async_copy(tab.at[src_v.at[j]], gbuf,
                                             sem).wait()
                            pltpu.sync_copy(gbuf, accum.at[dst_v.at[j]],
                                            add=True)
                            return carry
                        lax.fori_loop(0, HSTEPS, step, 0)

                if with_deg and ch == 0:
                    @pl.when(c == 0)
                    def _():
                        def dstep(j, carry):
                            pltpu.sync_copy(ones_v, degacc.at[dst_v.at[j]],
                                            add=True)
                            return carry
                        lax.fori_loop(0, HSTEPS, dstep, 0)

            plsc.subcore_barrier()

            for cc in range(NCORES):
                out = outs[cc * per_core + ch]

                @pl.when(c == cc)
                def _(out=out):
                    pltpu.sync_copy(accum.at[pl.ds(row0, RPT)],
                                    out.at[pl.ds(row0, RPT)])
            if with_deg and ch == 0:
                @pl.when(c == 0)
                def _():
                    pltpu.sync_copy(degacc.at[pl.ds(row0, RPT)],
                                    deg_out.at[pl.ds(row0, RPT)])

    args = list(tables) + [srcp, dstp, zrows, zdeg, ones1]
    return k(*args)


def _tc_layer1(aggs, deg1, xp, Wl1, bl1, Wr1):
    grid = (NP // RPT,)
    na = len(aggs)

    def body(*refs):
        ars = refs[:na]
        dg, xr, wl, bl, wr = refs[na:na + 5]
        outs = refs[na + 5:]
        rd = 1.0 / jnp.maximum(dg[...], 1.0)
        agg = jnp.concatenate([a[...] for a in ars], axis=1) * rd
        h = jnp.dot(agg, wl[...], preferred_element_type=jnp.float32)
        h = h + bl[...] + jnp.dot(xr[...], wr[...],
                                  preferred_element_type=jnp.float32)
        h = jax.nn.gelu(h)
        rows = (pl.program_id(0) * RPT
                + lax.broadcasted_iota(jnp.int32, (RPT, 1), 0))
        h = jnp.where(rows < N, h, 0.0)
        for i, o in enumerate(outs):
            o[...] = h[:, i * DC:(i + 1) * DC]

    blk = lambda r, cdim: pl.BlockSpec((r, cdim), lambda i: (i, 0))
    full = lambda shape: pl.BlockSpec(shape, lambda i: (0, 0))
    return pl.pallas_call(
        body,
        grid=grid,
        in_specs=[blk(RPT, DC)] * na
                 + [blk(RPT, 1), blk(RPT, DIN),
                    full((DIN, DH)), full((1, DH)), full((DIN, DH))],
        out_specs=[blk(RPT, DC)] * (DH // DC),
        out_shape=[jax.ShapeDtypeStruct((NP, DC), jnp.float32)] * (DH // DC),
    )(*aggs, deg1, xp, Wl1, bl1.reshape(1, DH), Wr1)


def _tc_layer2(aggs, deg1, ys, Wl2, bl2, Wr2, woT, bo):
    grid = (NP // RPT,)
    na = len(aggs)

    def body(*refs):
        ars = refs[:na]
        dg = refs[na]
        yrs = refs[na + 1:2 * na + 1]
        wl, bl, wr, wo, bor = refs[2 * na + 1:2 * na + 6]
        o = refs[2 * na + 6]
        rd = 1.0 / jnp.maximum(dg[...], 1.0)
        agg = jnp.concatenate([a[...] for a in ars], axis=1) * rd
        y = jnp.concatenate([yy[...] for yy in yrs], axis=1)
        acc = jnp.dot(agg, wl[...], preferred_element_type=jnp.float32)
        acc = acc + bl[...] + jnp.dot(y, wr[...],
                                      preferred_element_type=jnp.float32)
        x2 = jax.nn.gelu(acc)
        o[...] = jnp.sum(x2 * wo[...], axis=1, keepdims=True) + bor[0, 0]

    blk = lambda r, cdim: pl.BlockSpec((r, cdim), lambda i: (i, 0))
    full = lambda shape: pl.BlockSpec(shape, lambda i: (0, 0))
    return pl.pallas_call(
        body,
        grid=grid,
        in_specs=[blk(RPT, DC)] * na + [blk(RPT, 1)] + [blk(RPT, DC)] * na
                 + [full((DH, DH)), full((1, DH)), full((DH, DH)),
                    full((1, DH)), full((1, 1))],
        out_specs=blk(RPT, 1),
        out_shape=jax.ShapeDtypeStruct((NP, 1), jnp.float32),
    )(*aggs, deg1, *ys, Wl2, bl2.reshape(1, DH), Wr2, woT, bo)


def kernel(x, edge_index, Wl1, bl1, Wr1, Wl2, bl2, Wr2, Wo, bo):
    src = edge_index[0]
    dst = edge_index[1]
    pad = EP - E
    srcp = jnp.concatenate(
        [src, jnp.full((pad,), N, jnp.int32)]).reshape(NTILES * NH,
                                                       HSTEPS, B)
    dstp = jnp.concatenate(
        [dst, jnp.full((pad,), N, jnp.int32)]).reshape(NTILES * NH,
                                                       HSTEPS, B)

    xp = jnp.zeros((NP, DIN), jnp.float32).at[:N].set(x)
    xchunks = [xp[:, i * DC:(i + 1) * DC] for i in range(DIN // DC)]

    zrows = jnp.zeros((RPT, DC), jnp.float32)
    zdeg = jnp.zeros((RPT,), jnp.float32)
    ones1 = jnp.ones((B,), jnp.float32)

    outs1 = _sc_segsum(xchunks, srcp, dstp, zrows, zdeg, ones1,
                       with_deg=True)
    aggs1, deg = outs1[:-1], outs1[-1]
    deg1 = deg.reshape(NP, 1)
    ys = _tc_layer1(aggs1, deg1, xp, Wl1, bl1, Wr1)
    aggs2 = _sc_segsum(list(ys), srcp, dstp, zrows, zdeg, ones1,
                       with_deg=False)
    out = _tc_layer2(aggs2, deg1, ys, Wl2, bl2, Wr2,
                     Wo.reshape(1, DH), bo.reshape(1, 1))
    return out[:N, 0]

# --- scband reference (transcript-rebuilt; emitter-appended) ---
"""Pipeline reference for scband-multi-scale-graph-sage-53163105189922 (READ-ONLY COPY).

The authoritative reference and input builder live on the scoring server;
editing this copy changes nothing except your own understanding.
"""

import jax, jax.numpy as jnp
import numpy as np

N = 10000
E = 160000
IN_DIM = 256
HID = 512


def setup_inputs(seed: int = 0) -> dict:
    key = jax.random.key(seed)
    ks = jax.random.split(key, 12)
    x = jax.random.normal(ks[0], (N, IN_DIM), dtype=jnp.float32)
    edge_index = jax.random.randint(ks[1], (2, E), 0, N, dtype=jnp.int32)
    s_in = 1.0 / np.sqrt(IN_DIM)
    s_h = 1.0 / np.sqrt(HID)
    # SAGEConv layer 1: lin_l (neighbor aggr, with bias), lin_r (root, no bias)
    Wl1 = jax.random.uniform(ks[2], (IN_DIM, HID), jnp.float32, -s_in, s_in)
    bl1 = jax.random.uniform(ks[3], (HID,), jnp.float32, -s_in, s_in)
    Wr1 = jax.random.uniform(ks[4], (IN_DIM, HID), jnp.float32, -s_in, s_in)
    # SAGEConv layer 2
    Wl2 = jax.random.uniform(ks[5], (HID, HID), jnp.float32, -s_h, s_h)
    bl2 = jax.random.uniform(ks[6], (HID,), jnp.float32, -s_h, s_h)
    Wr2 = jax.random.uniform(ks[7], (HID, HID), jnp.float32, -s_h, s_h)
    # out_linear
    Wo = jax.random.uniform(ks[8], (HID, 1), jnp.float32, -s_h, s_h)
    bo = jax.random.uniform(ks[9], (1,), jnp.float32, -s_h, s_h)
    return {"x": x, "edge_index": edge_index, "Wl1": Wl1, "bl1": bl1, "Wr1": Wr1,
            "Wl2": Wl2, "bl2": bl2, "Wr2": Wr2, "Wo": Wo, "bo": bo}


def _sage_conv(x, edge_index, Wl, bl, Wr):
    # PyG SAGEConv (mean aggregation): out = lin_l(mean_{j in N(i)} x_j) + lin_r(x_i)
    src = edge_index[0]
    dst = edge_index[1]
    msg = jnp.take(x, src, axis=0)
    agg = jax.ops.segment_sum(msg, dst, num_segments=N)
    deg = jax.ops.segment_sum(jnp.ones((E,), dtype=x.dtype), dst, num_segments=N)
    agg = agg / jnp.clip(deg, 1.0, None)[:, None]
    return agg @ Wl + bl + x @ Wr


def reference(x, edge_index, Wl1, bl1, Wr1, Wl2, bl2, Wr2, Wo, bo):
    # dropout is identity in eval mode (deterministic reference)
    x1 = jax.nn.gelu(_sage_conv(x, edge_index, Wl1, bl1, Wr1))
    x2 = jax.nn.gelu(_sage_conv(x1, edge_index, Wl2, bl2, Wr2))
    out = x2 @ Wo + bo
    return out.squeeze(-1)

if __name__ == "__main__":
    import jax
    _d = setup_inputs()
    print(jax.jit(kernel)(*tuple(_d.values())))

</pallas_src>

<mosaic_0001>
#map = affine_map<(d0, d1) -> (0, 0)>
#map1 = affine_map<(d0, d1) -> (0, 0, 0)>
#map2 = affine_map<(d0, d1) -> (0)>
module attributes {stable_mosaic.version = 14 : i64} {
  func.func @k(%arg0: i32, %arg1: i32, %arg2: memref<10240x128xf32, #tpu.memory_space<hbm>>, %arg3: memref<10240x128xf32, #tpu.memory_space<hbm>>, %arg4: memref<10240x128xf32, #tpu.memory_space<hbm>>, %arg5: memref<10240x128xf32, #tpu.memory_space<hbm>>, %arg6: memref<32x40x128xi32, #tpu.memory_space<hbm>>, %arg7: memref<32x40x128xi32, #tpu.memory_space<hbm>>, %arg8: memref<640x128xf32, #tpu.memory_space<hbm>>, %arg9: memref<640xf32, #tpu.memory_space<hbm>>, %arg10: memref<128xf32, #tpu.memory_space<hbm>>, %arg11: memref<10240x128xf32, #tpu.memory_space<hbm>>, %arg12: memref<10240x128xf32, #tpu.memory_space<hbm>>, %arg13: memref<10240x128xf32, #tpu.memory_space<hbm>>, %arg14: memref<10240x128xf32, #tpu.memory_space<hbm>>, %arg15: memref<40x128xi32, #tpu.memory_space<vmem>>, %arg16: memref<40x128xi32, #tpu.memory_space<vmem>>, %arg17: memref<128x128xf32, #tpu.memory_space<vmem>>, %arg18: memref<128xf32, #tpu.memory_space<vmem>>, %arg19: memref<10240x128xf32, #tpu.memory_space<vmem_shared>>, %arg20: memref<10240xf32, #tpu.memory_space<vmem_shared>>, %arg21: memref<!tpu.dma_semaphore, #tpu.memory_space<semaphore_mem>>) attributes {dimension_semantics = [#tpu.dimension_semantics<core_parallel>, #tpu.dimension_semantics<subcore_parallel>], iteration_bounds = array<i64: 2, 16>, scalar_prefetch = 0 : i64, scratch_operands = 7 : i64, tpu.core_type = #tpu.core_type<sc_vector_subcore>, window_params = [{transform_indices = #map}, {transform_indices = #map}, {transform_indices = #map}, {transform_indices = #map}, {transform_indices = #map1}, {transform_indices = #map1}, {transform_indices = #map}, {transform_indices = #map2}, {transform_indices = #map2}, {transform_indices = #map}, {transform_indices = #map}, {transform_indices = #map}, {transform_indices = #map}]} {
    %mul3A = arith.constant 640 : i32
    %mul3A_0 = arith.muli %arg1, %mul3A : i32
    "tpu.region"() ({
      %run_scoped3A = tpu.sem_alloc : memref<!tpu.dma_semaphore, #tpu.memory_space<semaphore_mem>>
      tpu.enqueue_dma source(%arg10 : memref<128xf32, #tpu.memory_space<hbm>>) target(%arg18 : memref<128xf32, #tpu.memory_space<vmem>>) target_semaphore(%run_scoped3A : memref<!tpu.dma_semaphore, #tpu.memory_space<semaphore_mem>>)
      tpu.wait_dma2 semaphore(%run_scoped3A : memref<!tpu.dma_semaphore, #tpu.memory_space<semaphore_mem>>) src(%arg10 : memref<128xf32, #tpu.memory_space<hbm>>) dst(%arg18 : memref<128xf32, #tpu.memory_space<vmem>>)
      tpu.yield
    }) : () -> ()
    "tpu.region"() ({
      %run_scoped3A = tpu.sem_alloc : memref<!tpu.dma_semaphore, #tpu.memory_space<semaphore_mem>>
      %dma_start3A = arith.constant 0 : i32
      %dma_start3A_76 = tpu.memref_slice %arg19[%mul3A_0, %dma_start3A] : memref<10240x128xf32, #tpu.memory_space<vmem_shared>> -> memref<640x128xf32, #tpu.memory_space<vmem_shared>>
      tpu.enqueue_dma source(%arg8 : memref<640x128xf32, #tpu.memory_space<hbm>>) target(%dma_start3A_76 : memref<640x128xf32, #tpu.memory_space<vmem_shared>>) target_semaphore(%run_scoped3A : memref<!tpu.dma_semaphore, #tpu.memory_space<semaphore_mem>>)
      %dma_wait3A = arith.constant 0 : i32
      %dma_wait3A_77 = tpu.memref_slice %arg19[%mul3A_0, %dma_wait3A] : memref<10240x128xf32, #tpu.memory_space<vmem_shared>> -> memref<640x128xf32, #tpu.memory_space<vmem_shared>>
      tpu.wait_dma2 semaphore(%run_scoped3A : memref<!tpu.dma_semaphore, #tpu.memory_space<semaphore_mem>>) src(%arg8 : memref<640x128xf32, #tpu.memory_space<hbm>>) dst(%dma_wait3A_77 : memref<640x128xf32, #tpu.memory_space<vmem_shared>>)
      tpu.yield
    }) : () -> ()
    %barrier3A = arith.constant 0 : index
    tpu.barrier barrier_id(%barrier3A)
    %mul3A_1 = arith.constant 2 : i32
    %mul3A_2 = arith.muli %arg1, %mul3A_1 : i32
    %add3A = arith.constant 0 : i32
    %add3A_3 = arith.addi %mul3A_2, %add3A : i32
    "tpu.region"() ({
      %run_scoped3A = tpu.sem_alloc : memref<!tpu.dma_semaphore, #tpu.memory_space<semaphore_mem>>
      %dma_start3A = arith.constant 0 : i32
      %dma_start3A_76 = arith.constant 0 : i32
      %dma_start3A_77 = tpu.memref_slice %arg6[%add3A_3, %dma_start3A, %dma_start3A_76] : memref<32x40x128xi32, #tpu.memory_space<hbm>> -> memref<1x40x128xi32, #tpu.memory_space<hbm>>
      %dma_start3A_78 = tpu.memref_squeeze %dma_start3A_77 : memref<1x40x128xi32, #tpu.memory_space<hbm>> -> memref<40x128xi32, #tpu.memory_space<hbm>>
      %dma_start3A_79 = arith.constant 0 : i32
      %dma_start3A_80 = arith.constant 0 : i32
      %dma_start3A_81 = tpu.memref_slice %arg6[%add3A_3, %dma_start3A_79, %dma_start3A_80] : memref<32x40x128xi32, #tpu.memory_space<hbm>> -> memref<1x40x128xi32, #tpu.memory_space<hbm>>
      %dma_start3A_82 = tpu.memref_squeeze %dma_start3A_81 : memref<1x40x128xi32, #tpu.memory_space<hbm>> -> memref<40x128xi32, #tpu.memory_space<hbm>>
      tpu.enqueue_dma source(%dma_start3A_82 : memref<40x128xi32, #tpu.memory_space<hbm>>) target(%arg15 : memref<40x128xi32, #tpu.memory_space<vmem>>) target_semaphore(%run_scoped3A : memref<!tpu.dma_semaphore, #tpu.memory_space<semaphore_mem>>)
      %dma_wait3A = arith.constant 0 : i32
      %dma_wait3A_83 = arith.constant 0 : i32
      %dma_wait3A_84 = tpu.memref_slice %arg6[%add3A_3, %dma_wait3A, %dma_wait3A_83] : memref<32x40x128xi32, #tpu.memory_space<hbm>> -> memref<1x40x128xi32, #tpu.memory_space<hbm>>
      %dma_wait3A_85 = tpu.memref_squeeze %dma_wait3A_84 : memref<1x40x128xi32, #tpu.memory_space<hbm>> -> memref<40x128xi32, #tpu.memory_space<hbm>>
      %dma_wait3A_86 = arith.constant 0 : i32
      %dma_wait3A_87 = arith.constant 0 : i32
      %dma_wait3A_88 = tpu.memref_slice %arg6[%add3A_3, %dma_wait3A_86, %dma_wait3A_87] : memref<32x40x128xi32, #tpu.memory_space<hbm>> -> memref<1x40x128xi32, #tpu.memory_space<hbm>>
      %dma_wait3A_89 = tpu.memref_squeeze %dma_wait3A_88 : memref<1x40x128xi32, #tpu.memory_space<hbm>> -> memref<40x128xi32, #tpu.memory_space<hbm>>
      tpu.wait_dma2 semaphore(%run_scoped3A : memref<!tpu.dma_semaphore, #tpu.memory_space<semaphore_mem>>) src(%dma_wait3A_89 : memref<40x128xi32, #tpu.memory_space<hbm>>) dst(%arg15 : memref<40x128xi32, #tpu.memory_space<vmem>>)
      tpu.yield
    }) : () -> ()
    "tpu.region"() ({
      %run_scoped3A = tpu.sem_alloc : memref<!tpu.dma_semaphore, #tpu.memory_space<semaphore_mem>>
      %dma_start3A = arith.constant 0 : i32
      %dma_start3A_76 = arith.constant 0 : i32
      %dma_start3A_77 = tpu.memref_slice %arg7[%add3A_3, %dma_start3A, %dma_start3A_76] : memref<32x40x128xi32, #tpu.memory_space<hbm>> -> memref<1x40x128xi32, #tpu.memory_space<hbm>>
      %dma_start3A_78 = tpu.memref_squeeze %dma_start3A_77 : memref<1x40x128xi32, #tpu.memory_space<hbm>> -> memref<40x128xi32, #tpu.memory_space<hbm>>
      %dma_start3A_79 = arith.constant 0 : i32
      %dma_start3A_80 = arith.constant 0 : i32
      %dma_start3A_81 = tpu.memref_slice %arg7[%add3A_3, %dma_start3A_79, %dma_start3A_80] : memref<32x40x128xi32, #tpu.memory_space<hbm>> -> memref<1x40x128xi32, #tpu.memory_space<hbm>>
      %dma_start3A_82 = tpu.memref_squeeze %dma_start3A_81 : memref<1x40x128xi32, #tpu.memory_space<hbm>> -> memref<40x128xi32, #tpu.memory_space<hbm>>
      tpu.enqueue_dma source(%dma_start3A_82 : memref<40x128xi32, #tpu.memory_space<hbm>>) target(%arg16 : memref<40x128xi32, #tpu.memory_space<vmem>>) target_semaphore(%run_scoped3A : memref<!tpu.dma_semaphore, #tpu.memory_space<semaphore_mem>>)
      %dma_wait3A = arith.constant 0 : i32
      %dma_wait3A_83 = arith.constant 0 : i32
      %dma_wait3A_84 = tpu.memref_slice %arg7[%add3A_3, %dma_wait3A, %dma_wait3A_83] : memref<32x40x128xi32, #tpu.memory_space<hbm>> -> memref<1x40x128xi32, #tpu.memory_space<hbm>>
      %dma_wait3A_85 = tpu.memref_squeeze %dma_wait3A_84 : memref<1x40x128xi32, #tpu.memory_space<hbm>> -> memref<40x128xi32, #tpu.memory_space<hbm>>
      %dma_wait3A_86 = arith.constant 0 : i32
      %dma_wait3A_87 = arith.constant 0 : i32
      %dma_wait3A_88 = tpu.memref_slice %arg7[%add3A_3, %dma_wait3A_86, %dma_wait3A_87] : memref<32x40x128xi32, #tpu.memory_space<hbm>> -> memref<1x40x128xi32, #tpu.memory_space<hbm>>
      %dma_wait3A_89 = tpu.memref_squeeze %dma_wait3A_88 : memref<1x40x128xi32, #tpu.memory_space<hbm>> -> memref<40x128xi32, #tpu.memory_space<hbm>>
      tpu.wait_dma2 semaphore(%run_scoped3A : memref<!tpu.dma_semaphore, #tpu.memory_space<semaphore_mem>>) src(%dma_wait3A_89 : memref<40x128xi32, #tpu.memory_space<hbm>>) dst(%arg16 : memref<40x128xi32, #tpu.memory_space<vmem>>)
      tpu.yield
    }) : () -> ()
    %eq3A = arith.constant 0 : i32
    %eq3A_4 = arith.cmpi eq, %arg0, %eq3A : i32
    %convert_element_type3A = arith.extui %eq3A_4 : i1 to i32
    %cond3A = arith.constant 0 : i32
    %cond3A_5 = arith.cmpi ne, %convert_element_type3A, %cond3A : i32
    scf.if %cond3A_5 {
      %scan3A = arith.constant 0 : i32
      %scan3A_76 = arith.constant 0 : i32
      %scan3A_77 = arith.constant 40 : i32
      %scan3A_78 = arith.addi %scan3A_76, %scan3A_77 : i32
      %scan3A_79 = arith.constant 1 : i32
      scf.for %scan3A_81 = %scan3A_76 to %scan3A_78 step %scan3A_79  : i32 {
        %dma_start3A = arith.constant 0 : i32
        %dma_start3A_82 = tpu.memref_slice %arg15[%scan3A_81, %dma_start3A] : memref<40x128xi32, #tpu.memory_space<vmem>> -> memref<1x128xi32, #tpu.memory_space<vmem>>
        %dma_start3A_83 = tpu.memref_squeeze %dma_start3A_82 : memref<1x128xi32, #tpu.memory_space<vmem>> -> memref<128xi32, #tpu.memory_space<vmem>>
        %dma_start3A_84 = arith.constant 0 : i32
        %dma_start3A_85 = arith.constant 0 : i32
        %dma_start3A_86 = tpu.memref_slice %arg2[%dma_start3A_84, %dma_start3A_85] : memref<10240x128xf32, #tpu.memory_space<hbm>> -> memref<10240x128xf32, #tpu.memory_space<hbm>>
        tpu.enqueue_indirect_dma source(%dma_start3A_86 : memref<10240x128xf32, #tpu.memory_space<hbm>>) target(%arg17 : memref<128x128xf32, #tpu.memory_space<vmem>>) offsets(%dma_start3A_83 : memref<128xi32, #tpu.memory_space<vmem>>) semaphore(%arg21 : memref<!tpu.dma_semaphore, #tpu.memory_space<semaphore_mem>>)
        %dma_wait3A = arith.constant 0 : i32
        %dma_wait3A_87 = tpu.memref_slice %arg15[%scan3A_81, %dma_wait3A] : memref<40x128xi32, #tpu.memory_space<vmem>> -> memref<1x128xi32, #tpu.memory_space<vmem>>
        %dma_wait3A_88 = tpu.memref_squeeze %dma_wait3A_87 : memref<1x128xi32, #tpu.memory_space<vmem>> -> memref<128xi32, #tpu.memory_space<vmem>>
        %dma_wait3A_89 = arith.constant 0 : i32
        %dma_wait3A_90 = arith.constant 0 : i32
        %dma_wait3A_91 = tpu.memref_slice %arg2[%dma_wait3A_89, %dma_wait3A_90] : memref<10240x128xf32, #tpu.memory_space<hbm>> -> memref<10240x128xf32, #tpu.memory_space<hbm>>
        tpu.wait_indirect_dma semaphore(%arg21 : memref<!tpu.dma_semaphore, #tpu.memory_space<semaphore_mem>>) src(%dma_wait3A_91 : memref<10240x128xf32, #tpu.memory_space<hbm>>) dst(%arg17 : memref<128x128xf32, #tpu.memory_space<vmem>>)
        "tpu.region"() ({
          %run_scoped3A = tpu.sem_alloc : memref<!tpu.dma_semaphore, #tpu.memory_space<semaphore_mem>>
          %dma_start3A_92 = arith.constant 0 : i32
          %dma_start3A_93 = tpu.memref_slice %arg16[%scan3A_81, %dma_start3A_92] : memref<40x128xi32, #tpu.memory_space<vmem>> -> memref<1x128xi32, #tpu.memory_space<vmem>>
          %dma_start3A_94 = tpu.memref_squeeze %dma_start3A_93 : memref<1x128xi32, #tpu.memory_space<vmem>> -> memref<128xi32, #tpu.memory_space<vmem>>
          %dma_start3A_95 = arith.constant 0 : i32
          %dma_start3A_96 = arith.constant 0 : i32
          %dma_start3A_97 = tpu.memref_slice %arg19[%dma_start3A_95, %dma_start3A_96] : memref<10240x128xf32, #tpu.memory_space<vmem_shared>> -> memref<10240x128xf32, #tpu.memory_space<vmem_shared>>
          tpu.enqueue_indirect_dma source(%arg17 : memref<128x128xf32, #tpu.memory_space<vmem>>) target(%dma_start3A_97 : memref<10240x128xf32, #tpu.memory_space<vmem_shared>>) offsets(%dma_start3A_94 : memref<128xi32, #tpu.memory_space<vmem>>) semaphore(%run_scoped3A : memref<!tpu.dma_semaphore, #tpu.memory_space<semaphore_mem>>) {add = true}
          %dma_wait3A_98 = arith.constant 0 : i32
          %dma_wait3A_99 = tpu.memref_slice %arg16[%scan3A_81, %dma_wait3A_98] : memref<40x128xi32, #tpu.memory_space<vmem>> -> memref<1x128xi32, #tpu.memory_space<vmem>>
          %dma_wait3A_100 = tpu.memref_squeeze %dma_wait3A_99 : memref<1x128xi32, #tpu.memory_space<vmem>> -> memref<128xi32, #tpu.memory_space<vmem>>
          %dma_wait3A_101 = arith.constant 0 : i32
          %dma_wait3A_102 = arith.constant 0 : i32
          %dma_wait3A_103 = tpu.memref_slice %arg19[%dma_wait3A_101, %dma_wait3A_102] : memref<10240x128xf32, #tpu.memory_space<vmem_shared>> -> memref<10240x128xf32, #tpu.memory_space<vmem_shared>>
          tpu.wait_indirect_dma semaphore(%run_scoped3A : memref<!tpu.dma_semaphore, #tpu.memory_space<semaphore_mem>>) src(%arg17 : memref<128x128xf32, #tpu.memory_space<vmem>>) dst(%dma_wait3A_103 : memref<10240x128xf32, #tpu.memory_space<vmem_shared>>)
          tpu.yield
        }) : () -> ()
      }
      %scan3A_80 = arith.constant 40 : i32
    } else {
    }
    %eq3A_6 = arith.constant 1 : i32
    %eq3A_7 = arith.cmpi eq, %arg0, %eq3A_6 : i32
    %convert_element_type3A_8 = arith.extui %eq3A_7 : i1 to i32
    %cond3A_9 = arith.constant 0 : i32
    %cond3A_10 = arith.cmpi ne, %convert_element_type3A_8, %cond3A_9 : i32
    scf.if %cond3A_10 {
      %scan3A = arith.constant 0 : i32
      %scan3A_76 = arith.constant 0 : i32
      %scan3A_77 = arith.constant 40 : i32
      %scan3A_78 = arith.addi %scan3A_76, %scan3A_77 : i32
      %scan3A_79 = arith.constant 1 : i32
      scf.for %scan3A_81 = %scan3A_76 to %scan3A_78 step %scan3A_79  : i32 {
        %dma_start3A = arith.constant 0 : i32
        %dma_start3A_82 = tpu.memref_slice %arg15[%scan3A_81, %dma_start3A] : memref<40x128xi32, #tpu.memory_space<vmem>> -> memref<1x128xi32, #tpu.memory_space<vmem>>
        %dma_start3A_83 = tpu.memref_squeeze %dma_start3A_82 : memref<1x128xi32, #tpu.memory_space<vmem>> -> memref<128xi32, #tpu.memory_space<vmem>>
        %dma_start3A_84 = arith.constant 0 : i32
        %dma_start3A_85 = arith.constant 0 : i32
        %dma_start3A_86 = tpu.memref_slice %arg4[%dma_start3A_84, %dma_start3A_85] : memref<10240x128xf32, #tpu.memory_space<hbm>> -> memref<10240x128xf32, #tpu.memory_space<hbm>>
        tpu.enqueue_indirect_dma source(%dma_start3A_86 : memref<10240x128xf32, #tpu.memory_space<hbm>>) target(%arg17 : memref<128x128xf32, #tpu.memory_space<vmem>>) offsets(%dma_start3A_83 : memref<128xi32, #tpu.memory_space<vmem>>) semaphore(%arg21 : memref<!tpu.dma_semaphore, #tpu.memory_space<semaphore_mem>>)
        %dma_wait3A = arith.constant 0 : i32
        %dma_wait3A_87 = tpu.memref_slice %arg15[%scan3A_81, %dma_wait3A] : memref<40x128xi32, #tpu.memory_space<vmem>> -> memref<1x128xi32, #tpu.memory_space<vmem>>
        %dma_wait3A_88 = tpu.memref_squeeze %dma_wait3A_87 : memref<1x128xi32, #tpu.memory_space<vmem>> -> memref<128xi32, #tpu.memory_space<vmem>>
        %dma_wait3A_89 = arith.constant 0 : i32
        %dma_wait3A_90 = arith.constant 0 : i32
        %dma_wait3A_91 = tpu.memref_slice %arg4[%dma_wait3A_89, %dma_wait3A_90] : memref<10240x128xf32, #tpu.memory_space<hbm>> -> memref<10240x128xf32, #tpu.memory_space<hbm>>
        tpu.wait_indirect_dma semaphore(%arg21 : memref<!tpu.dma_semaphore, #tpu.memory_space<semaphore_mem>>) src(%dma_wait3A_91 : memref<10240x128xf32, #tpu.memory_space<hbm>>) dst(%arg17 : memref<128x128xf32, #tpu.memory_space<vmem>>)
        "tpu.region"() ({
          %run_scoped3A = tpu.sem_alloc : memref<!tpu.dma_semaphore, #tpu.memory_space<semaphore_mem>>
          %dma_start3A_92 = arith.constant 0 : i32
          %dma_start3A_93 = tpu.memref_slice %arg16[%scan3A_81, %dma_start3A_92] : memref<40x128xi32, #tpu.memory_space<vmem>> -> memref<1x128xi32, #tpu.memory_space<vmem>>
          %dma_start3A_94 = tpu.memref_squeeze %dma_start3A_93 : memref<1x128xi32, #tpu.memory_space<vmem>> -> memref<128xi32, #tpu.memory_space<vmem>>
          %dma_start3A_95 = arith.constant 0 : i32
          %dma_start3A_96 = arith.constant 0 : i32
          %dma_start3A_97 = tpu.memref_slice %arg19[%dma_start3A_95, %dma_start3A_96] : memref<10240x128xf32, #tpu.memory_space<vmem_shared>> -> memref<10240x128xf32, #tpu.memory_space<vmem_shared>>
          tpu.enqueue_indirect_dma source(%arg17 : memref<128x128xf32, #tpu.memory_space<vmem>>) target(%dma_start3A_97 : memref<10240x128xf32, #tpu.memory_space<vmem_shared>>) offsets(%dma_start3A_94 : memref<128xi32, #tpu.memory_space<vmem>>) semaphore(%run_scoped3A : memref<!tpu.dma_semaphore, #tpu.memory_space<semaphore_mem>>) {add = true}
          %dma_wait3A_98 = arith.constant 0 : i32
          %dma_wait3A_99 = tpu.memref_slice %arg16[%scan3A_81, %dma_wait3A_98] : memref<40x128xi32, #tpu.memory_space<vmem>> -> memref<1x128xi32, #tpu.memory_space<vmem>>
          %dma_wait3A_100 = tpu.memref_squeeze %dma_wait3A_99 : memref<1x128xi32, #tpu.memory_space<vmem>> -> memref<128xi32, #tpu.memory_space<vmem>>
          %dma_wait3A_101 = arith.constant 0 : i32
          %dma_wait3A_102 = arith.constant 0 : i32
          %dma_wait3A_103 = tpu.memref_slice %arg19[%dma_wait3A_101, %dma_wait3A_102] : memref<10240x128xf32, #tpu.memory_space<vmem_shared>> -> memref<10240x128xf32, #tpu.memory_space<vmem_shared>>
          tpu.wait_indirect_dma semaphore(%run_scoped3A : memref<!tpu.dma_semaphore, #tpu.memory_space<semaphore_mem>>) src(%arg17 : memref<128x128xf32, #tpu.memory_space<vmem>>) dst(%dma_wait3A_103 : memref<10240x128xf32, #tpu.memory_space<vmem_shared>>)
          tpu.yield
        }) : () -> ()
      }
      %scan3A_80 = arith.constant 40 : i32
    } else {
    }
    %mul3A_11 = arith.constant 2 : i32
    %mul3A_12 = arith.muli %arg1, %mul3A_11 : i32
    %add3A_13 = arith.constant 1 : i32
    %add3A_14 = arith.addi %mul3A_12, %add3A_13 : i32
    "tpu.region"() ({
      %run_scoped3A = tpu.sem_alloc : memref<!tpu.dma_semaphore, #tpu.memory_space<semaphore_mem>>
      %dma_start3A = arith.constant 0 : i32
      %dma_start3A_76 = arith.constant 0 : i32
      %dma_start3A_77 = tpu.memref_slice %arg6[%add3A_14, %dma_start3A, %dma_start3A_76] : memref<32x40x128xi32, #tpu.memory_space<hbm>> -> memref<1x40x128xi32, #tpu.memory_space<hbm>>
      %dma_start3A_78 = tpu.memref_squeeze %dma_start3A_77 : memref<1x40x128xi32, #tpu.memory_space<hbm>> -> memref<40x128xi32, #tpu.memory_space<hbm>>
      %dma_start3A_79 = arith.constant 0 : i32
      %dma_start3A_80 = arith.constant 0 : i32
      %dma_start3A_81 = tpu.memref_slice %arg6[%add3A_14, %dma_start3A_79, %dma_start3A_80] : memref<32x40x128xi32, #tpu.memory_space<hbm>> -> memref<1x40x128xi32, #tpu.memory_space<hbm>>
      %dma_start3A_82 = tpu.memref_squeeze %dma_start3A_81 : memref<1x40x128xi32, #tpu.memory_space<hbm>> -> memref<40x128xi32, #tpu.memory_space<hbm>>
      tpu.enqueue_dma source(%dma_start3A_82 : memref<40x128xi32, #tpu.memory_space<hbm>>) target(%arg15 : memref<40x128xi32, #tpu.memory_space<vmem>>) target_semaphore(%run_scoped3A : memref<!tpu.dma_semaphore, #tpu.memory_space<semaphore_mem>>)
      %dma_wait3A = arith.constant 0 : i32
      %dma_wait3A_83 = arith.constant 0 : i32
      %dma_wait3A_84 = tpu.memref_slice %arg6[%add3A_14, %dma_wait3A, %dma_wait3A_83] : memref<32x40x128xi32, #tpu.memory_space<hbm>> -> memref<1x40x128xi32, #tpu.memory_space<hbm>>
      %dma_wait3A_85 = tpu.memref_squeeze %dma_wait3A_84 : memref<1x40x128xi32, #tpu.memory_space<hbm>> -> memref<40x128xi32, #tpu.memory_space<hbm>>
      %dma_wait3A_86 = arith.constant 0 : i32
      %dma_wait3A_87 = arith.constant 0 : i32
      %dma_wait3A_88 = tpu.memref_slice %arg6[%add3A_14, %dma_wait3A_86, %dma_wait3A_87] : memref<32x40x128xi32, #tpu.memory_space<hbm>> -> memref<1x40x128xi32, #tpu.memory_space<hbm>>
      %dma_wait3A_89 = tpu.memref_squeeze %dma_wait3A_88 : memref<1x40x128xi32, #tpu.memory_space<hbm>> -> memref<40x128xi32, #tpu.memory_space<hbm>>
      tpu.wait_dma2 semaphore(%run_scoped3A : memref<!tpu.dma_semaphore, #tpu.memory_space<semaphore_mem>>) src(%dma_wait3A_89 : memref<40x128xi32, #tpu.memory_space<hbm>>) dst(%arg15 : memref<40x128xi32, #tpu.memory_space<vmem>>)
      tpu.yield
    }) : () -> ()
    "tpu.region"() ({
      %run_scoped3A = tpu.sem_alloc : memref<!tpu.dma_semaphore, #tpu.memory_space<semaphore_mem>>
      %dma_start3A = arith.constant 0 : i32
      %dma_start3A_76 = arith.constant 0 : i32
      %dma_start3A_77 = tpu.memref_slice %arg7[%add3A_14, %dma_start3A, %dma_start3A_76] : memref<32x40x128xi32, #tpu.memory_space<hbm>> -> memref<1x40x128xi32, #tpu.memory_space<hbm>>
      %dma_start3A_78 = tpu.memref_squeeze %dma_start3A_77 : memref<1x40x128xi32, #tpu.memory_space<hbm>> -> memref<40x128xi32, #tpu.memory_space<hbm>>
      %dma_start3A_79 = arith.constant 0 : i32
      %dma_start3A_80 = arith.constant 0 : i32
      %dma_start3A_81 = tpu.memref_slice %arg7[%add3A_14, %dma_start3A_79, %dma_start3A_80] : memref<32x40x128xi32, #tpu.memory_space<hbm>> -> memref<1x40x128xi32, #tpu.memory_space<hbm>>
      %dma_start3A_82 = tpu.memref_squeeze %dma_start3A_81 : memref<1x40x128xi32, #tpu.memory_space<hbm>> -> memref<40x128xi32, #tpu.memory_space<hbm>>
      tpu.enqueue_dma source(%dma_start3A_82 : memref<40x128xi32, #tpu.memory_space<hbm>>) target(%arg16 : memref<40x128xi32, #tpu.memory_space<vmem>>) target_semaphore(%run_scoped3A : memref<!tpu.dma_semaphore, #tpu.memory_space<semaphore_mem>>)
      %dma_wait3A = arith.constant 0 : i32
      %dma_wait3A_83 = arith.constant 0 : i32
      %dma_wait3A_84 = tpu.memref_slice %arg7[%add3A_14, %dma_wait3A, %dma_wait3A_83] : memref<32x40x128xi32, #tpu.memory_space<hbm>> -> memref<1x40x128xi32, #tpu.memory_space<hbm>>
      %dma_wait3A_85 = tpu.memref_squeeze %dma_wait3A_84 : memref<1x40x128xi32, #tpu.memory_space<hbm>> -> memref<40x128xi32, #tpu.memory_space<hbm>>
      %dma_wait3A_86 = arith.constant 0 : i32
      %dma_wait3A_87 = arith.constant 0 : i32
      %dma_wait3A_88 = tpu.memref_slice %arg7[%add3A_14, %dma_wait3A_86, %dma_wait3A_87] : memref<32x40x128xi32, #tpu.memory_space<hbm>> -> memref<1x40x128xi32, #tpu.memory_space<hbm>>
      %dma_wait3A_89 = tpu.memref_squeeze %dma_wait3A_88 : memref<1x40x128xi32, #tpu.memory_space<hbm>> -> memref<40x128xi32, #tpu.memory_space<hbm>>
      tpu.wait_dma2 semaphore(%run_scoped3A : memref<!tpu.dma_semaphore, #tpu.memory_space<semaphore_mem>>) src(%dma_wait3A_89 : memref<40x128xi32, #tpu.memory_space<hbm>>) dst(%arg16 : memref<40x128xi32, #tpu.memory_space<vmem>>)
      tpu.yield
    }) : () -> ()
    %eq3A_15 = arith.constant 0 : i32
    %eq3A_16 = arith.cmpi eq, %arg0, %eq3A_15 : i32
    %convert_element_type3A_17 = arith.extui %eq3A_16 : i1 to i32
    %cond3A_18 = arith.constant 0 : i32
    %cond3A_19 = arith.cmpi ne, %convert_element_type3A_17, %cond3A_18 : i32
    scf.if %cond3A_19 {
      %scan3A = arith.constant 0 : i32
      %scan3A_76 = arith.constant 0 : i32
      %scan3A_77 = arith.constant 40 : i32
      %scan3A_78 = arith.addi %scan3A_76, %scan3A_77 : i32
      %scan3A_79 = arith.constant 1 : i32
      scf.for %scan3A_81 = %scan3A_76 to %scan3A_78 step %scan3A_79  : i32 {
        %dma_start3A = arith.constant 0 : i32
        %dma_start3A_82 = tpu.memref_slice %arg15[%scan3A_81, %dma_start3A] : memref<40x128xi32, #tpu.memory_space<vmem>> -> memref<1x128xi32, #tpu.memory_space<vmem>>
        %dma_start3A_83 = tpu.memref_squeeze %dma_start3A_82 : memref<1x128xi32, #tpu.memory_space<vmem>> -> memref<128xi32, #tpu.memory_space<vmem>>
        %dma_start3A_84 = arith.constant 0 : i32
        %dma_start3A_85 = arith.constant 0 : i32
        %dma_start3A_86 = tpu.memref_slice %arg2[%dma_start3A_84, %dma_start3A_85] : memref<10240x128xf32, #tpu.memory_space<hbm>> -> memref<10240x128xf32, #tpu.memory_space<hbm>>
        tpu.enqueue_indirect_dma source(%dma_start3A_86 : memref<10240x128xf32, #tpu.memory_space<hbm>>) target(%arg17 : memref<128x128xf32, #tpu.memory_space<vmem>>) offsets(%dma_start3A_83 : memref<128xi32, #tpu.memory_space<vmem>>) semaphore(%arg21 : memref<!tpu.dma_semaphore, #tpu.memory_space<semaphore_mem>>)
        %dma_wait3A = arith.constant 0 : i32
        %dma_wait3A_87 = tpu.memref_slice %arg15[%scan3A_81, %dma_wait3A] : memref<40x128xi32, #tpu.memory_space<vmem>> -> memref<1x128xi32, #tpu.memory_space<vmem>>
        %dma_wait3A_88 = tpu.memref_squeeze %dma_wait3A_87 : memref<1x128xi32, #tpu.memory_space<vmem>> -> memref<128xi32, #tpu.memory_space<vmem>>
        %dma_wait3A_89 = arith.constant 0 : i32
        %dma_wait3A_90 = arith.constant 0 : i32
        %dma_wait3A_91 = tpu.memref_slice %arg2[%dma_wait3A_89, %dma_wait3A_90] : memref<10240x128xf32, #tpu.memory_space<hbm>> -> memref<10240x128xf32, #tpu.memory_space<hbm>>
        tpu.wait_indirect_dma semaphore(%arg21 : memref<!tpu.dma_semaphore, #tpu.memory_space<semaphore_mem>>) src(%dma_wait3A_91 : memref<10240x128xf32, #tpu.memory_space<hbm>>) dst(%arg17 : memref<128x128xf32, #tpu.memory_space<vmem>>)
        "tpu.region"() ({
          %run_scoped3A = tpu.sem_alloc : memref<!tpu.dma_semaphore, #tpu.memory_space<semaphore_mem>>
          %dma_start3A_92 = arith.constant 0 : i32
          %dma_start3A_93 = tpu.memref_slice %arg16[%scan3A_81, %dma_start3A_92] : memref<40x128xi32, #tpu.memory_space<vmem>> -> memref<1x128xi32, #tpu.memory_space<vmem>>
          %dma_start3A_94 = tpu.memref_squeeze %dma_start3A_93 : memref<1x128xi32, #tpu.memory_space<vmem>> -> memref<128xi32, #tpu.memory_space<vmem>>
          %dma_start3A_95 = arith.constant 0 : i32
          %dma_start3A_96 = arith.constant 0 : i32
          %dma_start3A_97 = tpu.memref_slice %arg19[%dma_start3A_95, %dma_start3A_96] : memref<10240x128xf32, #tpu.memory_space<vmem_shared>> -> memref<10240x128xf32, #tpu.memory_space<vmem_shared>>
          tpu.enqueue_indirect_dma source(%arg17 : memref<128x128xf32, #tpu.memory_space<vmem>>) target(%dma_start3A_97 : memref<10240x128xf32, #tpu.memory_space<vmem_shared>>) offsets(%dma_start3A_94 : memref<128xi32, #tpu.memory_space<vmem>>) semaphore(%run_scoped3A : memref<!tpu.dma_semaphore, #tpu.memory_space<semaphore_mem>>) {add = true}
          %dma_wait3A_98 = arith.constant 0 : i32
          %dma_wait3A_99 = tpu.memref_slice %arg16[%scan3A_81, %dma_wait3A_98] : memref<40x128xi32, #tpu.memory_space<vmem>> -> memref<1x128xi32, #tpu.memory_space<vmem>>
          %dma_wait3A_100 = tpu.memref_squeeze %dma_wait3A_99 : memref<1x128xi32, #tpu.memory_space<vmem>> -> memref<128xi32, #tpu.memory_space<vmem>>
          %dma_wait3A_101 = arith.constant 0 : i32
          %dma_wait3A_102 = arith.constant 0 : i32
          %dma_wait3A_103 = tpu.memref_slice %arg19[%dma_wait3A_101, %dma_wait3A_102] : memref<10240x128xf32, #tpu.memory_space<vmem_shared>> -> memref<10240x128xf32, #tpu.memory_space<vmem_shared>>
          tpu.wait_indirect_dma semaphore(%run_scoped3A : memref<!tpu.dma_semaphore, #tpu.memory_space<semaphore_mem>>) src(%arg17 : memref<128x128xf32, #tpu.memory_space<vmem>>) dst(%dma_wait3A_103 : memref<10240x128xf32, #tpu.memory_space<vmem_shared>>)
          tpu.yield
        }) : () -> ()
      }
      %scan3A_80 = arith.constant 40 : i32
    } else {
    }
    %eq3A_20 = arith.constant 1 : i32
    %eq3A_21 = arith.cmpi eq, %arg0, %eq3A_20 : i32
    %convert_element_type3A_22 = arith.extui %eq3A_21 : i1 to i32
    %cond3A_23 = arith.constant 0 : i32
    %cond3A_24 = arith.cmpi ne, %convert_element_type3A_22, %cond3A_23 : i32
    scf.if %cond3A_24 {
      %scan3A = arith.constant 0 : i32
      %scan3A_76 = arith.constant 0 : i32
      %scan3A_77 = arith.constant 40 : i32
      %scan3A_78 = arith.addi %scan3A_76, %scan3A_77 : i32
      %scan3A_79 = arith.constant 1 : i32
      scf.for %scan3A_81 = %scan3A_76 to %scan3A_78 step %scan3A_79  : i32 {
        %dma_start3A = arith.constant 0 : i32
        %dma_start3A_82 = tpu.memref_slice %arg15[%scan3A_81, %dma_start3A] : memref<40x128xi32, #tpu.memory_space<vmem>> -> memref<1x128xi32, #tpu.memory_space<vmem>>
        %dma_start3A_83 = tpu.memref_squeeze %dma_start3A_82 : memref<1x128xi32, #tpu.memory_space<vmem>> -> memref<128xi32, #tpu.memory_space<vmem>>
        %dma_start3A_84 = arith.constant 0 : i32
        %dma_start3A_85 = arith.constant 0 : i32
        %dma_start3A_86 = tpu.memref_slice %arg4[%dma_start3A_84, %dma_start3A_85] : memref<10240x128xf32, #tpu.memory_space<hbm>> -> memref<10240x128xf32, #tpu.memory_space<hbm>>
        tpu.enqueue_indirect_dma source(%dma_start3A_86 : memref<10240x128xf32, #tpu.memory_space<hbm>>) target(%arg17 : memref<128x128xf32, #tpu.memory_space<vmem>>) offsets(%dma_start3A_83 : memref<128xi32, #tpu.memory_space<vmem>>) semaphore(%arg21 : memref<!tpu.dma_semaphore, #tpu.memory_space<semaphore_mem>>)
        %dma_wait3A = arith.constant 0 : i32
        %dma_wait3A_87 = tpu.memref_slice %arg15[%scan3A_81, %dma_wait3A] : memref<40x128xi32, #tpu.memory_space<vmem>> -> memref<1x128xi32, #tpu.memory_space<vmem>>
        %dma_wait3A_88 = tpu.memref_squeeze %dma_wait3A_87 : memref<1x128xi32, #tpu.memory_space<vmem>> -> memref<128xi32, #tpu.memory_space<vmem>>
        %dma_wait3A_89 = arith.constant 0 : i32
        %dma_wait3A_90 = arith.constant 0 : i32
        %dma_wait3A_91 = tpu.memref_slice %arg4[%dma_wait3A_89, %dma_wait3A_90] : memref<10240x128xf32, #tpu.memory_space<hbm>> -> memref<10240x128xf32, #tpu.memory_space<hbm>>
        tpu.wait_indirect_dma semaphore(%arg21 : memref<!tpu.dma_semaphore, #tpu.memory_space<semaphore_mem>>) src(%dma_wait3A_91 : memref<10240x128xf32, #tpu.memory_space<hbm>>) dst(%arg17 : memref<128x128xf32, #tpu.memory_space<vmem>>)
        "tpu.region"() ({
          %run_scoped3A = tpu.sem_alloc : memref<!tpu.dma_semaphore, #tpu.memory_space<semaphore_mem>>
          %dma_start3A_92 = arith.constant 0 : i32
          %dma_start3A_93 = tpu.memref_slice %arg16[%scan3A_81, %dma_start3A_92] : memref<40x128xi32, #tpu.memory_space<vmem>> -> memref<1x128xi32, #tpu.memory_space<vmem>>
          %dma_start3A_94 = tpu.memref_squeeze %dma_start3A_93 : memref<1x128xi32, #tpu.memory_space<vmem>> -> memref<128xi32, #tpu.memory_space<vmem>>
          %dma_start3A_95 = arith.constant 0 : i32
          %dma_start3A_96 = arith.constant 0 : i32
          %dma_start3A_97 = tpu.memref_slice %arg19[%dma_start3A_95, %dma_start3A_96] : memref<10240x128xf32, #tpu.memory_space<vmem_shared>> -> memref<10240x128xf32, #tpu.memory_space<vmem_shared>>
          tpu.enqueue_indirect_dma source(%arg17 : memref<128x128xf32, #tpu.memory_space<vmem>>) target(%dma_start3A_97 : memref<10240x128xf32, #tpu.memory_space<vmem_shared>>) offsets(%dma_start3A_94 : memref<128xi32, #tpu.memory_space<vmem>>) semaphore(%run_scoped3A : memref<!tpu.dma_semaphore, #tpu.memory_space<semaphore_mem>>) {add = true}
          %dma_wait3A_98 = arith.constant 0 : i32
          %dma_wait3A_99 = tpu.memref_slice %arg16[%scan3A_81, %dma_wait3A_98] : memref<40x128xi32, #tpu.memory_space<vmem>> -> memref<1x128xi32, #tpu.memory_space<vmem>>
          %dma_wait3A_100 = tpu.memref_squeeze %dma_wait3A_99 : memref<1x128xi32, #tpu.memory_space<vmem>> -> memref<128xi32, #tpu.memory_space<vmem>>
          %dma_wait3A_101 = arith.constant 0 : i32
          %dma_wait3A_102 = arith.constant 0 : i32
          %dma_wait3A_103 = tpu.memref_slice %arg19[%dma_wait3A_101, %dma_wait3A_102] : memref<10240x128xf32, #tpu.memory_space<vmem_shared>> -> memref<10240x128xf32, #tpu.memory_space<vmem_shared>>
          tpu.wait_indirect_dma semaphore(%run_scoped3A : memref<!tpu.dma_semaphore, #tpu.memory_space<semaphore_mem>>) src(%arg17 : memref<128x128xf32, #tpu.memory_space<vmem>>) dst(%dma_wait3A_103 : memref<10240x128xf32, #tpu.memory_space<vmem_shared>>)
          tpu.yield
        }) : () -> ()
      }
      %scan3A_80 = arith.constant 40 : i32
    } else {
    }
    %barrier3A_25 = arith.constant 0 : index
    tpu.barrier barrier_id(%barrier3A_25)
    %eq3A_26 = arith.constant 0 : i32
    %eq3A_27 = arith.cmpi eq, %arg0, %eq3A_26 : i32
    %convert_element_type3A_28 = arith.extui %eq3A_27 : i1 to i32
    %cond3A_29 = arith.constant 0 : i32
    %cond3A_30 = arith.cmpi ne, %convert_element_type3A_28, %cond3A_29 : i32
    scf.if %cond3A_30 {
      "tpu.region"() ({
        %run_scoped3A = tpu.sem_alloc : memref<!tpu.dma_semaphore, #tpu.memory_space<semaphore_mem>>
        %dma_start3A = arith.constant 0 : i32
        %dma_start3A_76 = tpu.memref_slice %arg11[%mul3A_0, %dma_start3A] : memref<10240x128xf32, #tpu.memory_space<hbm>> -> memref<640x128xf32, #tpu.memory_space<hbm>>
        %dma_start3A_77 = arith.constant 0 : i32
        %dma_start3A_78 = tpu.memref_slice %arg19[%mul3A_0, %dma_start3A_77] : memref<10240x128xf32, #tpu.memory_space<vmem_shared>> -> memref<640x128xf32, #tpu.memory_space<vmem_shared>>
        tpu.enqueue_dma source(%dma_start3A_78 : memref<640x128xf32, #tpu.memory_space<vmem_shared>>) target(%dma_start3A_76 : memref<640x128xf32, #tpu.memory_space<hbm>>) target_semaphore(%run_scoped3A : memref<!tpu.dma_semaphore, #tpu.memory_space<semaphore_mem>>)
        %dma_wait3A = arith.constant 0 : i32
        %dma_wait3A_79 = tpu.memref_slice %arg11[%mul3A_0, %dma_wait3A] : memref<10240x128xf32, #tpu.memory_space<hbm>> -> memref<640x128xf32, #tpu.memory_space<hbm>>
        %dma_wait3A_80 = arith.constant 0 : i32
        %dma_wait3A_81 = tpu.memref_slice %arg19[%mul3A_0, %dma_wait3A_80] : memref<10240x128xf32, #tpu.memory_space<vmem_shared>> -> memref<640x128xf32, #tpu.memory_space<vmem_shared>>
        tpu.wait_dma2 semaphore(%run_scoped3A : memref<!tpu.dma_semaphore, #tpu.memory_space<semaphore_mem>>) src(%dma_wait3A_81 : memref<640x128xf32, #tpu.memory_space<vmem_shared>>) dst(%dma_wait3A_79 : memref<640x128xf32, #tpu.memory_space<hbm>>)
        tpu.yield
      }) : () -> ()
    } else {
    }
    %eq3A_31 = arith.constant 1 : i32
    %eq3A_32 = arith.cmpi eq, %arg0, %eq3A_31 : i32
    %convert_element_type3A_33 = arith.extui %eq3A_32 : i1 to i32
    %cond3A_34 = arith.constant 0 : i32
    %cond3A_35 = arith.cmpi ne, %convert_element_type3A_33, %cond3A_34 : i32
    scf.if %cond3A_35 {
      "tpu.region"() ({
        %run_scoped3A = tpu.sem_alloc : memref<!tpu.dma_semaphore, #tpu.memory_space<semaphore_mem>>
        %dma_start3A = arith.constant 0 : i32
        %dma_start3A_76 = tpu.memref_slice %arg13[%mul3A_0, %dma_start3A] : memref<10240x128xf32, #tpu.memory_space<hbm>> -> memref<640x128xf32, #tpu.memory_space<hbm>>
        %dma_start3A_77 = arith.constant 0 : i32
        %dma_start3A_78 = tpu.memref_slice %arg19[%mul3A_0, %dma_start3A_77] : memref<10240x128xf32, #tpu.memory_space<vmem_shared>> -> memref<640x128xf32, #tpu.memory_space<vmem_shared>>
        tpu.enqueue_dma source(%dma_start3A_78 : memref<640x128xf32, #tpu.memory_space<vmem_shared>>) target(%dma_start3A_76 : memref<640x128xf32, #tpu.memory_space<hbm>>) target_semaphore(%run_scoped3A : memref<!tpu.dma_semaphore, #tpu.memory_space<semaphore_mem>>)
        %dma_wait3A = arith.constant 0 : i32
        %dma_wait3A_79 = tpu.memref_slice %arg13[%mul3A_0, %dma_wait3A] : memref<10240x128xf32, #tpu.memory_space<hbm>> -> memref<640x128xf32, #tpu.memory_space<hbm>>
        %dma_wait3A_80 = arith.constant 0 : i32
        %dma_wait3A_81 = tpu.memref_slice %arg19[%mul3A_0, %dma_wait3A_80] : memref<10240x128xf32, #tpu.memory_space<vmem_shared>> -> memref<640x128xf32, #tpu.memory_space<vmem_shared>>
        tpu.wait_dma2 semaphore(%run_scoped3A : memref<!tpu.dma_semaphore, #tpu.memory_space<semaphore_mem>>) src(%dma_wait3A_81 : memref<640x128xf32, #tpu.memory_space<vmem_shared>>) dst(%dma_wait3A_79 : memref<640x128xf32, #tpu.memory_space<hbm>>)
        tpu.yield
      }) : () -> ()
    } else {
    }
    "tpu.region"() ({
      %run_scoped3A = tpu.sem_alloc : memref<!tpu.dma_semaphore, #tpu.memory_space<semaphore_mem>>
      %dma_start3A = arith.constant 0 : i32
      %dma_start3A_76 = tpu.memref_slice %arg19[%mul3A_0, %dma_start3A] : memref<10240x128xf32, #tpu.memory_space<vmem_shared>> -> memref<640x128xf32, #tpu.memory_space<vmem_shared>>
      tpu.enqueue_dma source(%arg8 : memref<640x128xf32, #tpu.memory_space<hbm>>) target(%dma_start3A_76 : memref<640x128xf32, #tpu.memory_space<vmem_shared>>) target_semaphore(%run_scoped3A : memref<!tpu.dma_semaphore, #tpu.memory_space<semaphore_mem>>)
      %dma_wait3A = arith.constant 0 : i32
      %dma_wait3A_77 = tpu.memref_slice %arg19[%mul3A_0, %dma_wait3A] : memref<10240x128xf32, #tpu.memory_space<vmem_shared>> -> memref<640x128xf32, #tpu.memory_space<vmem_shared>>
      tpu.wait_dma2 semaphore(%run_scoped3A : memref<!tpu.dma_semaphore, #tpu.memory_space<semaphore_mem>>) src(%arg8 : memref<640x128xf32, #tpu.memory_space<hbm>>) dst(%dma_wait3A_77 : memref<640x128xf32, #tpu.memory_space<vmem_shared>>)
      tpu.yield
    }) : () -> ()
    %barrier3A_36 = arith.constant 0 : index
    tpu.barrier barrier_id(%barrier3A_36)
    %mul3A_37 = arith.constant 2 : i32
    %mul3A_38 = arith.muli %arg1, %mul3A_37 : i32
    %add3A_39 = arith.constant 0 : i32
    %add3A_40 = arith.addi %mul3A_38, %add3A_39 : i32
    "tpu.region"() ({
      %run_scoped3A = tpu.sem_alloc : memref<!tpu.dma_semaphore, #tpu.memory_space<semaphore_mem>>
      %dma_start3A = arith.constant 0 : i32
      %dma_start3A_76 = arith.constant 0 : i32
      %dma_start3A_77 = tpu.memref_slice %arg6[%add3A_40, %dma_start3A, %dma_start3A_76] : memref<32x40x128xi32, #tpu.memory_space<hbm>> -> memref<1x40x128xi32, #tpu.memory_space<hbm>>
      %dma_start3A_78 = tpu.memref_squeeze %dma_start3A_77 : memref<1x40x128xi32, #tpu.memory_space<hbm>> -> memref<40x128xi32, #tpu.memory_space<hbm>>
      %dma_start3A_79 = arith.constant 0 : i32
      %dma_start3A_80 = arith.constant 0 : i32
      %dma_start3A_81 = tpu.memref_slice %arg6[%add3A_40, %dma_start3A_79, %dma_start3A_80] : memref<32x40x128xi32, #tpu.memory_space<hbm>> -> memref<1x40x128xi32, #tpu.memory_space<hbm>>
      %dma_start3A_82 = tpu.memref_squeeze %dma_start3A_81 : memref<1x40x128xi32, #tpu.memory_space<hbm>> -> memref<40x128xi32, #tpu.memory_space<hbm>>
      tpu.enqueue_dma source(%dma_start3A_82 : memref<40x128xi32, #tpu.memory_space<hbm>>) target(%arg15 : memref<40x128xi32, #tpu.memory_space<vmem>>) target_semaphore(%run_scoped3A : memref<!tpu.dma_semaphore, #tpu.memory_space<semaphore_mem>>)
      %dma_wait3A = arith.constant 0 : i32
      %dma_wait3A_83 = arith.constant 0 : i32
      %dma_wait3A_84 = tpu.memref_slice %arg6[%add3A_40, %dma_wait3A, %dma_wait3A_83] : memref<32x40x128xi32, #tpu.memory_space<hbm>> -> memref<1x40x128xi32, #tpu.memory_space<hbm>>
      %dma_wait3A_85 = tpu.memref_squeeze %dma_wait3A_84 : memref<1x40x128xi32, #tpu.memory_space<hbm>> -> memref<40x128xi32, #tpu.memory_space<hbm>>
      %dma_wait3A_86 = arith.constant 0 : i32
      %dma_wait3A_87 = arith.constant 0 : i32
      %dma_wait3A_88 = tpu.memref_slice %arg6[%add3A_40, %dma_wait3A_86, %dma_wait3A_87] : memref<32x40x128xi32, #tpu.memory_space<hbm>> -> memref<1x40x128xi32, #tpu.memory_space<hbm>>
      %dma_wait3A_89 = tpu.memref_squeeze %dma_wait3A_88 : memref<1x40x128xi32, #tpu.memory_space<hbm>> -> memref<40x128xi32, #tpu.memory_space<hbm>>
      tpu.wait_dma2 semaphore(%run_scoped3A : memref<!tpu.dma_semaphore, #tpu.memory_space<semaphore_mem>>) src(%dma_wait3A_89 : memref<40x128xi32, #tpu.memory_space<hbm>>) dst(%arg15 : memref<40x128xi32, #tpu.memory_space<vmem>>)
      tpu.yield
    }) : () -> ()
    "tpu.region"() ({
      %run_scoped3A = tpu.sem_alloc : memref<!tpu.dma_semaphore, #tpu.memory_space<semaphore_mem>>
      %dma_start3A = arith.constant 0 : i32
      %dma_start3A_76 = arith.constant 0 : i32
      %dma_start3A_77 = tpu.memref_slice %arg7[%add3A_40, %dma_start3A, %dma_start3A_76] : memref<32x40x128xi32, #tpu.memory_space<hbm>> -> memref<1x40x128xi32, #tpu.memory_space<hbm>>
      %dma_start3A_78 = tpu.memref_squeeze %dma_start3A_77 : memref<1x40x128xi32, #tpu.memory_space<hbm>> -> memref<40x128xi32, #tpu.memory_space<hbm>>
      %dma_start3A_79 = arith.constant 0 : i32
      %dma_start3A_80 = arith.constant 0 : i32
      %dma_start3A_81 = tpu.memref_slice %arg7[%add3A_40, %dma_start3A_79, %dma_start3A_80] : memref<32x40x128xi32, #tpu.memory_space<hbm>> -> memref<1x40x128xi32, #tpu.memory_space<hbm>>
      %dma_start3A_82 = tpu.memref_squeeze %dma_start3A_81 : memref<1x40x128xi32, #tpu.memory_space<hbm>> -> memref<40x128xi32, #tpu.memory_space<hbm>>
      tpu.enqueue_dma source(%dma_start3A_82 : memref<40x128xi32, #tpu.memory_space<hbm>>) target(%arg16 : memref<40x128xi32, #tpu.memory_space<vmem>>) target_semaphore(%run_scoped3A : memref<!tpu.dma_semaphore, #tpu.memory_space<semaphore_mem>>)
      %dma_wait3A = arith.constant 0 : i32
      %dma_wait3A_83 = arith.constant 0 : i32
      %dma_wait3A_84 = tpu.memref_slice %arg7[%add3A_40, %dma_wait3A, %dma_wait3A_83] : memref<32x40x128xi32, #tpu.memory_space<hbm>> -> memref<1x40x128xi32, #tpu.memory_space<hbm>>
      %dma_wait3A_85 = tpu.memref_squeeze %dma_wait3A_84 : memref<1x40x128xi32, #tpu.memory_space<hbm>> -> memref<40x128xi32, #tpu.memory_space<hbm>>
      %dma_wait3A_86 = arith.constant 0 : i32
      %dma_wait3A_87 = arith.constant 0 : i32
      %dma_wait3A_88 = tpu.memref_slice %arg7[%add3A_40, %dma_wait3A_86, %dma_wait3A_87] : memref<32x40x128xi32, #tpu.memory_space<hbm>> -> memref<1x40x128xi32, #tpu.memory_space<hbm>>
      %dma_wait3A_89 = tpu.memref_squeeze %dma_wait3A_88 : memref<1x40x128xi32, #tpu.memory_space<hbm>> -> memref<40x128xi32, #tpu.memory_space<hbm>>
      tpu.wait_dma2 semaphore(%run_scoped3A : memref<!tpu.dma_semaphore, #tpu.memory_space<semaphore_mem>>) src(%dma_wait3A_89 : memref<40x128xi32, #tpu.memory_space<hbm>>) dst(%arg16 : memref<40x128xi32, #tpu.memory_space<vmem>>)
      tpu.yield
    }) : () -> ()
    %eq3A_41 = arith.constant 0 : i32
    %eq3A_42 = arith.cmpi eq, %arg0, %eq3A_41 : i32
    %convert_element_type3A_43 = arith.extui %eq3A_42 : i1 to i32
    %cond3A_44 = arith.constant 0 : i32
    %cond3A_45 = arith.cmpi ne, %convert_element_type3A_43, %cond3A_44 : i32
    scf.if %cond3A_45 {
      %scan3A = arith.constant 0 : i32
      %scan3A_76 = arith.constant 0 : i32
      %scan3A_77 = arith.constant 40 : i32
      %scan3A_78 = arith.addi %scan3A_76, %scan3A_77 : i32
      %scan3A_79 = arith.constant 1 : i32
      scf.for %scan3A_81 = %scan3A_76 to %scan3A_78 step %scan3A_79  : i32 {
        %dma_start3A = arith.constant 0 : i32
        %dma_start3A_82 = tpu.memref_slice %arg15[%scan3A_81, %dma_start3A] : memref<40x128xi32, #tpu.memory_space<vmem>> -> memref<1x128xi32, #tpu.memory_space<vmem>>
        %dma_start3A_83 = tpu.memref_squeeze %dma_start3A_82 : memref<1x128xi32, #tpu.memory_space<vmem>> -> memref<128xi32, #tpu.memory_space<vmem>>
        %dma_start3A_84 = arith.constant 0 : i32
        %dma_start3A_85 = arith.constant 0 : i32
        %dma_start3A_86 = tpu.memref_slice %arg3[%dma_start3A_84, %dma_start3A_85] : memref<10240x128xf32, #tpu.memory_space<hbm>> -> memref<10240x128xf32, #tpu.memory_space<hbm>>
        tpu.enqueue_indirect_dma source(%dma_start3A_86 : memref<10240x128xf32, #tpu.memory_space<hbm>>) target(%arg17 : memref<128x128xf32, #tpu.memory_space<vmem>>) offsets(%dma_start3A_83 : memref<128xi32, #tpu.memory_space<vmem>>) semaphore(%arg21 : memref<!tpu.dma_semaphore, #tpu.memory_space<semaphore_mem>>)
        %dma_wait3A = arith.constant 0 : i32
        %dma_wait3A_87 = tpu.memref_slice %arg15[%scan3A_81, %dma_wait3A] : memref<40x128xi32, #tpu.memory_space<vmem>> -> memref<1x128xi32, #tpu.memory_space<vmem>>
        %dma_wait3A_88 = tpu.memref_squeeze %dma_wait3A_87 : memref<1x128xi32, #tpu.memory_space<vmem>> -> memref<128xi32, #tpu.memory_space<vmem>>
        %dma_wait3A_89 = arith.constant 0 : i32
        %dma_wait3A_90 = arith.constant 0 : i32
        %dma_wait3A_91 = tpu.memref_slice %arg3[%dma_wait3A_89, %dma_wait3A_90] : memref<10240x128xf32, #tpu.memory_space<hbm>> -> memref<10240x128xf32, #tpu.memory_space<hbm>>
        tpu.wait_indirect_dma semaphore(%arg21 : memref<!tpu.dma_semaphore, #tpu.memory_space<semaphore_mem>>) src(%dma_wait3A_91 : memref<10240x128xf32, #tpu.memory_space<hbm>>) dst(%arg17 : memref<128x128xf32, #tpu.memory_space<vmem>>)
        "tpu.region"() ({
          %run_scoped3A = tpu.sem_alloc : memref<!tpu.dma_semaphore, #tpu.memory_space<semaphore_mem>>
          %dma_start3A_92 = arith.constant 0 : i32
          %dma_start3A_93 = tpu.memref_slice %arg16[%scan3A_81, %dma_start3A_92] : memref<40x128xi32, #tpu.memory_space<vmem>> -> memref<1x128xi32, #tpu.memory_space<vmem>>
          %dma_start3A_94 = tpu.memref_squeeze %dma_start3A_93 : memref<1x128xi32, #tpu.memory_space<vmem>> -> memref<128xi32, #tpu.memory_space<vmem>>
          %dma_start3A_95 = arith.constant 0 : i32
          %dma_start3A_96 = arith.constant 0 : i32
          %dma_start3A_97 = tpu.memref_slice %arg19[%dma_start3A_95, %dma_start3A_96] : memref<10240x128xf32, #tpu.memory_space<vmem_shared>> -> memref<10240x128xf32, #tpu.memory_space<vmem_shared>>
          tpu.enqueue_indirect_dma source(%arg17 : memref<128x128xf32, #tpu.memory_space<vmem>>) target(%dma_start3A_97 : memref<10240x128xf32, #tpu.memory_space<vmem_shared>>) offsets(%dma_start3A_94 : memref<128xi32, #tpu.memory_space<vmem>>) semaphore(%run_scoped3A : memref<!tpu.dma_semaphore, #tpu.memory_space<semaphore_mem>>) {add = true}
          %dma_wait3A_98 = arith.constant 0 : i32
          %dma_wait3A_99 = tpu.memref_slice %arg16[%scan3A_81, %dma_wait3A_98] : memref<40x128xi32, #tpu.memory_space<vmem>> -> memref<1x128xi32, #tpu.memory_space<vmem>>
          %dma_wait3A_100 = tpu.memref_squeeze %dma_wait3A_99 : memref<1x128xi32, #tpu.memory_space<vmem>> -> memref<128xi32, #tpu.memory_space<vmem>>
          %dma_wait3A_101 = arith.constant 0 : i32
          %dma_wait3A_102 = arith.constant 0 : i32
          %dma_wait3A_103 = tpu.memref_slice %arg19[%dma_wait3A_101, %dma_wait3A_102] : memref<10240x128xf32, #tpu.memory_space<vmem_shared>> -> memref<10240x128xf32, #tpu.memory_space<vmem_shared>>
          tpu.wait_indirect_dma semaphore(%run_scoped3A : memref<!tpu.dma_semaphore, #tpu.memory_space<semaphore_mem>>) src(%arg17 : memref<128x128xf32, #tpu.memory_space<vmem>>) dst(%dma_wait3A_103 : memref<10240x128xf32, #tpu.memory_space<vmem_shared>>)
          tpu.yield
        }) : () -> ()
      }
      %scan3A_80 = arith.constant 40 : i32
    } else {
    }
    %eq3A_46 = arith.constant 1 : i32
    %eq3A_47 = arith.cmpi eq, %arg0, %eq3A_46 : i32
    %convert_element_type3A_48 = arith.extui %eq3A_47 : i1 to i32
    %cond3A_49 = arith.constant 0 : i32
    %cond3A_50 = arith.cmpi ne, %convert_element_type3A_48, %cond3A_49 : i32
    scf.if %cond3A_50 {
      %scan3A = arith.constant 0 : i32
      %scan3A_76 = arith.constant 0 : i32
      %scan3A_77 = arith.constant 40 : i32
      %scan3A_78 = arith.addi %scan3A_76, %scan3A_77 : i32
      %scan3A_79 = arith.constant 1 : i32
      scf.for %scan3A_81 = %scan3A_76 to %scan3A_78 step %scan3A_79  : i32 {
        %dma_start3A = arith.constant 0 : i32
        %dma_start3A_82 = tpu.memref_slice %arg15[%scan3A_81, %dma_start3A] : memref<40x128xi32, #tpu.memory_space<vmem>> -> memref<1x128xi32, #tpu.memory_space<vmem>>
        %dma_start3A_83 = tpu.memref_squeeze %dma_start3A_82 : memref<1x128xi32, #tpu.memory_space<vmem>> -> memref<128xi32, #tpu.memory_space<vmem>>
        %dma_start3A_84 = arith.constant 0 : i32
        %dma_start3A_85 = arith.constant 0 : i32
        %dma_start3A_86 = tpu.memref_slice %arg5[%dma_start3A_84, %dma_start3A_85] : memref<10240x128xf32, #tpu.memory_space<hbm>> -> memref<10240x128xf32, #tpu.memory_space<hbm>>
        tpu.enqueue_indirect_dma source(%dma_start3A_86 : memref<10240x128xf32, #tpu.memory_space<hbm>>) target(%arg17 : memref<128x128xf32, #tpu.memory_space<vmem>>) offsets(%dma_start3A_83 : memref<128xi32, #tpu.memory_space<vmem>>) semaphore(%arg21 : memref<!tpu.dma_semaphore, #tpu.memory_space<semaphore_mem>>)
        %dma_wait3A = arith.constant 0 : i32
        %dma_wait3A_87 = tpu.memref_slice %arg15[%scan3A_81, %dma_wait3A] : memref<40x128xi32, #tpu.memory_space<vmem>> -> memref<1x128xi32, #tpu.memory_space<vmem>>
        %dma_wait3A_88 = tpu.memref_squeeze %dma_wait3A_87 : memref<1x128xi32, #tpu.memory_space<vmem>> -> memref<128xi32, #tpu.memory_space<vmem>>
        %dma_wait3A_89 = arith.constant 0 : i32
        %dma_wait3A_90 = arith.constant 0 : i32
        %dma_wait3A_91 = tpu.memref_slice %arg5[%dma_wait3A_89, %dma_wait3A_90] : memref<10240x128xf32, #tpu.memory_space<hbm>> -> memref<10240x128xf32, #tpu.memory_space<hbm>>
        tpu.wait_indirect_dma semaphore(%arg21 : memref<!tpu.dma_semaphore, #tpu.memory_space<semaphore_mem>>) src(%dma_wait3A_91 : memref<10240x128xf32, #tpu.memory_space<hbm>>) dst(%arg17 : memref<128x128xf32, #tpu.memory_space<vmem>>)
        "tpu.region"() ({
          %run_scoped3A = tpu.sem_alloc : memref<!tpu.dma_semaphore, #tpu.memory_space<semaphore_mem>>
          %dma_start3A_92 = arith.constant 0 : i32
          %dma_start3A_93 = tpu.memref_slice %arg16[%scan3A_81, %dma_start3A_92] : memref<40x128xi32, #tpu.memory_space<vmem>> -> memref<1x128xi32, #tpu.memory_space<vmem>>
          %dma_start3A_94 = tpu.memref_squeeze %dma_start3A_93 : memref<1x128xi32, #tpu.memory_space<vmem>> -> memref<128xi32, #tpu.memory_space<vmem>>
          %dma_start3A_95 = arith.constant 0 : i32
          %dma_start3A_96 = arith.constant 0 : i32
          %dma_start3A_97 = tpu.memref_slice %arg19[%dma_start3A_95, %dma_start3A_96] : memref<10240x128xf32, #tpu.memory_space<vmem_shared>> -> memref<10240x128xf32, #tpu.memory_space<vmem_shared>>
          tpu.enqueue_indirect_dma source(%arg17 : memref<128x128xf32, #tpu.memory_space<vmem>>) target(%dma_start3A_97 : memref<10240x128xf32, #tpu.memory_space<vmem_shared>>) offsets(%dma_start3A_94 : memref<128xi32, #tpu.memory_space<vmem>>) semaphore(%run_scoped3A : memref<!tpu.dma_semaphore, #tpu.memory_space<semaphore_mem>>) {add = true}
          %dma_wait3A_98 = arith.constant 0 : i32
          %dma_wait3A_99 = tpu.memref_slice %arg16[%scan3A_81, %dma_wait3A_98] : memref<40x128xi32, #tpu.memory_space<vmem>> -> memref<1x128xi32, #tpu.memory_space<vmem>>
          %dma_wait3A_100 = tpu.memref_squeeze %dma_wait3A_99 : memref<1x128xi32, #tpu.memory_space<vmem>> -> memref<128xi32, #tpu.memory_space<vmem>>
          %dma_wait3A_101 = arith.constant 0 : i32
          %dma_wait3A_102 = arith.constant 0 : i32
          %dma_wait3A_103 = tpu.memref_slice %arg19[%dma_wait3A_101, %dma_wait3A_102] : memref<10240x128xf32, #tpu.memory_space<vmem_shared>> -> memref<10240x128xf32, #tpu.memory_space<vmem_shared>>
          tpu.wait_indirect_dma semaphore(%run_scoped3A : memref<!tpu.dma_semaphore, #tpu.memory_space<semaphore_mem>>) src(%arg17 : memref<128x128xf32, #tpu.memory_space<vmem>>) dst(%dma_wait3A_103 : memref<10240x128xf32, #tpu.memory_space<vmem_shared>>)
          tpu.yield
        }) : () -> ()
      }
      %scan3A_80 = arith.constant 40 : i32
    } else {
    }
    %mul3A_51 = arith.constant 2 : i32
    %mul3A_52 = arith.muli %arg1, %mul3A_51 : i32
    %add3A_53 = arith.constant 1 : i32
    %add3A_54 = arith.addi %mul3A_52, %add3A_53 : i32
    "tpu.region"() ({
      %run_scoped3A = tpu.sem_alloc : memref<!tpu.dma_semaphore, #tpu.memory_space<semaphore_mem>>
      %dma_start3A = arith.constant 0 : i32
      %dma_start3A_76 = arith.constant 0 : i32
      %dma_start3A_77 = tpu.memref_slice %arg6[%add3A_54, %dma_start3A, %dma_start3A_76] : memref<32x40x128xi32, #tpu.memory_space<hbm>> -> memref<1x40x128xi32, #tpu.memory_space<hbm>>
      %dma_start3A_78 = tpu.memref_squeeze %dma_start3A_77 : memref<1x40x128xi32, #tpu.memory_space<hbm>> -> memref<40x128xi32, #tpu.memory_space<hbm>>
      %dma_start3A_79 = arith.constant 0 : i32
      %dma_start3A_80 = arith.constant 0 : i32
      %dma_start3A_81 = tpu.memref_slice %arg6[%add3A_54, %dma_start3A_79, %dma_start3A_80] : memref<32x40x128xi32, #tpu.memory_space<hbm>> -> memref<1x40x128xi32, #tpu.memory_space<hbm>>
      %dma_start3A_82 = tpu.memref_squeeze %dma_start3A_81 : memref<1x40x128xi32, #tpu.memory_space<hbm>> -> memref<40x128xi32, #tpu.memory_space<hbm>>
      tpu.enqueue_dma source(%dma_start3A_82 : memref<40x128xi32, #tpu.memory_space<hbm>>) target(%arg15 : memref<40x128xi32, #tpu.memory_space<vmem>>) target_semaphore(%run_scoped3A : memref<!tpu.dma_semaphore, #tpu.memory_space<semaphore_mem>>)
      %dma_wait3A = arith.constant 0 : i32
      %dma_wait3A_83 = arith.constant 0 : i32
      %dma_wait3A_84 = tpu.memref_slice %arg6[%add3A_54, %dma_wait3A, %dma_wait3A_83] : memref<32x40x128xi32, #tpu.memory_space<hbm>> -> memref<1x40x128xi32, #tpu.memory_space<hbm>>
      %dma_wait3A_85 = tpu.memref_squeeze %dma_wait3A_84 : memref<1x40x128xi32, #tpu.memory_space<hbm>> -> memref<40x128xi32, #tpu.memory_space<hbm>>
      %dma_wait3A_86 = arith.constant 0 : i32
      %dma_wait3A_87 = arith.constant 0 : i32
      %dma_wait3A_88 = tpu.memref_slice %arg6[%add3A_54, %dma_wait3A_86, %dma_wait3A_87] : memref<32x40x128xi32, #tpu.memory_space<hbm>> -> memref<1x40x128xi32, #tpu.memory_space<hbm>>
      %dma_wait3A_89 = tpu.memref_squeeze %dma_wait3A_88 : memref<1x40x128xi32, #tpu.memory_space<hbm>> -> memref<40x128xi32, #tpu.memory_space<hbm>>
      tpu.wait_dma2 semaphore(%run_scoped3A : memref<!tpu.dma_semaphore, #tpu.memory_space<semaphore_mem>>) src(%dma_wait3A_89 : memref<40x128xi32, #tpu.memory_space<hbm>>) dst(%arg15 : memref<40x128xi32, #tpu.memory_space<vmem>>)
      tpu.yield
    }) : () -> ()
    "tpu.region"() ({
      %run_scoped3A = tpu.sem_alloc : memref<!tpu.dma_semaphore, #tpu.memory_space<semaphore_mem>>
      %dma_start3A = arith.constant 0 : i32
      %dma_start3A_76 = arith.constant 0 : i32
      %dma_start3A_77 = tpu.memref_slice %arg7[%add3A_54, %dma_start3A, %dma_start3A_76] : memref<32x40x128xi32, #tpu.memory_space<hbm>> -> memref<1x40x128xi32, #tpu.memory_space<hbm>>
      %dma_start3A_78 = tpu.memref_squeeze %dma_start3A_77 : memref<1x40x128xi32, #tpu.memory_space<hbm>> -> memref<40x128xi32, #tpu.memory_space<hbm>>
      %dma_start3A_79 = arith.constant 0 : i32
      %dma_start3A_80 = arith.constant 0 : i32
      %dma_start3A_81 = tpu.memref_slice %arg7[%add3A_54, %dma_start3A_79, %dma_start3A_80] : memref<32x40x128xi32, #tpu.memory_space<hbm>> -> memref<1x40x128xi32, #tpu.memory_space<hbm>>
      %dma_start3A_82 = tpu.memref_squeeze %dma_start3A_81 : memref<1x40x128xi32, #tpu.memory_space<hbm>> -> memref<40x128xi32, #tpu.memory_space<hbm>>
      tpu.enqueue_dma source(%dma_start3A_82 : memref<40x128xi32, #tpu.memory_space<hbm>>) target(%arg16 : memref<40x128xi32, #tpu.memory_space<vmem>>) target_semaphore(%run_scoped3A : memref<!tpu.dma_semaphore, #tpu.memory_space<semaphore_mem>>)
      %dma_wait3A = arith.constant 0 : i32
      %dma_wait3A_83 = arith.constant 0 : i32
      %dma_wait3A_84 = tpu.memref_slice %arg7[%add3A_54, %dma_wait3A, %dma_wait3A_83] : memref<32x40x128xi32, #tpu.memory_space<hbm>> -> memref<1x40x128xi32, #tpu.memory_space<hbm>>
      %dma_wait3A_85 = tpu.memref_squeeze %dma_wait3A_84 : memref<1x40x128xi32, #tpu.memory_space<hbm>> -> memref<40x128xi32, #tpu.memory_space<hbm>>
      %dma_wait3A_86 = arith.constant 0 : i32
      %dma_wait3A_87 = arith.constant 0 : i32
      %dma_wait3A_88 = tpu.memref_slice %arg7[%add3A_54, %dma_wait3A_86, %dma_wait3A_87] : memref<32x40x128xi32, #tpu.memory_space<hbm>> -> memref<1x40x128xi32, #tpu.memory_space<hbm>>
      %dma_wait3A_89 = tpu.memref_squeeze %dma_wait3A_88 : memref<1x40x128xi32, #tpu.memory_space<hbm>> -> memref<40x128xi32, #tpu.memory_space<hbm>>
      tpu.wait_dma2 semaphore(%run_scoped3A : memref<!tpu.dma_semaphore, #tpu.memory_space<semaphore_mem>>) src(%dma_wait3A_89 : memref<40x128xi32, #tpu.memory_space<hbm>>) dst(%arg16 : memref<40x128xi32, #tpu.memory_space<vmem>>)
      tpu.yield
    }) : () -> ()
    %eq3A_55 = arith.constant 0 : i32
    %eq3A_56 = arith.cmpi eq, %arg0, %eq3A_55 : i32
    %convert_element_type3A_57 = arith.extui %eq3A_56 : i1 to i32
    %cond3A_58 = arith.constant 0 : i32
    %cond3A_59 = arith.cmpi ne, %convert_element_type3A_57, %cond3A_58 : i32
    scf.if %cond3A_59 {
      %scan3A = arith.constant 0 : i32
      %scan3A_76 = arith.constant 0 : i32
      %scan3A_77 = arith.constant 40 : i32
      %scan3A_78 = arith.addi %scan3A_76, %scan3A_77 : i32
      %scan3A_79 = arith.constant 1 : i32
      scf.for %scan3A_81 = %scan3A_76 to %scan3A_78 step %scan3A_79  : i32 {
        %dma_start3A = arith.constant 0 : i32
        %dma_start3A_82 = tpu.memref_slice %arg15[%scan3A_81, %dma_start3A] : memref<40x128xi32, #tpu.memory_space<vmem>> -> memref<1x128xi32, #tpu.memory_space<vmem>>
        %dma_start3A_83 = tpu.memref_squeeze %dma_start3A_82 : memref<1x128xi32, #tpu.memory_space<vmem>> -> memref<128xi32, #tpu.memory_space<vmem>>
        %dma_start3A_84 = arith.constant 0 : i32
        %dma_start3A_85 = arith.constant 0 : i32
        %dma_start3A_86 = tpu.memref_slice %arg3[%dma_start3A_84, %dma_start3A_85] : memref<10240x128xf32, #tpu.memory_space<hbm>> -> memref<10240x128xf32, #tpu.memory_space<hbm>>
        tpu.enqueue_indirect_dma source(%dma_start3A_86 : memref<10240x128xf32, #tpu.memory_space<hbm>>) target(%arg17 : memref<128x128xf32, #tpu.memory_space<vmem>>) offsets(%dma_start3A_83 : memref<128xi32, #tpu.memory_space<vmem>>) semaphore(%arg21 : memref<!tpu.dma_semaphore, #tpu.memory_space<semaphore_mem>>)
        %dma_wait3A = arith.constant 0 : i32
        %dma_wait3A_87 = tpu.memref_slice %arg15[%scan3A_81, %dma_wait3A] : memref<40x128xi32, #tpu.memory_space<vmem>> -> memref<1x128xi32, #tpu.memory_space<vmem>>
        %dma_wait3A_88 = tpu.memref_squeeze %dma_wait3A_87 : memref<1x128xi32, #tpu.memory_space<vmem>> -> memref<128xi32, #tpu.memory_space<vmem>>
        %dma_wait3A_89 = arith.constant 0 : i32
        %dma_wait3A_90 = arith.constant 0 : i32
        %dma_wait3A_91 = tpu.memref_slice %arg3[%dma_wait3A_89, %dma_wait3A_90] : memref<10240x128xf32, #tpu.memory_space<hbm>> -> memref<10240x128xf32, #tpu.memory_space<hbm>>
        tpu.wait_indirect_dma semaphore(%arg21 : memref<!tpu.dma_semaphore, #tpu.memory_space<semaphore_mem>>) src(%dma_wait3A_91 : memref<10240x128xf32, #tpu.memory_space<hbm>>) dst(%arg17 : memref<128x128xf32, #tpu.memory_space<vmem>>)
        "tpu.region"() ({
          %run_scoped3A = tpu.sem_alloc : memref<!tpu.dma_semaphore, #tpu.memory_space<semaphore_mem>>
          %dma_start3A_92 = arith.constant 0 : i32
          %dma_start3A_93 = tpu.memref_slice %arg16[%scan3A_81, %dma_start3A_92] : memref<40x128xi32, #tpu.memory_space<vmem>> -> memref<1x128xi32, #tpu.memory_space<vmem>>
          %dma_start3A_94 = tpu.memref_squeeze %dma_start3A_93 : memref<1x128xi32, #tpu.memory_space<vmem>> -> memref<128xi32, #tpu.memory_space<vmem>>
          %dma_start3A_95 = arith.constant 0 : i32
          %dma_start3A_96 = arith.constant 0 : i32
          %dma_start3A_97 = tpu.memref_slice %arg19[%dma_start3A_95, %dma_start3A_96] : memref<10240x128xf32, #tpu.memory_space<vmem_shared>> -> memref<10240x128xf32, #tpu.memory_space<vmem_shared>>
          tpu.enqueue_indirect_dma source(%arg17 : memref<128x128xf32, #tpu.memory_space<vmem>>) target(%dma_start3A_97 : memref<10240x128xf32, #tpu.memory_space<vmem_shared>>) offsets(%dma_start3A_94 : memref<128xi32, #tpu.memory_space<vmem>>) semaphore(%run_scoped3A : memref<!tpu.dma_semaphore, #tpu.memory_space<semaphore_mem>>) {add = true}
          %dma_wait3A_98 = arith.constant 0 : i32
          %dma_wait3A_99 = tpu.memref_slice %arg16[%scan3A_81, %dma_wait3A_98] : memref<40x128xi32, #tpu.memory_space<vmem>> -> memref<1x128xi32, #tpu.memory_space<vmem>>
          %dma_wait3A_100 = tpu.memref_squeeze %dma_wait3A_99 : memref<1x128xi32, #tpu.memory_space<vmem>> -> memref<128xi32, #tpu.memory_space<vmem>>
          %dma_wait3A_101 = arith.constant 0 : i32
          %dma_wait3A_102 = arith.constant 0 : i32
          %dma_wait3A_103 = tpu.memref_slice %arg19[%dma_wait3A_101, %dma_wait3A_102] : memref<10240x128xf32, #tpu.memory_space<vmem_shared>> -> memref<10240x128xf32, #tpu.memory_space<vmem_shared>>
          tpu.wait_indirect_dma semaphore(%run_scoped3A : memref<!tpu.dma_semaphore, #tpu.memory_space<semaphore_mem>>) src(%arg17 : memref<128x128xf32, #tpu.memory_space<vmem>>) dst(%dma_wait3A_103 : memref<10240x128xf32, #tpu.memory_space<vmem_shared>>)
          tpu.yield
        }) : () -> ()
      }
      %scan3A_80 = arith.constant 40 : i32
    } else {
    }
    %eq3A_60 = arith.constant 1 : i32
    %eq3A_61 = arith.cmpi eq, %arg0, %eq3A_60 : i32
    %convert_element_type3A_62 = arith.extui %eq3A_61 : i1 to i32
    %cond3A_63 = arith.constant 0 : i32
    %cond3A_64 = arith.cmpi ne, %convert_element_type3A_62, %cond3A_63 : i32
    scf.if %cond3A_64 {
      %scan3A = arith.constant 0 : i32
      %scan3A_76 = arith.constant 0 : i32
      %scan3A_77 = arith.constant 40 : i32
      %scan3A_78 = arith.addi %scan3A_76, %scan3A_77 : i32
      %scan3A_79 = arith.constant 1 : i32
      scf.for %scan3A_81 = %scan3A_76 to %scan3A_78 step %scan3A_79  : i32 {
        %dma_start3A = arith.constant 0 : i32
        %dma_start3A_82 = tpu.memref_slice %arg15[%scan3A_81, %dma_start3A] : memref<40x128xi32, #tpu.memory_space<vmem>> -> memref<1x128xi32, #tpu.memory_space<vmem>>
        %dma_start3A_83 = tpu.memref_squeeze %dma_start3A_82 : memref<1x128xi32, #tpu.memory_space<vmem>> -> memref<128xi32, #tpu.memory_space<vmem>>
        %dma_start3A_84 = arith.constant 0 : i32
        %dma_start3A_85 = arith.constant 0 : i32
        %dma_start3A_86 = tpu.memref_slice %arg5[%dma_start3A_84, %dma_start3A_85] : memref<10240x128xf32, #tpu.memory_space<hbm>> -> memref<10240x128xf32, #tpu.memory_space<hbm>>
        tpu.enqueue_indirect_dma source(%dma_start3A_86 : memref<10240x128xf32, #tpu.memory_space<hbm>>) target(%arg17 : memref<128x128xf32, #tpu.memory_space<vmem>>) offsets(%dma_start3A_83 : memref<128xi32, #tpu.memory_space<vmem>>) semaphore(%arg21 : memref<!tpu.dma_semaphore, #tpu.memory_space<semaphore_mem>>)
        %dma_wait3A = arith.constant 0 : i32
        %dma_wait3A_87 = tpu.memref_slice %arg15[%scan3A_81, %dma_wait3A] : memref<40x128xi32, #tpu.memory_space<vmem>> -> memref<1x128xi32, #tpu.memory_space<vmem>>
        %dma_wait3A_88 = tpu.memref_squeeze %dma_wait3A_87 : memref<1x128xi32, #tpu.memory_space<vmem>> -> memref<128xi32, #tpu.memory_space<vmem>>
        %dma_wait3A_89 = arith.constant 0 : i32
        %dma_wait3A_90 = arith.constant 0 : i32
        %dma_wait3A_91 = tpu.memref_slice %arg5[%dma_wait3A_89, %dma_wait3A_90] : memref<10240x128xf32, #tpu.memory_space<hbm>> -> memref<10240x128xf32, #tpu.memory_space<hbm>>
        tpu.wait_indirect_dma semaphore(%arg21 : memref<!tpu.dma_semaphore, #tpu.memory_space<semaphore_mem>>) src(%dma_wait3A_91 : memref<10240x128xf32, #tpu.memory_space<hbm>>) dst(%arg17 : memref<128x128xf32, #tpu.memory_space<vmem>>)
        "tpu.region"() ({
          %run_scoped3A = tpu.sem_alloc : memref<!tpu.dma_semaphore, #tpu.memory_space<semaphore_mem>>
          %dma_start3A_92 = arith.constant 0 : i32
          %dma_start3A_93 = tpu.memref_slice %arg16[%scan3A_81, %dma_start3A_92] : memref<40x128xi32, #tpu.memory_space<vmem>> -> memref<1x128xi32, #tpu.memory_space<vmem>>
          %dma_start3A_94 = tpu.memref_squeeze %dma_start3A_93 : memref<1x128xi32, #tpu.memory_space<vmem>> -> memref<128xi32, #tpu.memory_space<vmem>>
          %dma_start3A_95 = arith.constant 0 : i32
          %dma_start3A_96 = arith.constant 0 : i32
          %dma_start3A_97 = tpu.memref_slice %arg19[%dma_start3A_95, %dma_start3A_96] : memref<10240x128xf32, #tpu.memory_space<vmem_shared>> -> memref<10240x128xf32, #tpu.memory_space<vmem_shared>>
          tpu.enqueue_indirect_dma source(%arg17 : memref<128x128xf32, #tpu.memory_space<vmem>>) target(%dma_start3A_97 : memref<10240x128xf32, #tpu.memory_space<vmem_shared>>) offsets(%dma_start3A_94 : memref<128xi32, #tpu.memory_space<vmem>>) semaphore(%run_scoped3A : memref<!tpu.dma_semaphore, #tpu.memory_space<semaphore_mem>>) {add = true}
          %dma_wait3A_98 = arith.constant 0 : i32
          %dma_wait3A_99 = tpu.memref_slice %arg16[%scan3A_81, %dma_wait3A_98] : memref<40x128xi32, #tpu.memory_space<vmem>> -> memref<1x128xi32, #tpu.memory_space<vmem>>
          %dma_wait3A_100 = tpu.memref_squeeze %dma_wait3A_99 : memref<1x128xi32, #tpu.memory_space<vmem>> -> memref<128xi32, #tpu.memory_space<vmem>>
          %dma_wait3A_101 = arith.constant 0 : i32
          %dma_wait3A_102 = arith.constant 0 : i32
          %dma_wait3A_103 = tpu.memref_slice %arg19[%dma_wait3A_101, %dma_wait3A_102] : memref<10240x128xf32, #tpu.memory_space<vmem_shared>> -> memref<10240x128xf32, #tpu.memory_space<vmem_shared>>
          tpu.wait_indirect_dma semaphore(%run_scoped3A : memref<!tpu.dma_semaphore, #tpu.memory_space<semaphore_mem>>) src(%arg17 : memref<128x128xf32, #tpu.memory_space<vmem>>) dst(%dma_wait3A_103 : memref<10240x128xf32, #tpu.memory_space<vmem_shared>>)
          tpu.yield
        }) : () -> ()
      }
      %scan3A_80 = arith.constant 40 : i32
    } else {
    }
    %barrier3A_65 = arith.constant 0 : index
    tpu.barrier barrier_id(%barrier3A_65)
    %eq3A_66 = arith.constant 0 : i32
    %eq3A_67 = arith.cmpi eq, %arg0, %eq3A_66 : i32
    %convert_element_type3A_68 = arith.extui %eq3A_67 : i1 to i32
    %cond3A_69 = arith.constant 0 : i32
    %cond3A_70 = arith.cmpi ne, %convert_element_type3A_68, %cond3A_69 : i32
    scf.if %cond3A_70 {
      "tpu.region"() ({
        %run_scoped3A = tpu.sem_alloc : memref<!tpu.dma_semaphore, #tpu.memory_space<semaphore_mem>>
        %dma_start3A = arith.constant 0 : i32
        %dma_start3A_76 = tpu.memref_slice %arg12[%mul3A_0, %dma_start3A] : memref<10240x128xf32, #tpu.memory_space<hbm>> -> memref<640x128xf32, #tpu.memory_space<hbm>>
        %dma_start3A_77 = arith.constant 0 : i32
        %dma_start3A_78 = tpu.memref_slice %arg19[%mul3A_0, %dma_start3A_77] : memref<10240x128xf32, #tpu.memory_space<vmem_shared>> -> memref<640x128xf32, #tpu.memory_space<vmem_shared>>
        tpu.enqueue_dma source(%dma_start3A_78 : memref<640x128xf32, #tpu.memory_space<vmem_shared>>) target(%dma_start3A_76 : memref<640x128xf32, #tpu.memory_space<hbm>>) target_semaphore(%run_scoped3A : memref<!tpu.dma_semaphore, #tpu.memory_space<semaphore_mem>>)
        %dma_wait3A = arith.constant 0 : i32
        %dma_wait3A_79 = tpu.memref_slice %arg12[%mul3A_0, %dma_wait3A] : memref<10240x128xf32, #tpu.memory_space<hbm>> -> memref<640x128xf32, #tpu.memory_space<hbm>>
        %dma_wait3A_80 = arith.constant 0 : i32
        %dma_wait3A_81 = tpu.memref_slice %arg19[%mul3A_0, %dma_wait3A_80] : memref<10240x128xf32, #tpu.memory_space<vmem_shared>> -> memref<640x128xf32, #tpu.memory_space<vmem_shared>>
        tpu.wait_dma2 semaphore(%run_scoped3A : memref<!tpu.dma_semaphore, #tpu.memory_space<semaphore_mem>>) src(%dma_wait3A_81 : memref<640x128xf32, #tpu.memory_space<vmem_shared>>) dst(%dma_wait3A_79 : memref<640x128xf32, #tpu.memory_space<hbm>>)
        tpu.yield
      }) : () -> ()
    } else {
    }
    %eq3A_71 = arith.constant 1 : i32
    %eq3A_72 = arith.cmpi eq, %arg0, %eq3A_71 : i32
    %convert_element_type3A_73 = arith.extui %eq3A_72 : i1 to i32
    %cond3A_74 = arith.constant 0 : i32
    %cond3A_75 = arith.cmpi ne, %convert_element_type3A_73, %cond3A_74 : i32
    scf.if %cond3A_75 {
      "tpu.region"() ({
        %run_scoped3A = tpu.sem_alloc : memref<!tpu.dma_semaphore, #tpu.memory_space<semaphore_mem>>
        %dma_start3A = arith.constant 0 : i32
        %dma_start3A_76 = tpu.memref_slice %arg14[%mul3A_0, %dma_start3A] : memref<10240x128xf32, #tpu.memory_space<hbm>> -> memref<640x128xf32, #tpu.memory_space<hbm>>
        %dma_start3A_77 = arith.constant 0 : i32
        %dma_start3A_78 = tpu.memref_slice %arg19[%mul3A_0, %dma_start3A_77] : memref<10240x128xf32, #tpu.memory_space<vmem_shared>> -> memref<640x128xf32, #tpu.memory_space<vmem_shared>>
        tpu.enqueue_dma source(%dma_start3A_78 : memref<640x128xf32, #tpu.memory_space<vmem_shared>>) target(%dma_start3A_76 : memref<640x128xf32, #tpu.memory_space<hbm>>) target_semaphore(%run_scoped3A : memref<!tpu.dma_semaphore, #tpu.memory_space<semaphore_mem>>)
        %dma_wait3A = arith.constant 0 : i32
        %dma_wait3A_79 = tpu.memref_slice %arg14[%mul3A_0, %dma_wait3A] : memref<10240x128xf32, #tpu.memory_space<hbm>> -> memref<640x128xf32, #tpu.memory_space<hbm>>
        %dma_wait3A_80 = arith.constant 0 : i32
        %dma_wait3A_81 = tpu.memref_slice %arg19[%mul3A_0, %dma_wait3A_80] : memref<10240x128xf32, #tpu.memory_space<vmem_shared>> -> memref<640x128xf32, #tpu.memory_space<vmem_shared>>
        tpu.wait_dma2 semaphore(%run_scoped3A : memref<!tpu.dma_semaphore, #tpu.memory_space<semaphore_mem>>) src(%dma_wait3A_81 : memref<640x128xf32, #tpu.memory_space<vmem_shared>>) dst(%dma_wait3A_79 : memref<640x128xf32, #tpu.memory_space<hbm>>)
        tpu.yield
      }) : () -> ()
    } else {
    }
    return
  }
}

#map = affine_map<(d0, d1) -> (0, 0)>
#map1 = affine_map<(d0, d1) -> (0, 0, 0)>
#map2 = affine_map<(d0, d1) -> (0)>
module attributes {stable_mosaic.version = 14 : i64} {
  func.func @k(%arg0: i32, %arg1: i32, %arg2: memref<10240x128xf32, #tpu.memory_space<hbm>>, %arg3: memref<10240x128xf32, #tpu.memory_space<hbm>>, %arg4: memref<32x40x128xi32, #tpu.memory_space<hbm>>, %arg5: memref<32x40x128xi32, #tpu.memory_space<hbm>>, %arg6: memref<640x128xf32, #tpu.memory_space<hbm>>, %arg7: memref<640xf32, #tpu.memory_space<hbm>>, %arg8: memref<128xf32, #tpu.memory_space<hbm>>, %arg9: memref<10240x128xf32, #tpu.memory_space<hbm>>, %arg10: memref<10240x128xf32, #tpu.memory_space<hbm>>, %arg11: memref<10240xf32, #tpu.memory_space<hbm>>, %arg12: memref<40x128xi32, #tpu.memory_space<vmem>>, %arg13: memref<40x128xi32, #tpu.memory_space<vmem>>, %arg14: memref<128x128xf32, #tpu.memory_space<vmem>>, %arg15: memref<128xf32, #tpu.memory_space<vmem>>, %arg16: memref<10240x128xf32, #tpu.memory_space<vmem_shared>>, %arg17: memref<10240xf32, #tpu.memory_space<vmem_shared>>, %arg18: memref<!tpu.dma_semaphore, #tpu.memory_space<semaphore_mem>>) attributes {dimension_semantics = [#tpu.dimension_semantics<core_parallel>, #tpu.dimension_semantics<subcore_parallel>], iteration_bounds = array<i64: 2, 16>, scalar_prefetch = 0 : i64, scratch_operands = 7 : i64, tpu.core_type = #tpu.core_type<sc_vector_subcore>, window_params = [{transform_indices = #map}, {transform_indices = #map}, {transform_indices = #map1}, {transform_indices = #map1}, {transform_indices = #map}, {transform_indices = #map2}, {transform_indices = #map2}, {transform_indices = #map}, {transform_indices = #map}, {transform_indices = #map2}]} {
    %mul3A = arith.constant 640 : i32
    %mul3A_0 = arith.muli %arg1, %mul3A : i32
    "tpu.region"() ({
      %run_scoped3A = tpu.sem_alloc : memref<!tpu.dma_semaphore, #tpu.memory_space<semaphore_mem>>
      tpu.enqueue_dma source(%arg8 : memref<128xf32, #tpu.memory_space<hbm>>) target(%arg15 : memref<128xf32, #tpu.memory_space<vmem>>) target_semaphore(%run_scoped3A : memref<!tpu.dma_semaphore, #tpu.memory_space<semaphore_mem>>)
      tpu.wait_dma2 semaphore(%run_scoped3A : memref<!tpu.dma_semaphore, #tpu.memory_space<semaphore_mem>>) src(%arg8 : memref<128xf32, #tpu.memory_space<hbm>>) dst(%arg15 : memref<128xf32, #tpu.memory_space<vmem>>)
      tpu.yield
    }) : () -> ()
    "tpu.region"() ({
      %run_scoped3A = tpu.sem_alloc : memref<!tpu.dma_semaphore, #tpu.memory_space<semaphore_mem>>
      %dma_start3A = arith.constant 0 : i32
      %dma_start3A_56 = tpu.memref_slice %arg16[%mul3A_0, %dma_start3A] : memref<10240x128xf32, #tpu.memory_space<vmem_shared>> -> memref<640x128xf32, #tpu.memory_space<vmem_shared>>
      tpu.enqueue_dma source(%arg6 : memref<640x128xf32, #tpu.memory_space<hbm>>) target(%dma_start3A_56 : memref<640x128xf32, #tpu.memory_space<vmem_shared>>) target_semaphore(%run_scoped3A : memref<!tpu.dma_semaphore, #tpu.memory_space<semaphore_mem>>)
      %dma_wait3A = arith.constant 0 : i32
      %dma_wait3A_57 = tpu.memref_slice %arg16[%mul3A_0, %dma_wait3A] : memref<10240x128xf32, #tpu.memory_space<vmem_shared>> -> memref<640x128xf32, #tpu.memory_space<vmem_shared>>
      tpu.wait_dma2 semaphore(%run_scoped3A : memref<!tpu.dma_semaphore, #tpu.memory_space<semaphore_mem>>) src(%arg6 : memref<640x128xf32, #tpu.memory_space<hbm>>) dst(%dma_wait3A_57 : memref<640x128xf32, #tpu.memory_space<vmem_shared>>)
      tpu.yield
    }) : () -> ()
    %eq3A = arith.constant 0 : i32
    %eq3A_1 = arith.cmpi eq, %arg0, %eq3A : i32
    %convert_element_type3A = arith.extui %eq3A_1 : i1 to i32
    %cond3A = arith.constant 0 : i32
    %cond3A_2 = arith.cmpi ne, %convert_element_type3A, %cond3A : i32
    scf.if %cond3A_2 {
      "tpu.region"() ({
        %run_scoped3A = tpu.sem_alloc : memref<!tpu.dma_semaphore, #tpu.memory_space<semaphore_mem>>
        %dma_start3A = tpu.memref_slice %arg17[%mul3A_0] : memref<10240xf32, #tpu.memory_space<vmem_shared>> -> memref<640xf32, #tpu.memory_space<vmem_shared>>
        tpu.enqueue_dma source(%arg7 : memref<640xf32, #tpu.memory_space<hbm>>) target(%dma_start3A : memref<640xf32, #tpu.memory_space<vmem_shared>>) target_semaphore(%run_scoped3A : memref<!tpu.dma_semaphore, #tpu.memory_space<semaphore_mem>>)
        %dma_wait3A = tpu.memref_slice %arg17[%mul3A_0] : memref<10240xf32, #tpu.memory_space<vmem_shared>> -> memref<640xf32, #tpu.memory_space<vmem_shared>>
        tpu.wait_dma2 semaphore(%run_scoped3A : memref<!tpu.dma_semaphore, #tpu.memory_space<semaphore_mem>>) src(%arg7 : memref<640xf32, #tpu.memory_space<hbm>>) dst(%dma_wait3A : memref<640xf32, #tpu.memory_space<vmem_shared>>)
        tpu.yield
      }) : () -> ()
    } else {
    }
    %barrier3A = arith.constant 0 : index
    tpu.barrier barrier_id(%barrier3A)
    %mul3A_3 = arith.constant 2 : i32
    %mul3A_4 = arith.muli %arg1, %mul3A_3 : i32
    %add3A = arith.constant 0 : i32
    %add3A_5 = arith.addi %mul3A_4, %add3A : i32
    "tpu.region"() ({
      %run_scoped3A = tpu.sem_alloc : memref<!tpu.dma_semaphore, #tpu.memory_space<semaphore_mem>>
      %dma_start3A = arith.constant 0 : i32
      %dma_start3A_56 = arith.constant 0 : i32
      %dma_start3A_57 = tpu.memref_slice %arg4[%add3A_5, %dma_start3A, %dma_start3A_56] : memref<32x40x128xi32, #tpu.memory_space<hbm>> -> memref<1x40x128xi32, #tpu.memory_space<hbm>>
      %dma_start3A_58 = tpu.memref_squeeze %dma_start3A_57 : memref<1x40x128xi32, #tpu.memory_space<hbm>> -> memref<40x128xi32, #tpu.memory_space<hbm>>
      %dma_start3A_59 = arith.constant 0 : i32
      %dma_start3A_60 = arith.constant 0 : i32
      %dma_start3A_61 = tpu.memref_slice %arg4[%add3A_5, %dma_start3A_59, %dma_start3A_60] : memref<32x40x128xi32, #tpu.memory_space<hbm>> -> memref<1x40x128xi32, #tpu.memory_space<hbm>>
      %dma_start3A_62 = tpu.memref_squeeze %dma_start3A_61 : memref<1x40x128xi32, #tpu.memory_space<hbm>> -> memref<40x128xi32, #tpu.memory_space<hbm>>
      tpu.enqueue_dma source(%dma_start3A_62 : memref<40x128xi32, #tpu.memory_space<hbm>>) target(%arg12 : memref<40x128xi32, #tpu.memory_space<vmem>>) target_semaphore(%run_scoped3A : memref<!tpu.dma_semaphore, #tpu.memory_space<semaphore_mem>>)
      %dma_wait3A = arith.constant 0 : i32
      %dma_wait3A_63 = arith.constant 0 : i32
      %dma_wait3A_64 = tpu.memref_slice %arg4[%add3A_5, %dma_wait3A, %dma_wait3A_63] : memref<32x40x128xi32, #tpu.memory_space<hbm>> -> memref<1x40x128xi32, #tpu.memory_space<hbm>>
      %dma_wait3A_65 = tpu.memref_squeeze %dma_wait3A_64 : memref<1x40x128xi32, #tpu.memory_space<hbm>> -> memref<40x128xi32, #tpu.memory_space<hbm>>
      %dma_wait3A_66 = arith.constant 0 : i32
      %dma_wait3A_67 = arith.constant 0 : i32
      %dma_wait3A_68 = tpu.memref_slice %arg4[%add3A_5, %dma_wait3A_66, %dma_wait3A_67] : memref<32x40x128xi32, #tpu.memory_space<hbm>> -> memref<1x40x128xi32, #tpu.memory_space<hbm>>
      %dma_wait3A_69 = tpu.memref_squeeze %dma_wait3A_68 : memref<1x40x128xi32, #tpu.memory_space<hbm>> -> memref<40x128xi32, #tpu.memory_space<hbm>>
      tpu.wait_dma2 semaphore(%run_scoped3A : memref<!tpu.dma_semaphore, #tpu.memory_space<semaphore_mem>>) src(%dma_wait3A_69 : memref<40x128xi32, #tpu.memory_space<hbm>>) dst(%arg12 : memref<40x128xi32, #tpu.memory_space<vmem>>)
      tpu.yield
    }) : () -> ()
    "tpu.region"() ({
      %run_scoped3A = tpu.sem_alloc : memref<!tpu.dma_semaphore, #tpu.memory_space<semaphore_mem>>
      %dma_start3A = arith.constant 0 : i32
      %dma_start3A_56 = arith.constant 0 : i32
      %dma_start3A_57 = tpu.memref_slice %arg5[%add3A_5, %dma_start3A, %dma_start3A_56] : memref<32x40x128xi32, #tpu.memory_space<hbm>> -> memref<1x40x128xi32, #tpu.memory_space<hbm>>
      %dma_start3A_58 = tpu.memref_squeeze %dma_start3A_57 : memref<1x40x128xi32, #tpu.memory_space<hbm>> -> memref<40x128xi32, #tpu.memory_space<hbm>>
      %dma_start3A_59 = arith.constant 0 : i32
      %dma_start3A_60 = arith.constant 0 : i32
      %dma_start3A_61 = tpu.memref_slice %arg5[%add3A_5, %dma_start3A_59, %dma_start3A_60] : memref<32x40x128xi32, #tpu.memory_space<hbm>> -> memref<1x40x128xi32, #tpu.memory_space<hbm>>
      %dma_start3A_62 = tpu.memref_squeeze %dma_start3A_61 : memref<1x40x128xi32, #tpu.memory_space<hbm>> -> memref<40x128xi32, #tpu.memory_space<hbm>>
      tpu.enqueue_dma source(%dma_start3A_62 : memref<40x128xi32, #tpu.memory_space<hbm>>) target(%arg13 : memref<40x128xi32, #tpu.memory_space<vmem>>) target_semaphore(%run_scoped3A : memref<!tpu.dma_semaphore, #tpu.memory_space<semaphore_mem>>)
      %dma_wait3A = arith.constant 0 : i32
      %dma_wait3A_63 = arith.constant 0 : i32
      %dma_wait3A_64 = tpu.memref_slice %arg5[%add3A_5, %dma_wait3A, %dma_wait3A_63] : memref<32x40x128xi32, #tpu.memory_space<hbm>> -> memref<1x40x128xi32, #tpu.memory_space<hbm>>
      %dma_wait3A_65 = tpu.memref_squeeze %dma_wait3A_64 : memref<1x40x128xi32, #tpu.memory_space<hbm>> -> memref<40x128xi32, #tpu.memory_space<hbm>>
      %dma_wait3A_66 = arith.constant 0 : i32
      %dma_wait3A_67 = arith.constant 0 : i32
      %dma_wait3A_68 = tpu.memref_slice %arg5[%add3A_5, %dma_wait3A_66, %dma_wait3A_67] : memref<32x40x128xi32, #tpu.memory_space<hbm>> -> memref<1x40x128xi32, #tpu.memory_space<hbm>>
      %dma_wait3A_69 = tpu.memref_squeeze %dma_wait3A_68 : memref<1x40x128xi32, #tpu.memory_space<hbm>> -> memref<40x128xi32, #tpu.memory_space<hbm>>
      tpu.wait_dma2 semaphore(%run_scoped3A : memref<!tpu.dma_semaphore, #tpu.memory_space<semaphore_mem>>) src(%dma_wait3A_69 : memref<40x128xi32, #tpu.memory_space<hbm>>) dst(%arg13 : memref<40x128xi32, #tpu.memory_space<vmem>>)
      tpu.yield
    }) : () -> ()
    %eq3A_6 = arith.constant 0 : i32
    %eq3A_7 = arith.cmpi eq, %arg0, %eq3A_6 : i32
    %convert_element_type3A_8 = arith.extui %eq3A_7 : i1 to i32
    %cond3A_9 = arith.constant 0 : i32
    %cond3A_10 = arith.cmpi ne, %convert_element_type3A_8, %cond3A_9 : i32
    scf.if %cond3A_10 {
      %scan3A = arith.constant 0 : i32
      %scan3A_56 = arith.constant 0 : i32
      %scan3A_57 = arith.constant 40 : i32
      %scan3A_58 = arith.addi %scan3A_56, %scan3A_57 : i32
      %scan3A_59 = arith.constant 1 : i32
      scf.for %scan3A_61 = %scan3A_56 to %scan3A_58 step %scan3A_59  : i32 {
        %dma_start3A = arith.constant 0 : i32
        %dma_start3A_62 = tpu.memref_slice %arg12[%scan3A_61, %dma_start3A] : memref<40x128xi32, #tpu.memory_space<vmem>> -> memref<1x128xi32, #tpu.memory_space<vmem>>
        %dma_start3A_63 = tpu.memref_squeeze %dma_start3A_62 : memref<1x128xi32, #tpu.memory_space<vmem>> -> memref<128xi32, #tpu.memory_space<vmem>>
        %dma_start3A_64 = arith.constant 0 : i32
        %dma_start3A_65 = arith.constant 0 : i32
        %dma_start3A_66 = tpu.memref_slice %arg2[%dma_start3A_64, %dma_start3A_65] : memref<10240x128xf32, #tpu.memory_space<hbm>> -> memref<10240x128xf32, #tpu.memory_space<hbm>>
        tpu.enqueue_indirect_dma source(%dma_start3A_66 : memref<10240x128xf32, #tpu.memory_space<hbm>>) target(%arg14 : memref<128x128xf32, #tpu.memory_space<vmem>>) offsets(%dma_start3A_63 : memref<128xi32, #tpu.memory_space<vmem>>) semaphore(%arg18 : memref<!tpu.dma_semaphore, #tpu.memory_space<semaphore_mem>>)
        %dma_wait3A = arith.constant 0 : i32
        %dma_wait3A_67 = tpu.memref_slice %arg12[%scan3A_61, %dma_wait3A] : memref<40x128xi32, #tpu.memory_space<vmem>> -> memref<1x128xi32, #tpu.memory_space<vmem>>
        %dma_wait3A_68 = tpu.memref_squeeze %dma_wait3A_67 : memref<1x128xi32, #tpu.memory_space<vmem>> -> memref<128xi32, #tpu.memory_space<vmem>>
        %dma_wait3A_69 = arith.constant 0 : i32
        %dma_wait3A_70 = arith.constant 0 : i32
        %dma_wait3A_71 = tpu.memref_slice %arg2[%dma_wait3A_69, %dma_wait3A_70] : memref<10240x128xf32, #tpu.memory_space<hbm>> -> memref<10240x128xf32, #tpu.memory_space<hbm>>
        tpu.wait_indirect_dma semaphore(%arg18 : memref<!tpu.dma_semaphore, #tpu.memory_space<semaphore_mem>>) src(%dma_wait3A_71 : memref<10240x128xf32, #tpu.memory_space<hbm>>) dst(%arg14 : memref<128x128xf32, #tpu.memory_space<vmem>>)
        "tpu.region"() ({
          %run_scoped3A = tpu.sem_alloc : memref<!tpu.dma_semaphore, #tpu.memory_space<semaphore_mem>>
          %dma_start3A_72 = arith.constant 0 : i32
          %dma_start3A_73 = tpu.memref_slice %arg13[%scan3A_61, %dma_start3A_72] : memref<40x128xi32, #tpu.memory_space<vmem>> -> memref<1x128xi32, #tpu.memory_space<vmem>>
          %dma_start3A_74 = tpu.memref_squeeze %dma_start3A_73 : memref<1x128xi32, #tpu.memory_space<vmem>> -> memref<128xi32, #tpu.memory_space<vmem>>
          %dma_start3A_75 = arith.constant 0 : i32
          %dma_start3A_76 = arith.constant 0 : i32
          %dma_start3A_77 = tpu.memref_slice %arg16[%dma_start3A_75, %dma_start3A_76] : memref<10240x128xf32, #tpu.memory_space<vmem_shared>> -> memref<10240x128xf32, #tpu.memory_space<vmem_shared>>
          tpu.enqueue_indirect_dma source(%arg14 : memref<128x128xf32, #tpu.memory_space<vmem>>) target(%dma_start3A_77 : memref<10240x128xf32, #tpu.memory_space<vmem_shared>>) offsets(%dma_start3A_74 : memref<128xi32, #tpu.memory_space<vmem>>) semaphore(%run_scoped3A : memref<!tpu.dma_semaphore, #tpu.memory_space<semaphore_mem>>) {add = true}
          %dma_wait3A_78 = arith.constant 0 : i32
          %dma_wait3A_79 = tpu.memref_slice %arg13[%scan3A_61, %dma_wait3A_78] : memref<40x128xi32, #tpu.memory_space<vmem>> -> memref<1x128xi32, #tpu.memory_space<vmem>>
          %dma_wait3A_80 = tpu.memref_squeeze %dma_wait3A_79 : memref<1x128xi32, #tpu.memory_space<vmem>> -> memref<128xi32, #tpu.memory_space<vmem>>
          %dma_wait3A_81 = arith.constant 0 : i32
          %dma_wait3A_82 = arith.constant 0 : i32
          %dma_wait3A_83 = tpu.memref_slice %arg16[%dma_wait3A_81, %dma_wait3A_82] : memref<10240x128xf32, #tpu.memory_space<vmem_shared>> -> memref<10240x128xf32, #tpu.memory_space<vmem_shared>>
          tpu.wait_indirect_dma semaphore(%run_scoped3A : memref<!tpu.dma_semaphore, #tpu.memory_space<semaphore_mem>>) src(%arg14 : memref<128x128xf32, #tpu.memory_space<vmem>>) dst(%dma_wait3A_83 : memref<10240x128xf32, #tpu.memory_space<vmem_shared>>)
          tpu.yield
        }) : () -> ()
      }
      %scan3A_60 = arith.constant 40 : i32
    } else {
    }
    %eq3A_11 = arith.constant 1 : i32
    %eq3A_12 = arith.cmpi eq, %arg0, %eq3A_11 : i32
    %convert_element_type3A_13 = arith.extui %eq3A_12 : i1 to i32
    %cond3A_14 = arith.constant 0 : i32
    %cond3A_15 = arith.cmpi ne, %convert_element_type3A_13, %cond3A_14 : i32
    scf.if %cond3A_15 {
      %scan3A = arith.constant 0 : i32
      %scan3A_56 = arith.constant 0 : i32
      %scan3A_57 = arith.constant 40 : i32
      %scan3A_58 = arith.addi %scan3A_56, %scan3A_57 : i32
      %scan3A_59 = arith.constant 1 : i32
      scf.for %scan3A_61 = %scan3A_56 to %scan3A_58 step %scan3A_59  : i32 {
        %dma_start3A = arith.constant 0 : i32
        %dma_start3A_62 = tpu.memref_slice %arg12[%scan3A_61, %dma_start3A] : memref<40x128xi32, #tpu.memory_space<vmem>> -> memref<1x128xi32, #tpu.memory_space<vmem>>
        %dma_start3A_63 = tpu.memref_squeeze %dma_start3A_62 : memref<1x128xi32, #tpu.memory_space<vmem>> -> memref<128xi32, #tpu.memory_space<vmem>>
        %dma_start3A_64 = arith.constant 0 : i32
        %dma_start3A_65 = arith.constant 0 : i32
        %dma_start3A_66 = tpu.memref_slice %arg3[%dma_start3A_64, %dma_start3A_65] : memref<10240x128xf32, #tpu.memory_space<hbm>> -> memref<10240x128xf32, #tpu.memory_space<hbm>>
        tpu.enqueue_indirect_dma source(%dma_start3A_66 : memref<10240x128xf32, #tpu.memory_space<hbm>>) target(%arg14 : memref<128x128xf32, #tpu.memory_space<vmem>>) offsets(%dma_start3A_63 : memref<128xi32, #tpu.memory_space<vmem>>) semaphore(%arg18 : memref<!tpu.dma_semaphore, #tpu.memory_space<semaphore_mem>>)
        %dma_wait3A = arith.constant 0 : i32
        %dma_wait3A_67 = tpu.memref_slice %arg12[%scan3A_61, %dma_wait3A] : memref<40x128xi32, #tpu.memory_space<vmem>> -> memref<1x128xi32, #tpu.memory_space<vmem>>
        %dma_wait3A_68 = tpu.memref_squeeze %dma_wait3A_67 : memref<1x128xi32, #tpu.memory_space<vmem>> -> memref<128xi32, #tpu.memory_space<vmem>>
        %dma_wait3A_69 = arith.constant 0 : i32
        %dma_wait3A_70 = arith.constant 0 : i32
        %dma_wait3A_71 = tpu.memref_slice %arg3[%dma_wait3A_69, %dma_wait3A_70] : memref<10240x128xf32, #tpu.memory_space<hbm>> -> memref<10240x128xf32, #tpu.memory_space<hbm>>
        tpu.wait_indirect_dma semaphore(%arg18 : memref<!tpu.dma_semaphore, #tpu.memory_space<semaphore_mem>>) src(%dma_wait3A_71 : memref<10240x128xf32, #tpu.memory_space<hbm>>) dst(%arg14 : memref<128x128xf32, #tpu.memory_space<vmem>>)
        "tpu.region"() ({
          %run_scoped3A = tpu.sem_alloc : memref<!tpu.dma_semaphore, #tpu.memory_space<semaphore_mem>>
          %dma_start3A_72 = arith.constant 0 : i32
          %dma_start3A_73 = tpu.memref_slice %arg13[%scan3A_61, %dma_start3A_72] : memref<40x128xi32, #tpu.memory_space<vmem>> -> memref<1x128xi32, #tpu.memory_space<vmem>>
          %dma_start3A_74 = tpu.memref_squeeze %dma_start3A_73 : memref<1x128xi32, #tpu.memory_space<vmem>> -> memref<128xi32, #tpu.memory_space<vmem>>
          %dma_start3A_75 = arith.constant 0 : i32
          %dma_start3A_76 = arith.constant 0 : i32
          %dma_start3A_77 = tpu.memref_slice %arg16[%dma_start3A_75, %dma_start3A_76] : memref<10240x128xf32, #tpu.memory_space<vmem_shared>> -> memref<10240x128xf32, #tpu.memory_space<vmem_shared>>
          tpu.enqueue_indirect_dma source(%arg14 : memref<128x128xf32, #tpu.memory_space<vmem>>) target(%dma_start3A_77 : memref<10240x128xf32, #tpu.memory_space<vmem_shared>>) offsets(%dma_start3A_74 : memref<128xi32, #tpu.memory_space<vmem>>) semaphore(%run_scoped3A : memref<!tpu.dma_semaphore, #tpu.memory_space<semaphore_mem>>) {add = true}
          %dma_wait3A_78 = arith.constant 0 : i32
          %dma_wait3A_79 = tpu.memref_slice %arg13[%scan3A_61, %dma_wait3A_78] : memref<40x128xi32, #tpu.memory_space<vmem>> -> memref<1x128xi32, #tpu.memory_space<vmem>>
          %dma_wait3A_80 = tpu.memref_squeeze %dma_wait3A_79 : memref<1x128xi32, #tpu.memory_space<vmem>> -> memref<128xi32, #tpu.memory_space<vmem>>
          %dma_wait3A_81 = arith.constant 0 : i32
          %dma_wait3A_82 = arith.constant 0 : i32
          %dma_wait3A_83 = tpu.memref_slice %arg16[%dma_wait3A_81, %dma_wait3A_82] : memref<10240x128xf32, #tpu.memory_space<vmem_shared>> -> memref<10240x128xf32, #tpu.memory_space<vmem_shared>>
          tpu.wait_indirect_dma semaphore(%run_scoped3A : memref<!tpu.dma_semaphore, #tpu.memory_space<semaphore_mem>>) src(%arg14 : memref<128x128xf32, #tpu.memory_space<vmem>>) dst(%dma_wait3A_83 : memref<10240x128xf32, #tpu.memory_space<vmem_shared>>)
          tpu.yield
        }) : () -> ()
      }
      %scan3A_60 = arith.constant 40 : i32
    } else {
    }
    %eq3A_16 = arith.constant 0 : i32
    %eq3A_17 = arith.cmpi eq, %arg0, %eq3A_16 : i32
    %convert_element_type3A_18 = arith.extui %eq3A_17 : i1 to i32
    %cond3A_19 = arith.constant 0 : i32
    %cond3A_20 = arith.cmpi ne, %convert_element_type3A_18, %cond3A_19 : i32
    scf.if %cond3A_20 {
      %scan3A = arith.constant 0 : i32
      %scan3A_56 = arith.constant 0 : i32
      %scan3A_57 = arith.constant 40 : i32
      %scan3A_58 = arith.addi %scan3A_56, %scan3A_57 : i32
      %scan3A_59 = arith.constant 1 : i32
      scf.for %scan3A_61 = %scan3A_56 to %scan3A_58 step %scan3A_59  : i32 {
        "tpu.region"() ({
          %run_scoped3A = tpu.sem_alloc : memref<!tpu.dma_semaphore, #tpu.memory_space<semaphore_mem>>
          %dma_start3A = arith.constant 0 : i32
          %dma_start3A_62 = tpu.memref_slice %arg13[%scan3A_61, %dma_start3A] : memref<40x128xi32, #tpu.memory_space<vmem>> -> memref<1x128xi32, #tpu.memory_space<vmem>>
          %dma_start3A_63 = tpu.memref_squeeze %dma_start3A_62 : memref<1x128xi32, #tpu.memory_space<vmem>> -> memref<128xi32, #tpu.memory_space<vmem>>
          %dma_start3A_64 = arith.constant 0 : i32
          %dma_start3A_65 = tpu.memref_slice %arg17[%dma_start3A_64] : memref<10240xf32, #tpu.memory_space<vmem_shared>> -> memref<10240xf32, #tpu.memory_space<vmem_shared>>
          tpu.enqueue_indirect_dma source(%arg15 : memref<128xf32, #tpu.memory_space<vmem>>) target(%dma_start3A_65 : memref<10240xf32, #tpu.memory_space<vmem_shared>>) offsets(%dma_start3A_63 : memref<128xi32, #tpu.memory_space<vmem>>) semaphore(%run_scoped3A : memref<!tpu.dma_semaphore, #tpu.memory_space<semaphore_mem>>) {add = true}
          %dma_wait3A = arith.constant 0 : i32
          %dma_wait3A_66 = tpu.memref_slice %arg13[%scan3A_61, %dma_wait3A] : memref<40x128xi32, #tpu.memory_space<vmem>> -> memref<1x128xi32, #tpu.memory_space<vmem>>
          %dma_wait3A_67 = tpu.memref_squeeze %dma_wait3A_66 : memref<1x128xi32, #tpu.memory_space<vmem>> -> memref<128xi32, #tpu.memory_space<vmem>>
          %dma_wait3A_68 = arith.constant 0 : i32
          %dma_wait3A_69 = tpu.memref_slice %arg17[%dma_wait3A_68] : memref<10240xf32, #tpu.memory_space<vmem_shared>> -> memref<10240xf32, #tpu.memory_space<vmem_shared>>
          tpu.wait_indirect_dma semaphore(%run_scoped3A : memref<!tpu.dma_semaphore, #tpu.memory_space<semaphore_mem>>) src(%arg15 : memref<128xf32, #tpu.memory_space<vmem>>) dst(%dma_wait3A_69 : memref<10240xf32, #tpu.memory_space<vmem_shared>>)
          tpu.yield
        }) : () -> ()
      }
      %scan3A_60 = arith.constant 40 : i32
    } else {
    }
    %mul3A_21 = arith.constant 2 : i32
    %mul3A_22 = arith.muli %arg1, %mul3A_21 : i32
    %add3A_23 = arith.constant 1 : i32
    %add3A_24 = arith.addi %mul3A_22, %add3A_23 : i32
    "tpu.region"() ({
      %run_scoped3A = tpu.sem_alloc : memref<!tpu.dma_semaphore, #tpu.memory_space<semaphore_mem>>
      %dma_start3A = arith.constant 0 : i32
      %dma_start3A_56 = arith.constant 0 : i32
      %dma_start3A_57 = tpu.memref_slice %arg4[%add3A_24, %dma_start3A, %dma_start3A_56] : memref<32x40x128xi32, #tpu.memory_space<hbm>> -> memref<1x40x128xi32, #tpu.memory_space<hbm>>
      %dma_start3A_58 = tpu.memref_squeeze %dma_start3A_57 : memref<1x40x128xi32, #tpu.memory_space<hbm>> -> memref<40x128xi32, #tpu.memory_space<hbm>>
      %dma_start3A_59 = arith.constant 0 : i32
      %dma_start3A_60 = arith.constant 0 : i32
      %dma_start3A_61 = tpu.memref_slice %arg4[%add3A_24, %dma_start3A_59, %dma_start3A_60] : memref<32x40x128xi32, #tpu.memory_space<hbm>> -> memref<1x40x128xi32, #tpu.memory_space<hbm>>
      %dma_start3A_62 = tpu.memref_squeeze %dma_start3A_61 : memref<1x40x128xi32, #tpu.memory_space<hbm>> -> memref<40x128xi32, #tpu.memory_space<hbm>>
      tpu.enqueue_dma source(%dma_start3A_62 : memref<40x128xi32, #tpu.memory_space<hbm>>) target(%arg12 : memref<40x128xi32, #tpu.memory_space<vmem>>) target_semaphore(%run_scoped3A : memref<!tpu.dma_semaphore, #tpu.memory_space<semaphore_mem>>)
      %dma_wait3A = arith.constant 0 : i32
      %dma_wait3A_63 = arith.constant 0 : i32
      %dma_wait3A_64 = tpu.memref_slice %arg4[%add3A_24, %dma_wait3A, %dma_wait3A_63] : memref<32x40x128xi32, #tpu.memory_space<hbm>> -> memref<1x40x128xi32, #tpu.memory_space<hbm>>
      %dma_wait3A_65 = tpu.memref_squeeze %dma_wait3A_64 : memref<1x40x128xi32, #tpu.memory_space<hbm>> -> memref<40x128xi32, #tpu.memory_space<hbm>>
      %dma_wait3A_66 = arith.constant 0 : i32
      %dma_wait3A_67 = arith.constant 0 : i32
      %dma_wait3A_68 = tpu.memref_slice %arg4[%add3A_24, %dma_wait3A_66, %dma_wait3A_67] : memref<32x40x128xi32, #tpu.memory_space<hbm>> -> memref<1x40x128xi32, #tpu.memory_space<hbm>>
      %dma_wait3A_69 = tpu.memref_squeeze %dma_wait3A_68 : memref<1x40x128xi32, #tpu.memory_space<hbm>> -> memref<40x128xi32, #tpu.memory_space<hbm>>
      tpu.wait_dma2 semaphore(%run_scoped3A : memref<!tpu.dma_semaphore, #tpu.memory_space<semaphore_mem>>) src(%dma_wait3A_69 : memref<40x128xi32, #tpu.memory_space<hbm>>) dst(%arg12 : memref<40x128xi32, #tpu.memory_space<vmem>>)
      tpu.yield
    }) : () -> ()
    "tpu.region"() ({
      %run_scoped3A = tpu.sem_alloc : memref<!tpu.dma_semaphore, #tpu.memory_space<semaphore_mem>>
      %dma_start3A = arith.constant 0 : i32
      %dma_start3A_56 = arith.constant 0 : i32
      %dma_start3A_57 = tpu.memref_slice %arg5[%add3A_24, %dma_start3A, %dma_start3A_56] : memref<32x40x128xi32, #tpu.memory_space<hbm>> -> memref<1x40x128xi32, #tpu.memory_space<hbm>>
      %dma_start3A_58 = tpu.memref_squeeze %dma_start3A_57 : memref<1x40x128xi32, #tpu.memory_space<hbm>> -> memref<40x128xi32, #tpu.memory_space<hbm>>
      %dma_start3A_59 = arith.constant 0 : i32
      %dma_start3A_60 = arith.constant 0 : i32
      %dma_start3A_61 = tpu.memref_slice %arg5[%add3A_24, %dma_start3A_59, %dma_start3A_60] : memref<32x40x128xi32, #tpu.memory_space<hbm>> -> memref<1x40x128xi32, #tpu.memory_space<hbm>>
      %dma_start3A_62 = tpu.memref_squeeze %dma_start3A_61 : memref<1x40x128xi32, #tpu.memory_space<hbm>> -> memref<40x128xi32, #tpu.memory_space<hbm>>
      tpu.enqueue_dma source(%dma_start3A_62 : memref<40x128xi32, #tpu.memory_space<hbm>>) target(%arg13 : memref<40x128xi32, #tpu.memory_space<vmem>>) target_semaphore(%run_scoped3A : memref<!tpu.dma_semaphore, #tpu.memory_space<semaphore_mem>>)
      %dma_wait3A = arith.constant 0 : i32
      %dma_wait3A_63 = arith.constant 0 : i32
      %dma_wait3A_64 = tpu.memref_slice %arg5[%add3A_24, %dma_wait3A, %dma_wait3A_63] : memref<32x40x128xi32, #tpu.memory_space<hbm>> -> memref<1x40x128xi32, #tpu.memory_space<hbm>>
      %dma_wait3A_65 = tpu.memref_squeeze %dma_wait3A_64 : memref<1x40x128xi32, #tpu.memory_space<hbm>> -> memref<40x128xi32, #tpu.memory_space<hbm>>
      %dma_wait3A_66 = arith.constant 0 : i32
      %dma_wait3A_67 = arith.constant 0 : i32
      %dma_wait3A_68 = tpu.memref_slice %arg5[%add3A_24, %dma_wait3A_66, %dma_wait3A_67] : memref<32x40x128xi32, #tpu.memory_space<hbm>> -> memref<1x40x128xi32, #tpu.memory_space<hbm>>
      %dma_wait3A_69 = tpu.memref_squeeze %dma_wait3A_68 : memref<1x40x128xi32, #tpu.memory_space<hbm>> -> memref<40x128xi32, #tpu.memory_space<hbm>>
      tpu.wait_dma2 semaphore(%run_scoped3A : memref<!tpu.dma_semaphore, #tpu.memory_space<semaphore_mem>>) src(%dma_wait3A_69 : memref<40x128xi32, #tpu.memory_space<hbm>>) dst(%arg13 : memref<40x128xi32, #tpu.memory_space<vmem>>)
      tpu.yield
    }) : () -> ()
    %eq3A_25 = arith.constant 0 : i32
    %eq3A_26 = arith.cmpi eq, %arg0, %eq3A_25 : i32
    %convert_element_type3A_27 = arith.extui %eq3A_26 : i1 to i32
    %cond3A_28 = arith.constant 0 : i32
    %cond3A_29 = arith.cmpi ne, %convert_element_type3A_27, %cond3A_28 : i32
    scf.if %cond3A_29 {
      %scan3A = arith.constant 0 : i32
      %scan3A_56 = arith.constant 0 : i32
      %scan3A_57 = arith.constant 40 : i32
      %scan3A_58 = arith.addi %scan3A_56, %scan3A_57 : i32
      %scan3A_59 = arith.constant 1 : i32
      scf.for %scan3A_61 = %scan3A_56 to %scan3A_58 step %scan3A_59  : i32 {
        %dma_start3A = arith.constant 0 : i32
        %dma_start3A_62 = tpu.memref_slice %arg12[%scan3A_61, %dma_start3A] : memref<40x128xi32, #tpu.memory_space<vmem>> -> memref<1x128xi32, #tpu.memory_space<vmem>>
        %dma_start3A_63 = tpu.memref_squeeze %dma_start3A_62 : memref<1x128xi32, #tpu.memory_space<vmem>> -> memref<128xi32, #tpu.memory_space<vmem>>
        %dma_start3A_64 = arith.constant 0 : i32
        %dma_start3A_65 = arith.constant 0 : i32
        %dma_start3A_66 = tpu.memref_slice %arg2[%dma_start3A_64, %dma_start3A_65] : memref<10240x128xf32, #tpu.memory_space<hbm>> -> memref<10240x128xf32, #tpu.memory_space<hbm>>
        tpu.enqueue_indirect_dma source(%dma_start3A_66 : memref<10240x128xf32, #tpu.memory_space<hbm>>) target(%arg14 : memref<128x128xf32, #tpu.memory_space<vmem>>) offsets(%dma_start3A_63 : memref<128xi32, #tpu.memory_space<vmem>>) semaphore(%arg18 : memref<!tpu.dma_semaphore, #tpu.memory_space<semaphore_mem>>)
        %dma_wait3A = arith.constant 0 : i32
        %dma_wait3A_67 = tpu.memref_slice %arg12[%scan3A_61, %dma_wait3A] : memref<40x128xi32, #tpu.memory_space<vmem>> -> memref<1x128xi32, #tpu.memory_space<vmem>>
        %dma_wait3A_68 = tpu.memref_squeeze %dma_wait3A_67 : memref<1x128xi32, #tpu.memory_space<vmem>> -> memref<128xi32, #tpu.memory_space<vmem>>
        %dma_wait3A_69 = arith.constant 0 : i32
        %dma_wait3A_70 = arith.constant 0 : i32
        %dma_wait3A_71 = tpu.memref_slice %arg2[%dma_wait3A_69, %dma_wait3A_70] : memref<10240x128xf32, #tpu.memory_space<hbm>> -> memref<10240x128xf32, #tpu.memory_space<hbm>>
        tpu.wait_indirect_dma semaphore(%arg18 : memref<!tpu.dma_semaphore, #tpu.memory_space<semaphore_mem>>) src(%dma_wait3A_71 : memref<10240x128xf32, #tpu.memory_space<hbm>>) dst(%arg14 : memref<128x128xf32, #tpu.memory_space<vmem>>)
        "tpu.region"() ({
          %run_scoped3A = tpu.sem_alloc : memref<!tpu.dma_semaphore, #tpu.memory_space<semaphore_mem>>
          %dma_start3A_72 = arith.constant 0 : i32
          %dma_start3A_73 = tpu.memref_slice %arg13[%scan3A_61, %dma_start3A_72] : memref<40x128xi32, #tpu.memory_space<vmem>> -> memref<1x128xi32, #tpu.memory_space<vmem>>
          %dma_start3A_74 = tpu.memref_squeeze %dma_start3A_73 : memref<1x128xi32, #tpu.memory_space<vmem>> -> memref<128xi32, #tpu.memory_space<vmem>>
          %dma_start3A_75 = arith.constant 0 : i32
          %dma_start3A_76 = arith.constant 0 : i32
          %dma_start3A_77 = tpu.memref_slice %arg16[%dma_start3A_75, %dma_start3A_76] : memref<10240x128xf32, #tpu.memory_space<vmem_shared>> -> memref<10240x128xf32, #tpu.memory_space<vmem_shared>>
          tpu.enqueue_indirect_dma source(%arg14 : memref<128x128xf32, #tpu.memory_space<vmem>>) target(%dma_start3A_77 : memref<10240x128xf32, #tpu.memory_space<vmem_shared>>) offsets(%dma_start3A_74 : memref<128xi32, #tpu.memory_space<vmem>>) semaphore(%run_scoped3A : memref<!tpu.dma_semaphore, #tpu.memory_space<semaphore_mem>>) {add = true}
          %dma_wait3A_78 = arith.constant 0 : i32
          %dma_wait3A_79 = tpu.memref_slice %arg13[%scan3A_61, %dma_wait3A_78] : memref<40x128xi32, #tpu.memory_space<vmem>> -> memref<1x128xi32, #tpu.memory_space<vmem>>
          %dma_wait3A_80 = tpu.memref_squeeze %dma_wait3A_79 : memref<1x128xi32, #tpu.memory_space<vmem>> -> memref<128xi32, #tpu.memory_space<vmem>>
          %dma_wait3A_81 = arith.constant 0 : i32
          %dma_wait3A_82 = arith.constant 0 : i32
          %dma_wait3A_83 = tpu.memref_slice %arg16[%dma_wait3A_81, %dma_wait3A_82] : memref<10240x128xf32, #tpu.memory_space<vmem_shared>> -> memref<10240x128xf32, #tpu.memory_space<vmem_shared>>
          tpu.wait_indirect_dma semaphore(%run_scoped3A : memref<!tpu.dma_semaphore, #tpu.memory_space<semaphore_mem>>) src(%arg14 : memref<128x128xf32, #tpu.memory_space<vmem>>) dst(%dma_wait3A_83 : memref<10240x128xf32, #tpu.memory_space<vmem_shared>>)
          tpu.yield
        }) : () -> ()
      }
      %scan3A_60 = arith.constant 40 : i32
    } else {
    }
    %eq3A_30 = arith.constant 1 : i32
    %eq3A_31 = arith.cmpi eq, %arg0, %eq3A_30 : i32
    %convert_element_type3A_32 = arith.extui %eq3A_31 : i1 to i32
    %cond3A_33 = arith.constant 0 : i32
    %cond3A_34 = arith.cmpi ne, %convert_element_type3A_32, %cond3A_33 : i32
    scf.if %cond3A_34 {
      %scan3A = arith.constant 0 : i32
      %scan3A_56 = arith.constant 0 : i32
      %scan3A_57 = arith.constant 40 : i32
      %scan3A_58 = arith.addi %scan3A_56, %scan3A_57 : i32
      %scan3A_59 = arith.constant 1 : i32
      scf.for %scan3A_61 = %scan3A_56 to %scan3A_58 step %scan3A_59  : i32 {
        %dma_start3A = arith.constant 0 : i32
        %dma_start3A_62 = tpu.memref_slice %arg12[%scan3A_61, %dma_start3A] : memref<40x128xi32, #tpu.memory_space<vmem>> -> memref<1x128xi32, #tpu.memory_space<vmem>>
        %dma_start3A_63 = tpu.memref_squeeze %dma_start3A_62 : memref<1x128xi32, #tpu.memory_space<vmem>> -> memref<128xi32, #tpu.memory_space<vmem>>
        %dma_start3A_64 = arith.constant 0 : i32
        %dma_start3A_65 = arith.constant 0 : i32
        %dma_start3A_66 = tpu.memref_slice %arg3[%dma_start3A_64, %dma_start3A_65] : memref<10240x128xf32, #tpu.memory_space<hbm>> -> memref<10240x128xf32, #tpu.memory_space<hbm>>
        tpu.enqueue_indirect_dma source(%dma_start3A_66 : memref<10240x128xf32, #tpu.memory_space<hbm>>) target(%arg14 : memref<128x128xf32, #tpu.memory_space<vmem>>) offsets(%dma_start3A_63 : memref<128xi32, #tpu.memory_space<vmem>>) semaphore(%arg18 : memref<!tpu.dma_semaphore, #tpu.memory_space<semaphore_mem>>)
        %dma_wait3A = arith.constant 0 : i32
        %dma_wait3A_67 = tpu.memref_slice %arg12[%scan3A_61, %dma_wait3A] : memref<40x128xi32, #tpu.memory_space<vmem>> -> memref<1x128xi32, #tpu.memory_space<vmem>>
        %dma_wait3A_68 = tpu.memref_squeeze %dma_wait3A_67 : memref<1x128xi32, #tpu.memory_space<vmem>> -> memref<128xi32, #tpu.memory_space<vmem>>
        %dma_wait3A_69 = arith.constant 0 : i32
        %dma_wait3A_70 = arith.constant 0 : i32
        %dma_wait3A_71 = tpu.memref_slice %arg3[%dma_wait3A_69, %dma_wait3A_70] : memref<10240x128xf32, #tpu.memory_space<hbm>> -> memref<10240x128xf32, #tpu.memory_space<hbm>>
        tpu.wait_indirect_dma semaphore(%arg18 : memref<!tpu.dma_semaphore, #tpu.memory_space<semaphore_mem>>) src(%dma_wait3A_71 : memref<10240x128xf32, #tpu.memory_space<hbm>>) dst(%arg14 : memref<128x128xf32, #tpu.memory_space<vmem>>)
        "tpu.region"() ({
          %run_scoped3A = tpu.sem_alloc : memref<!tpu.dma_semaphore, #tpu.memory_space<semaphore_mem>>
          %dma_start3A_72 = arith.constant 0 : i32
          %dma_start3A_73 = tpu.memref_slice %arg13[%scan3A_61, %dma_start3A_72] : memref<40x128xi32, #tpu.memory_space<vmem>> -> memref<1x128xi32, #tpu.memory_space<vmem>>
          %dma_start3A_74 = tpu.memref_squeeze %dma_start3A_73 : memref<1x128xi32, #tpu.memory_space<vmem>> -> memref<128xi32, #tpu.memory_space<vmem>>
          %dma_start3A_75 = arith.constant 0 : i32
          %dma_start3A_76 = arith.constant 0 : i32
          %dma_start3A_77 = tpu.memref_slice %arg16[%dma_start3A_75, %dma_start3A_76] : memref<10240x128xf32, #tpu.memory_space<vmem_shared>> -> memref<10240x128xf32, #tpu.memory_space<vmem_shared>>
          tpu.enqueue_indirect_dma source(%arg14 : memref<128x128xf32, #tpu.memory_space<vmem>>) target(%dma_start3A_77 : memref<10240x128xf32, #tpu.memory_space<vmem_shared>>) offsets(%dma_start3A_74 : memref<128xi32, #tpu.memory_space<vmem>>) semaphore(%run_scoped3A : memref<!tpu.dma_semaphore, #tpu.memory_space<semaphore_mem>>) {add = true}
          %dma_wait3A_78 = arith.constant 0 : i32
          %dma_wait3A_79 = tpu.memref_slice %arg13[%scan3A_61, %dma_wait3A_78] : memref<40x128xi32, #tpu.memory_space<vmem>> -> memref<1x128xi32, #tpu.memory_space<vmem>>
          %dma_wait3A_80 = tpu.memref_squeeze %dma_wait3A_79 : memref<1x128xi32, #tpu.memory_space<vmem>> -> memref<128xi32, #tpu.memory_space<vmem>>
          %dma_wait3A_81 = arith.constant 0 : i32
          %dma_wait3A_82 = arith.constant 0 : i32
          %dma_wait3A_83 = tpu.memref_slice %arg16[%dma_wait3A_81, %dma_wait3A_82] : memref<10240x128xf32, #tpu.memory_space<vmem_shared>> -> memref<10240x128xf32, #tpu.memory_space<vmem_shared>>
          tpu.wait_indirect_dma semaphore(%run_scoped3A : memref<!tpu.dma_semaphore, #tpu.memory_space<semaphore_mem>>) src(%arg14 : memref<128x128xf32, #tpu.memory_space<vmem>>) dst(%dma_wait3A_83 : memref<10240x128xf32, #tpu.memory_space<vmem_shared>>)
          tpu.yield
        }) : () -> ()
      }
      %scan3A_60 = arith.constant 40 : i32
    } else {
    }
    %eq3A_35 = arith.constant 0 : i32
    %eq3A_36 = arith.cmpi eq, %arg0, %eq3A_35 : i32
    %convert_element_type3A_37 = arith.extui %eq3A_36 : i1 to i32
    %cond3A_38 = arith.constant 0 : i32
    %cond3A_39 = arith.cmpi ne, %convert_element_type3A_37, %cond3A_38 : i32
    scf.if %cond3A_39 {
      %scan3A = arith.constant 0 : i32
      %scan3A_56 = arith.constant 0 : i32
      %scan3A_57 = arith.constant 40 : i32
      %scan3A_58 = arith.addi %scan3A_56, %scan3A_57 : i32
      %scan3A_59 = arith.constant 1 : i32
      scf.for %scan3A_61 = %scan3A_56 to %scan3A_58 step %scan3A_59  : i32 {
        "tpu.region"() ({
          %run_scoped3A = tpu.sem_alloc : memref<!tpu.dma_semaphore, #tpu.memory_space<semaphore_mem>>
          %dma_start3A = arith.constant 0 : i32
          %dma_start3A_62 = tpu.memref_slice %arg13[%scan3A_61, %dma_start3A] : memref<40x128xi32, #tpu.memory_space<vmem>> -> memref<1x128xi32, #tpu.memory_space<vmem>>
          %dma_start3A_63 = tpu.memref_squeeze %dma_start3A_62 : memref<1x128xi32, #tpu.memory_space<vmem>> -> memref<128xi32, #tpu.memory_space<vmem>>
          %dma_start3A_64 = arith.constant 0 : i32
          %dma_start3A_65 = tpu.memref_slice %arg17[%dma_start3A_64] : memref<10240xf32, #tpu.memory_space<vmem_shared>> -> memref<10240xf32, #tpu.memory_space<vmem_shared>>
          tpu.enqueue_indirect_dma source(%arg15 : memref<128xf32, #tpu.memory_space<vmem>>) target(%dma_start3A_65 : memref<10240xf32, #tpu.memory_space<vmem_shared>>) offsets(%dma_start3A_63 : memref<128xi32, #tpu.memory_space<vmem>>) semaphore(%run_scoped3A : memref<!tpu.dma_semaphore, #tpu.memory_space<semaphore_mem>>) {add = true}
          %dma_wait3A = arith.constant 0 : i32
          %dma_wait3A_66 = tpu.memref_slice %arg13[%scan3A_61, %dma_wait3A] : memref<40x128xi32, #tpu.memory_space<vmem>> -> memref<1x128xi32, #tpu.memory_space<vmem>>
          %dma_wait3A_67 = tpu.memref_squeeze %dma_wait3A_66 : memref<1x128xi32, #tpu.memory_space<vmem>> -> memref<128xi32, #tpu.memory_space<vmem>>
          %dma_wait3A_68 = arith.constant 0 : i32
          %dma_wait3A_69 = tpu.memref_slice %arg17[%dma_wait3A_68] : memref<10240xf32, #tpu.memory_space<vmem_shared>> -> memref<10240xf32, #tpu.memory_space<vmem_shared>>
          tpu.wait_indirect_dma semaphore(%run_scoped3A : memref<!tpu.dma_semaphore, #tpu.memory_space<semaphore_mem>>) src(%arg15 : memref<128xf32, #tpu.memory_space<vmem>>) dst(%dma_wait3A_69 : memref<10240xf32, #tpu.memory_space<vmem_shared>>)
          tpu.yield
        }) : () -> ()
      }
      %scan3A_60 = arith.constant 40 : i32
    } else {
    }
    %barrier3A_40 = arith.constant 0 : index
    tpu.barrier barrier_id(%barrier3A_40)
    %eq3A_41 = arith.constant 0 : i32
    %eq3A_42 = arith.cmpi eq, %arg0, %eq3A_41 : i32
    %convert_element_type3A_43 = arith.extui %eq3A_42 : i1 to i32
    %cond3A_44 = arith.constant 0 : i32
    %cond3A_45 = arith.cmpi ne, %convert_element_type3A_43, %cond3A_44 : i32
    scf.if %cond3A_45 {
      "tpu.region"() ({
        %run_scoped3A = tpu.sem_alloc : memref<!tpu.dma_semaphore, #tpu.memory_space<semaphore_mem>>
        %dma_start3A = arith.constant 0 : i32
        %dma_start3A_56 = tpu.memref_slice %arg9[%mul3A_0, %dma_start3A] : memref<10240x128xf32, #tpu.memory_space<hbm>> -> memref<640x128xf32, #tpu.memory_space<hbm>>
        %dma_start3A_57 = arith.constant 0 : i32
        %dma_start3A_58 = tpu.memref_slice %arg16[%mul3A_0, %dma_start3A_57] : memref<10240x128xf32, #tpu.memory_space<vmem_shared>> -> memref<640x128xf32, #tpu.memory_space<vmem_shared>>
        tpu.enqueue_dma source(%dma_start3A_58 : memref<640x128xf32, #tpu.memory_space<vmem_shared>>) target(%dma_start3A_56 : memref<640x128xf32, #tpu.memory_space<hbm>>) target_semaphore(%run_scoped3A : memref<!tpu.dma_semaphore, #tpu.memory_space<semaphore_mem>>)
        %dma_wait3A = arith.constant 0 : i32
        %dma_wait3A_59 = tpu.memref_slice %arg9[%mul3A_0, %dma_wait3A] : memref<10240x128xf32, #tpu.memory_space<hbm>> -> memref<640x128xf32, #tpu.memory_space<hbm>>
        %dma_wait3A_60 = arith.constant 0 : i32
        %dma_wait3A_61 = tpu.memref_slice %arg16[%mul3A_0, %dma_wait3A_60] : memref<10240x128xf32, #tpu.memory_space<vmem_shared>> -> memref<640x128xf32, #tpu.memory_space<vmem_shared>>
        tpu.wait_dma2 semaphore(%run_scoped3A : memref<!tpu.dma_semaphore, #tpu.memory_space<semaphore_mem>>) src(%dma_wait3A_61 : memref<640x128xf32, #tpu.memory_space<vmem_shared>>) dst(%dma_wait3A_59 : memref<640x128xf32, #tpu.memory_space<hbm>>)
        tpu.yield
      }) : () -> ()
    } else {
    }
    %eq3A_46 = arith.constant 1 : i32
    %eq3A_47 = arith.cmpi eq, %arg0, %eq3A_46 : i32
    %convert_element_type3A_48 = arith.extui %eq3A_47 : i1 to i32
    %cond3A_49 = arith.constant 0 : i32
    %cond3A_50 = arith.cmpi ne, %convert_element_type3A_48, %cond3A_49 : i32
    scf.if %cond3A_50 {
      "tpu.region"() ({
        %run_scoped3A = tpu.sem_alloc : memref<!tpu.dma_semaphore, #tpu.memory_space<semaphore_mem>>
        %dma_start3A = arith.constant 0 : i32
        %dma_start3A_56 = tpu.memref_slice %arg10[%mul3A_0, %dma_start3A] : memref<10240x128xf32, #tpu.memory_space<hbm>> -> memref<640x128xf32, #tpu.memory_space<hbm>>
        %dma_start3A_57 = arith.constant 0 : i32
        %dma_start3A_58 = tpu.memref_slice %arg16[%mul3A_0, %dma_start3A_57] : memref<10240x128xf32, #tpu.memory_space<vmem_shared>> -> memref<640x128xf32, #tpu.memory_space<vmem_shared>>
        tpu.enqueue_dma source(%dma_start3A_58 : memref<640x128xf32, #tpu.memory_space<vmem_shared>>) target(%dma_start3A_56 : memref<640x128xf32, #tpu.memory_space<hbm>>) target_semaphore(%run_scoped3A : memref<!tpu.dma_semaphore, #tpu.memory_space<semaphore_mem>>)
        %dma_wait3A = arith.constant 0 : i32
        %dma_wait3A_59 = tpu.memref_slice %arg10[%mul3A_0, %dma_wait3A] : memref<10240x128xf32, #tpu.memory_space<hbm>> -> memref<640x128xf32, #tpu.memory_space<hbm>>
        %dma_wait3A_60 = arith.constant 0 : i32
        %dma_wait3A_61 = tpu.memref_slice %arg16[%mul3A_0, %dma_wait3A_60] : memref<10240x128xf32, #tpu.memory_space<vmem_shared>> -> memref<640x128xf32, #tpu.memory_space<vmem_shared>>
        tpu.wait_dma2 semaphore(%run_scoped3A : memref<!tpu.dma_semaphore, #tpu.memory_space<semaphore_mem>>) src(%dma_wait3A_61 : memref<640x128xf32, #tpu.memory_space<vmem_shared>>) dst(%dma_wait3A_59 : memref<640x128xf32, #tpu.memory_space<hbm>>)
        tpu.yield
      }) : () -> ()
    } else {
    }
    %eq3A_51 = arith.constant 0 : i32
    %eq3A_52 = arith.cmpi eq, %arg0, %eq3A_51 : i32
    %convert_element_type3A_53 = arith.extui %eq3A_52 : i1 to i32
    %cond3A_54 = arith.constant 0 : i32
    %cond3A_55 = arith.cmpi ne, %convert_element_type3A_53, %cond3A_54 : i32
    scf.if %cond3A_55 {
      "tpu.region"() ({
        %run_scoped3A = tpu.sem_alloc : memref<!tpu.dma_semaphore, #tpu.memory_space<semaphore_mem>>
        %dma_start3A = tpu.memref_slice %arg11[%mul3A_0] : memref<10240xf32, #tpu.memory_space<hbm>> -> memref<640xf32, #tpu.memory_space<hbm>>
        %dma_start3A_56 = tpu.memref_slice %arg17[%mul3A_0] : memref<10240xf32, #tpu.memory_space<vmem_shared>> -> memref<640xf32, #tpu.memory_space<vmem_shared>>
        tpu.enqueue_dma source(%dma_start3A_56 : memref<640xf32, #tpu.memory_space<vmem_shared>>) target(%dma_start3A : memref<640xf32, #tpu.memory_space<hbm>>) target_semaphore(%run_scoped3A : memref<!tpu.dma_semaphore, #tpu.memory_space<semaphore_mem>>)
        %dma_wait3A = tpu.memref_slice %arg11[%mul3A_0] : memref<10240xf32, #tpu.memory_space<hbm>> -> memref<640xf32, #tpu.memory_space<hbm>>
        %dma_wait3A_57 = tpu.memref_slice %arg17[%mul3A_0] : memref<10240xf32, #tpu.memory_space<vmem_shared>> -> memref<640xf32, #tpu.memory_space<vmem_shared>>
        tpu.wait_dma2 semaphore(%run_scoped3A : memref<!tpu.dma_semaphore, #tpu.memory_space<semaphore_mem>>) src(%dma_wait3A_57 : memref<640xf32, #tpu.memory_space<vmem_shared>>) dst(%dma_wait3A : memref<640xf32, #tpu.memory_space<hbm>>)
        tpu.yield
      }) : () -> ()
    } else {
    }
    return
  }
}

module attributes {stable_mosaic.version = 14 : i64} {
  func.func @body(%arg0: i32, %arg1: memref<640x128xf32, #tpu.memory_space<vmem>>, %arg2: memref<640x128xf32, #tpu.memory_space<vmem>>, %arg3: memref<640x1xf32, #tpu.memory_space<vmem>>, %arg4: memref<640x256xf32, #tpu.memory_space<vmem>>, %arg5: memref<256x512xf32, #tpu.memory_space<vmem>>, %arg6: memref<1x512xf32, #tpu.memory_space<vmem>>, %arg7: memref<256x512xf32, #tpu.memory_space<vmem>>, %arg8: memref<640x128xf32, #tpu.memory_space<vmem>>, %arg9: memref<640x128xf32, #tpu.memory_space<vmem>>, %arg10: memref<640x128xf32, #tpu.memory_space<vmem>>, %arg11: memref<640x128xf32, #tpu.memory_space<vmem>>) attributes {dimension_semantics = [#tpu.dimension_semantics<arbitrary>], iteration_bounds = array<i64: 16>, scalar_prefetch = 0 : i64, scratch_operands = 0 : i64, tpu.core_type = #tpu.core_type<tc>, window_params = [{transform_indices = @transform_0, window_bounds = array<i64: 640, 128>}, {transform_indices = @transform_1, window_bounds = array<i64: 640, 128>}, {transform_indices = @transform_2, window_bounds = array<i64: 640, 1>}, {transform_indices = @transform_3, window_bounds = array<i64: 640, 256>}, {pipeline_mode = #tpu.pipeline_mode<synchronous>, transform_indices = @transform_4, window_bounds = array<i64: 256, 512>}, {pipeline_mode = #tpu.pipeline_mode<synchronous>, transform_indices = @transform_5, window_bounds = array<i64: 1, 512>}, {pipeline_mode = #tpu.pipeline_mode<synchronous>, transform_indices = @transform_6, window_bounds = array<i64: 256, 512>}, {transform_indices = @transform_7, window_bounds = array<i64: 640, 128>}, {transform_indices = @transform_8, window_bounds = array<i64: 640, 128>}, {transform_indices = @transform_9, window_bounds = array<i64: 640, 128>}, {transform_indices = @transform_10, window_bounds = array<i64: 640, 128>}]} {
    %get3A = arith.constant 0 : index
    %get3A_0 = arith.constant 0 : index
    %get3A_1 = vector.load %arg3[%get3A, %get3A_0] : memref<640x1xf32, #tpu.memory_space<vmem>>, vector<640x1xf32>
    %max3A = arith.constant 1.000000e+00 : f32
    %max3A_2 = vector.broadcast %max3A : f32 to vector<640x1xf32>
    %max3A_3 = arith.maximumf %get3A_1, %max3A_2 : vector<640x1xf32>
    %div3A = arith.constant 1.000000e+00 : f32
    %div3A_4 = vector.broadcast %div3A : f32 to vector<640x1xf32>
    %div3A_5 = arith.divf %div3A_4, %max3A_3 : vector<640x1xf32>
    %get3A_6 = arith.constant 0 : index
    %get3A_7 = arith.constant 0 : index
    %get3A_8 = vector.load %arg1[%get3A_6, %get3A_7] : memref<640x128xf32, #tpu.memory_space<vmem>>, vector<640x128xf32>
    %get3A_9 = arith.constant 0 : index
    %get3A_10 = arith.constant 0 : index
    %get3A_11 = vector.load %arg2[%get3A_9, %get3A_10] : memref<640x128xf32, #tpu.memory_space<vmem>>, vector<640x128xf32>
    %concatenate3A = tpu.concatenate %get3A_8, %get3A_11 in 1 : vector<640x128xf32>, vector<640x128xf32> -> vector<640x256xf32>
    %mul3A = vector.broadcast %div3A_5 : vector<640x1xf32> to vector<640x256xf32>
    %mul3A_12 = arith.mulf %concatenate3A, %mul3A : vector<640x256xf32>
    %get3A_13 = arith.constant 0 : index
    %get3A_14 = arith.constant 0 : index
    %get3A_15 = vector.load %arg5[%get3A_13, %get3A_14] : memref<256x512xf32, #tpu.memory_space<vmem>>, vector<256x512xf32>
    %dot_general3A = arith.constant dense<0.000000e+00> : vector<640x512xf32>
    %dot_general3A_16 = tpu.matmul %mul3A_12, %get3A_15, %dot_general3A {dimension_numbers = #tpu.dot_dimension_numbers<[1], [0], [0], [1], [0, 0, 1, 1], [], []>, transpose_lhs_hint = false} : vector<640x256xf32>, vector<256x512xf32>, vector<640x512xf32> -> vector<640x512xf32>
    %get3A_17 = arith.constant 0 : index
    %get3A_18 = arith.constant 0 : index
    %get3A_19 = vector.load %arg6[%get3A_17, %get3A_18] : memref<1x512xf32, #tpu.memory_space<vmem>>, vector<1x512xf32>
    %add3A = vector.broadcast %get3A_19 : vector<1x512xf32> to vector<640x512xf32>
    %add3A_20 = arith.addf %dot_general3A_16, %add3A : vector<640x512xf32>
    %get3A_21 = arith.constant 0 : index
    %get3A_22 = arith.constant 0 : index
    %get3A_23 = vector.load %arg4[%get3A_21, %get3A_22] : memref<640x256xf32, #tpu.memory_space<vmem>>, vector<640x256xf32>
    %get3A_24 = arith.constant 0 : index
    %get3A_25 = arith.constant 0 : index
    %get3A_26 = vector.load %arg7[%get3A_24, %get3A_25] : memref<256x512xf32, #tpu.memory_space<vmem>>, vector<256x512xf32>
    %dot_general3A_27 = arith.constant dense<0.000000e+00> : vector<640x512xf32>
    %dot_general3A_28 = tpu.matmul %get3A_23, %get3A_26, %dot_general3A_27 {dimension_numbers = #tpu.dot_dimension_numbers<[1], [0], [0], [1], [0, 0, 1, 1], [], []>, transpose_lhs_hint = false} : vector<640x256xf32>, vector<256x512xf32>, vector<640x512xf32> -> vector<640x512xf32>
    %add3A_29 = arith.addf %add3A_20, %dot_general3A_28 : vector<640x512xf32>
    %integer_pow3A = arith.mulf %add3A_29, %add3A_29 : vector<640x512xf32>
    %integer_pow3A_30 = arith.mulf %add3A_29, %integer_pow3A : vector<640x512xf32>
    %mul3A_31 = arith.constant 4.471500e-02 : f32
    %mul3A_32 = vector.broadcast %mul3A_31 : f32 to vector<640x512xf32>
    %mul3A_33 = arith.mulf %mul3A_32, %integer_pow3A_30 : vector<640x512xf32>
    %add3A_34 = arith.addf %add3A_29, %mul3A_33 : vector<640x512xf32>
    %mul3A_35 = arith.constant 0.797884583 : f32
    %mul3A_36 = vector.broadcast %mul3A_35 : f32 to vector<640x512xf32>
    %mul3A_37 = arith.mulf %mul3A_36, %add3A_34 : vector<640x512xf32>
    %tanh3A = math.tanh %mul3A_37 : vector<640x512xf32>
    %add3A_38 = arith.constant 1.000000e+00 : f32
    %add3A_39 = vector.broadcast %add3A_38 : f32 to vector<640x512xf32>
    %add3A_40 = arith.addf %add3A_39, %tanh3A : vector<640x512xf32>
    %mul3A_41 = arith.constant 5.000000e-01 : f32
    %mul3A_42 = vector.broadcast %mul3A_41 : f32 to vector<640x512xf32>
    %mul3A_43 = arith.mulf %mul3A_42, %add3A_40 : vector<640x512xf32>
    %mul3A_44 = arith.mulf %add3A_29, %mul3A_43 : vector<640x512xf32>
    %mul3A_45 = arith.constant 640 : i32
    %mul3A_46 = arith.muli %arg0, %mul3A_45 : i32
    %iota3A = tpu.iota {dimensions = array<i32: 0>} : vector<640x1xi32>
    %add3A_47 = vector.broadcast %mul3A_46 : i32 to vector<640x1xi32>
    %add3A_48 = arith.addi %add3A_47, %iota3A : vector<640x1xi32>
    %lt3A = arith.constant 10000 : i32
    %lt3A_49 = vector.broadcast %lt3A : i32 to vector<640x1xi32>
    %lt3A_50 = arith.cmpi slt, %add3A_48, %lt3A_49 : vector<640x1xi32>
    %jit3A = arith.constant 0.000000e+00 : f32
    %broadcast_in_dim3A = vector.shape_cast %lt3A_50 : vector<640x1xi1> to vector<640x1xi1>
    %broadcast_in_dim3A_51 = vector.broadcast %broadcast_in_dim3A : vector<640x1xi1> to vector<640x512xi1>
    %broadcast_in_dim3A_52 = vector.broadcast %jit3A : f32 to vector<640x512xf32>
    %select_n3A = arith.select %broadcast_in_dim3A_51, %mul3A_44, %broadcast_in_dim3A_52 : vector<640x512xi1>, vector<640x512xf32>
    %slice3A = vector.extract_strided_slice %select_n3A {offsets = [0, 0], sizes = [640, 128], strides = [1, 1]} : vector<640x512xf32> to vector<640x128xf32>
    %swap3A = arith.constant 0 : index
    %swap3A_53 = arith.constant 0 : index
    %swap3A_54 = vector.load %arg8[%swap3A, %swap3A_53] : memref<640x128xf32, #tpu.memory_space<vmem>>, vector<640x128xf32>
    tpu.vector_store %arg8[%swap3A, %swap3A_53], %slice3A {strides = array<i32>} : memref<640x128xf32, #tpu.memory_space<vmem>>, vector<640x128xf32>,
    %slice3A_55 = vector.extract_strided_slice %select_n3A {offsets = [0, 128], sizes = [640, 128], strides = [1, 1]} : vector<640x512xf32> to vector<640x128xf32>
    %swap3A_56 = arith.constant 0 : index
    %swap3A_57 = arith.constant 0 : index
    %swap3A_58 = vector.load %arg9[%swap3A_56, %swap3A_57] : memref<640x128xf32, #tpu.memory_space<vmem>>, vector<640x128xf32>
    tpu.vector_store %arg9[%swap3A_56, %swap3A_57], %slice3A_55 {strides = array<i32>} : memref<640x128xf32, #tpu.memory_space<vmem>>, vector<640x128xf32>,
    %slice3A_59 = vector.extract_strided_slice %select_n3A {offsets = [0, 256], sizes = [640, 128], strides = [1, 1]} : vector<640x512xf32> to vector<640x128xf32>
    %swap3A_60 = arith.constant 0 : index
    %swap3A_61 = arith.constant 0 : index
    %swap3A_62 = vector.load %arg10[%swap3A_60, %swap3A_61] : memref<640x128xf32, #tpu.memory_space<vmem>>, vector<640x128xf32>
    tpu.vector_store %arg10[%swap3A_60, %swap3A_61], %slice3A_59 {strides = array<i32>} : memref<640x128xf32, #tpu.memory_space<vmem>>, vector<640x128xf32>,
    %slice3A_63 = vector.extract_strided_slice %select_n3A {offsets = [0, 384], sizes = [640, 128], strides = [1, 1]} : vector<640x512xf32> to vector<640x128xf32>
    %swap3A_64 = arith.constant 0 : index
    %swap3A_65 = arith.constant 0 : index
    %swap3A_66 = vector.load %arg11[%swap3A_64, %swap3A_65] : memref<640x128xf32, #tpu.memory_space<vmem>>, vector<640x128xf32>
    tpu.vector_store %arg11[%swap3A_64, %swap3A_65], %slice3A_63 {strides = array<i32>} : memref<640x128xf32, #tpu.memory_space<vmem>>, vector<640x128xf32>,
    return
  }
  func.func @transform_0(%arg0: i32) -> (i32, i32) {
    %c0_i32 = arith.constant 0 : i32
    %c0_i32_0 = arith.constant 0 : i32
    return %arg0, %c0_i32 : i32, i32
  }
  func.func @transform_1(%arg0: i32) -> (i32, i32) {
    %c0_i32 = arith.constant 0 : i32
    %c0_i32_0 = arith.constant 0 : i32
    return %arg0, %c0_i32 : i32, i32
  }
  func.func @transform_2(%arg0: i32) -> (i32, i32) {
    %c0_i32 = arith.constant 0 : i32
    %c0_i32_0 = arith.constant 0 : i32
    return %arg0, %c0_i32 : i32, i32
  }
  func.func @transform_3(%arg0: i32) -> (i32, i32) {
    %c0_i32 = arith.constant 0 : i32
    %c0_i32_0 = arith.constant 0 : i32
    return %arg0, %c0_i32 : i32, i32
  }
  func.func @transform_4(%arg0: i32) -> (i32, i32) {
    %c0_i32 = arith.constant 0 : i32
    %c0_i32_0 = arith.constant 0 : i32
    %c0_i32_1 = arith.constant 0 : i32
    return %c0_i32, %c0_i32_0 : i32, i32
  }
  func.func @transform_5(%arg0: i32) -> (i32, i32) {
    %c0_i32 = arith.constant 0 : i32
    %c0_i32_0 = arith.constant 0 : i32
    %c0_i32_1 = arith.constant 0 : i32
    return %c0_i32, %c0_i32_0 : i32, i32
  }
  func.func @transform_6(%arg0: i32) -> (i32, i32) {
    %c0_i32 = arith.constant 0 : i32
    %c0_i32_0 = arith.constant 0 : i32
    %c0_i32_1 = arith.constant 0 : i32
    return %c0_i32, %c0_i32_0 : i32, i32
  }
  func.func @transform_7(%arg0: i32) -> (i32, i32) {
    %c0_i32 = arith.constant 0 : i32
    %c0_i32_0 = arith.constant 0 : i32
    return %arg0, %c0_i32 : i32, i32
  }
  func.func @transform_8(%arg0: i32) -> (i32, i32) {
    %c0_i32 = arith.constant 0 : i32
    %c0_i32_0 = arith.constant 0 : i32
    return %arg0, %c0_i32 : i32, i32
  }
  func.func @transform_9(%arg0: i32) -> (i32, i32) {
    %c0_i32 = arith.constant 0 : i32
    %c0_i32_0 = arith.constant 0 : i32
    return %arg0, %c0_i32 : i32, i32
  }
  func.func @transform_10(%arg0: i32) -> (i32, i32) {
    %c0_i32 = arith.constant 0 : i32
    %c0_i32_0 = arith.constant 0 : i32
    return %arg0, %c0_i32 : i32, i32
  }
}

module attributes {stable_mosaic.version = 14 : i64} {
  func.func @body(%arg0: i32, %arg1: memref<640x128xf32, #tpu.memory_space<vmem>>, %arg2: memref<640x128xf32, #tpu.memory_space<vmem>>, %arg3: memref<640x128xf32, #tpu.memory_space<vmem>>, %arg4: memref<640x128xf32, #tpu.memory_space<vmem>>, %arg5: memref<640x1xf32, #tpu.memory_space<vmem>>, %arg6: memref<640x128xf32, #tpu.memory_space<vmem>>, %arg7: memref<640x128xf32, #tpu.memory_space<vmem>>, %arg8: memref<640x128xf32, #tpu.memory_space<vmem>>, %arg9: memref<640x128xf32, #tpu.memory_space<vmem>>, %arg10: memref<512x512xf32, #tpu.memory_space<vmem>>, %arg11: memref<1x512xf32, #tpu.memory_space<vmem>>, %arg12: memref<512x512xf32, #tpu.memory_space<vmem>>, %arg13: memref<1x512xf32, #tpu.memory_space<vmem>>, %arg14: memref<1x1xf32, #tpu.memory_space<vmem>>, %arg15: memref<640x1xf32, #tpu.memory_space<vmem>>) attributes {dimension_semantics = [#tpu.dimension_semantics<arbitrary>], iteration_bounds = array<i64: 16>, scalar_prefetch = 0 : i64, scratch_operands = 0 : i64, tpu.core_type = #tpu.core_type<tc>, window_params = [{transform_indices = @transform_0, window_bounds = array<i64: 640, 128>}, {transform_indices = @transform_1, window_bounds = array<i64: 640, 128>}, {transform_indices = @transform_2, window_bounds = array<i64: 640, 128>}, {transform_indices = @transform_3, window_bounds = array<i64: 640, 128>}, {transform_indices = @transform_4, window_bounds = array<i64: 640, 1>}, {transform_indices = @transform_5, window_bounds = array<i64: 640, 128>}, {transform_indices = @transform_6, window_bounds = array<i64: 640, 128>}, {transform_indices = @transform_7, window_bounds = array<i64: 640, 128>}, {transform_indices = @transform_8, window_bounds = array<i64: 640, 128>}, {pipeline_mode = #tpu.pipeline_mode<synchronous>, transform_indices = @transform_9, window_bounds = array<i64: 512, 512>}, {pipeline_mode = #tpu.pipeline_mode<synchronous>, transform_indices = @transform_10, window_bounds = array<i64: 1, 512>}, {pipeline_mode = #tpu.pipeline_mode<synchronous>, transform_indices = @transform_11, window_bounds = array<i64: 512, 512>}, {pipeline_mode = #tpu.pipeline_mode<synchronous>, transform_indices = @transform_12, window_bounds = array<i64: 1, 512>}, {pipeline_mode = #tpu.pipeline_mode<synchronous>, transform_indices = @transform_13, window_bounds = array<i64: 1, 1>}, {transform_indices = @transform_14, window_bounds = array<i64: 640, 1>}]} {
    %get3A = arith.constant 0 : index
    %get3A_0 = arith.constant 0 : index
    %get3A_1 = vector.load %arg5[%get3A, %get3A_0] : memref<640x1xf32, #tpu.memory_space<vmem>>, vector<640x1xf32>
    %max3A = arith.constant 1.000000e+00 : f32
    %max3A_2 = vector.broadcast %max3A : f32 to vector<640x1xf32>
    %max3A_3 = arith.maximumf %get3A_1, %max3A_2 : vector<640x1xf32>
    %div3A = arith.constant 1.000000e+00 : f32
    %div3A_4 = vector.broadcast %div3A : f32 to vector<640x1xf32>
    %div3A_5 = arith.divf %div3A_4, %max3A_3 : vector<640x1xf32>
    %get3A_6 = arith.constant 0 : index
    %get3A_7 = arith.constant 0 : index
    %get3A_8 = vector.load %arg1[%get3A_6, %get3A_7] : memref<640x128xf32, #tpu.memory_space<vmem>>, vector<640x128xf32>
    %get3A_9 = arith.constant 0 : index
    %get3A_10 = arith.constant 0 : index
    %get3A_11 = vector.load %arg2[%get3A_9, %get3A_10] : memref<640x128xf32, #tpu.memory_space<vmem>>, vector<640x128xf32>
    %get3A_12 = arith.constant 0 : index
    %get3A_13 = arith.constant 0 : index
    %get3A_14 = vector.load %arg3[%get3A_12, %get3A_13] : memref<640x128xf32, #tpu.memory_space<vmem>>, vector<640x128xf32>
    %get3A_15 = arith.constant 0 : index
    %get3A_16 = arith.constant 0 : index
    %get3A_17 = vector.load %arg4[%get3A_15, %get3A_16] : memref<640x128xf32, #tpu.memory_space<vmem>>, vector<640x128xf32>
    %concatenate3A = tpu.concatenate %get3A_8, %get3A_11, %get3A_14, %get3A_17 in 1 : vector<640x128xf32>, vector<640x128xf32>, vector<640x128xf32>, vector<640x128xf32> -> vector<640x512xf32>
    %mul3A = vector.broadcast %div3A_5 : vector<640x1xf32> to vector<640x512xf32>
    %mul3A_18 = arith.mulf %concatenate3A, %mul3A : vector<640x512xf32>
    %get3A_19 = arith.constant 0 : index
    %get3A_20 = arith.constant 0 : index
    %get3A_21 = vector.load %arg6[%get3A_19, %get3A_20] : memref<640x128xf32, #tpu.memory_space<vmem>>, vector<640x128xf32>
    %get3A_22 = arith.constant 0 : index
    %get3A_23 = arith.constant 0 : index
    %get3A_24 = vector.load %arg7[%get3A_22, %get3A_23] : memref<640x128xf32, #tpu.memory_space<vmem>>, vector<640x128xf32>
    %get3A_25 = arith.constant 0 : index
    %get3A_26 = arith.constant 0 : index
    %get3A_27 = vector.load %arg8[%get3A_25, %get3A_26] : memref<640x128xf32, #tpu.memory_space<vmem>>, vector<640x128xf32>
    %get3A_28 = arith.constant 0 : index
    %get3A_29 = arith.constant 0 : index
    %get3A_30 = vector.load %arg9[%get3A_28, %get3A_29] : memref<640x128xf32, #tpu.memory_space<vmem>>, vector<640x128xf32>
    %concatenate3A_31 = tpu.concatenate %get3A_21, %get3A_24, %get3A_27, %get3A_30 in 1 : vector<640x128xf32>, vector<640x128xf32>, vector<640x128xf32>, vector<640x128xf32> -> vector<640x512xf32>
    %get3A_32 = arith.constant 0 : index
    %get3A_33 = arith.constant 0 : index
    %get3A_34 = vector.load %arg10[%get3A_32, %get3A_33] : memref<512x512xf32, #tpu.memory_space<vmem>>, vector<512x512xf32>
    %dot_general3A = arith.constant dense<0.000000e+00> : vector<640x512xf32>
    %dot_general3A_35 = tpu.matmul %mul3A_18, %get3A_34, %dot_general3A {dimension_numbers = #tpu.dot_dimension_numbers<[1], [0], [0], [1], [0, 0, 1, 1], [], []>, transpose_lhs_hint = false} : vector<640x512xf32>, vector<512x512xf32>, vector<640x512xf32> -> vector<640x512xf32>
    %get3A_36 = arith.constant 0 : index
    %get3A_37 = arith.constant 0 : index
    %get3A_38 = vector.load %arg11[%get3A_36, %get3A_37] : memref<1x512xf32, #tpu.memory_space<vmem>>, vector<1x512xf32>
    %add3A = vector.broadcast %get3A_38 : vector<1x512xf32> to vector<640x512xf32>
    %add3A_39 = arith.addf %dot_general3A_35, %add3A : vector<640x512xf32>
    %get3A_40 = arith.constant 0 : index
    %get3A_41 = arith.constant 0 : index
    %get3A_42 = vector.load %arg12[%get3A_40, %get3A_41] : memref<512x512xf32, #tpu.memory_space<vmem>>, vector<512x512xf32>
    %dot_general3A_43 = arith.constant dense<0.000000e+00> : vector<640x512xf32>
    %dot_general3A_44 = tpu.matmul %concatenate3A_31, %get3A_42, %dot_general3A_43 {dimension_numbers = #tpu.dot_dimension_numbers<[1], [0], [0], [1], [0, 0, 1, 1], [], []>, transpose_lhs_hint = false} : vector<640x512xf32>, vector<512x512xf32>, vector<640x512xf32> -> vector<640x512xf32>
    %add3A_45 = arith.addf %add3A_39, %dot_general3A_44 : vector<640x512xf32>
    %integer_pow3A = arith.mulf %add3A_45, %add3A_45 : vector<640x512xf32>
    %integer_pow3A_46 = arith.mulf %add3A_45, %integer_pow3A : vector<640x512xf32>
    %mul3A_47 = arith.constant 4.471500e-02 : f32
    %mul3A_48 = vector.broadcast %mul3A_47 : f32 to vector<640x512xf32>
    %mul3A_49 = arith.mulf %mul3A_48, %integer_pow3A_46 : vector<640x512xf32>
    %add3A_50 = arith.addf %add3A_45, %mul3A_49 : vector<640x512xf32>
    %mul3A_51 = arith.constant 0.797884583 : f32
    %mul3A_52 = vector.broadcast %mul3A_51 : f32 to vector<640x512xf32>
    %mul3A_53 = arith.mulf %mul3A_52, %add3A_50 : vector<640x512xf32>
    %tanh3A = math.tanh %mul3A_53 : vector<640x512xf32>
    %add3A_54 = arith.constant 1.000000e+00 : f32
    %add3A_55 = vector.broadcast %add3A_54 : f32 to vector<640x512xf32>
    %add3A_56 = arith.addf %add3A_55, %tanh3A : vector<640x512xf32>
    %mul3A_57 = arith.constant 5.000000e-01 : f32
    %mul3A_58 = vector.broadcast %mul3A_57 : f32 to vector<640x512xf32>
    %mul3A_59 = arith.mulf %mul3A_58, %add3A_56 : vector<640x512xf32>
    %mul3A_60 = arith.mulf %add3A_45, %mul3A_59 : vector<640x512xf32>
    %get3A_61 = arith.constant 0 : index
    %get3A_62 = arith.constant 0 : index
    %get3A_63 = vector.load %arg13[%get3A_61, %get3A_62] : memref<1x512xf32, #tpu.memory_space<vmem>>, vector<1x512xf32>
    %mul3A_64 = vector.broadcast %get3A_63 : vector<1x512xf32> to vector<640x512xf32>
    %mul3A_65 = arith.mulf %mul3A_60, %mul3A_64 : vector<640x512xf32>
    %reduce_sum3A = arith.constant dense<0.000000e+00> : vector<640xf32>
    %reduce_sum3A_66 = vector.multi_reduction <add>, %mul3A_65, %reduce_sum3A [1] : vector<640x512xf32> to vector<640xf32>
    %broadcast_in_dim3A = vector.shape_cast %reduce_sum3A_66 : vector<640xf32> to vector<640x1xf32>
    %get3A_67 = arith.constant 0 : index
    %get3A_68 = arith.constant 0 : index
    %get3A_69 = vector.load %arg14[%get3A_67, %get3A_68] : memref<1x1xf32, #tpu.memory_space<vmem>>, vector<1x1xf32>
    %get3A_70 = vector.extract %get3A_69[0, 0] : f32 from vector<1x1xf32>
    %add3A_71 = vector.broadcast %get3A_70 : f32 to vector<640x1xf32>
    %add3A_72 = arith.addf %broadcast_in_dim3A, %add3A_71 : vector<640x1xf32>
    %swap3A = arith.constant 0 : index
    %swap3A_73 = arith.constant 0 : index
    %swap3A_74 = vector.load %arg15[%swap3A, %swap3A_73] : memref<640x1xf32, #tpu.memory_space<vmem>>, vector<640x1xf32>
    tpu.vector_store %arg15[%swap3A, %swap3A_73], %add3A_72 {strides = array<i32>} : memref<640x1xf32, #tpu.memory_space<vmem>>, vector<640x1xf32>,
    return
  }
  func.func @transform_0(%arg0: i32) -> (i32, i32) {
    %c0_i32 = arith.constant 0 : i32
    %c0_i32_0 = arith.constant 0 : i32
    return %arg0, %c0_i32 : i32, i32
  }
  func.func @transform_1(%arg0: i32) -> (i32, i32) {
    %c0_i32 = arith.constant 0 : i32
    %c0_i32_0 = arith.constant 0 : i32
    return %arg0, %c0_i32 : i32, i32
  }
  func.func @transform_2(%arg0: i32) -> (i32, i32) {
    %c0_i32 = arith.constant 0 : i32
    %c0_i32_0 = arith.constant 0 : i32
    return %arg0, %c0_i32 : i32, i32
  }
  func.func @transform_3(%arg0: i32) -> (i32, i32) {
    %c0_i32 = arith.constant 0 : i32
    %c0_i32_0 = arith.constant 0 : i32
    return %arg0, %c0_i32 : i32, i32
  }
  func.func @transform_4(%arg0: i32) -> (i32, i32) {
    %c0_i32 = arith.constant 0 : i32
    %c0_i32_0 = arith.constant 0 : i32
    return %arg0, %c0_i32 : i32, i32
  }
  func.func @transform_5(%arg0: i32) -> (i32, i32) {
    %c0_i32 = arith.constant 0 : i32
    %c0_i32_0 = arith.constant 0 : i32
    return %arg0, %c0_i32 : i32, i32
  }
  func.func @transform_6(%arg0: i32) -> (i32, i32) {
    %c0_i32 = arith.constant 0 : i32
    %c0_i32_0 = arith.constant 0 : i32
    return %arg0, %c0_i32 : i32, i32
  }
  func.func @transform_7(%arg0: i32) -> (i32, i32) {
    %c0_i32 = arith.constant 0 : i32
    %c0_i32_0 = arith.constant 0 : i32
    return %arg0, %c0_i32 : i32, i32
  }
  func.func @transform_8(%arg0: i32) -> (i32, i32) {
    %c0_i32 = arith.constant 0 : i32
    %c0_i32_0 = arith.constant 0 : i32
    return %arg0, %c0_i32 : i32, i32
  }
  func.func @transform_9(%arg0: i32) -> (i32, i32) {
    %c0_i32 = arith.constant 0 : i32
    %c0_i32_0 = arith.constant 0 : i32
    %c0_i32_1 = arith.constant 0 : i32
    return %c0_i32, %c0_i32_0 : i32, i32
  }
  func.func @transform_10(%arg0: i32) -> (i32, i32) {
    %c0_i32 = arith.constant 0 : i32
    %c0_i32_0 = arith.constant 0 : i32
    %c0_i32_1 = arith.constant 0 : i32
    return %c0_i32, %c0_i32_0 : i32, i32
  }
  func.func @transform_11(%arg0: i32) -> (i32, i32) {
    %c0_i32 = arith.constant 0 : i32
    %c0_i32_0 = arith.constant 0 : i32
    %c0_i32_1 = arith.constant 0 : i32
    return %c0_i32, %c0_i32_0 : i32, i32
  }
  func.func @transform_12(%arg0: i32) -> (i32, i32) {
    %c0_i32 = arith.constant 0 : i32
    %c0_i32_0 = arith.constant 0 : i32
    %c0_i32_1 = arith.constant 0 : i32
    return %c0_i32, %c0_i32_0 : i32, i32
  }
  func.func @transform_13(%arg0: i32) -> (i32, i32) {
    %c0_i32 = arith.constant 0 : i32
    %c0_i32_0 = arith.constant 0 : i32
    %c0_i32_1 = arith.constant 0 : i32
    return %c0_i32, %c0_i32_0 : i32, i32
  }
  func.func @transform_14(%arg0: i32) -> (i32, i32) {
    %c0_i32 = arith.constant 0 : i32
    %c0_i32_0 = arith.constant 0 : i32
    return %arg0, %c0_i32 : i32, i32
  }
}

</mosaic_0001>

<sc_bundles>
// kernel: kernel.6.cloned.1.call-start
scs
__scs_entry_jumppad:
0x0: {  	(pc) =	sbr.rel $0x88, $3  }
0x1: {  	(tag) =	ssettag $0x0;
	lr =	simm.s32 $0x1  }
0x2: {  	[smem:$0x3F97] =	sst lr;
	_ =	strace $0xD0000000  }
0x3: {  	_ = 	snop  }
0x4: {  	_ = 	snop  }
0x5: {  	_ = 	snop  }
0x6: {  	_ = 	snop  }
0x7: {  	_ = 	snop  }
__scs_overlays_trampoline_lowered:
0x8: {  	[smem:$0x3FA6] =	sst s0  }
0x9: {  	[smem:$0x3FA7] =	sst s1  }
0xa: {  	[smem:$0x3FA8] =	sst s2  }
0xb: {  	[smem:$0x3FA9] =	sst s3  }
0xc: {  	[smem:$0x3FAA] =	sst s4  }
0xd: {  	[smem:$0x3FAB] =	sst s5  }
0xe: {  	[smem:$0x3FAC] =	sst s6  }
0xf: {  	[smem:$0x3FAD] =	sst s7  }
0x10: {  	[smem:$0x3FAE] =	sst s8  }
0x11: {  	[smem:$0x3FAF] =	sst s9;
	s0 =	simm.s32 @!p0 $0x0  }
0x12: {  	s1 =	sld [smem:$0x3F95];
	s0 =	simm.s32 @p0 $0x1  }
0x13: {  	[smem:$0x3FB0] =	sst s0;
	s0 =	simm.s32 @!p1 $0x0  }
0x14: {  	s2 =	sld [smem:$0x3F94];
	s0 =	simm.s32 @p1 $0x1  }
0x15: {  	[smem:$0x3FB1] =	sst s0;
	s0 =	simm.s32 @!p2 $0x0  }
0x16: {  	s3 =	sld [smem:$0x3FDB];
	s0 =	simm.s32 @p2 $0x1  }
0x17: {  	s4 =	simm.s32 $0x1BF5;
	[smem:$0x3FB3] =	sst s0  }
0x18: {  	s0 =	sld [smem:$0x3F96];
	_ =	swait.ge [sflag:s4], $0x0  }
0x19: {  	s7 =	sld [smem:$0x3F97]  }
0x1a: {  	s8 =	sadd.s32 $0xFFFFE003, lr  }
0x1b: {  	s9 =	sadd.s32 $0xFFFFFEF7, lr;
	s5 =	simm.s32 $0xFFFFFFFF;
	p2 =	slt.u32 s8, $0xFFFFF086  }
0x1c: {  	p1 =	slt.u32 s9, $0xF7A;
	s5 =	simm.s32 @!p2 $0x0  }
0x1d: {  	s5 =	simm.s32 @p1 $0x1;
	p0 =	seq.s32 s7, s2  }
0x1e: {  	s7 =	smul.u32 @!p0 $0xF7A, s2;
	p2 =	seq.s32 @!p0 s5, $0x0  }
0x1f: {  	s9 =	smul.u32 $0xF7A, s1;
	s8 =	simm.s32 @!p0 $0x1BF5;
	p2 =	por !p2, p0  }
0x20: {  	[sflag:s8] =	ssyncset.s32 @!p0 $0xFFFFF086;
	s6 =	sadd.s32 @!p0 s3, s7;
	s7 =	simm.s32 @!p0 $0x108  }
0x21: {  	s3 =	sadd.s32 s3, s9;
	s6 =	sadd.s32 @!p0 $0x88, s6;
	s7 =	simm.s32 @p2 $0x1082  }
0x22: {  	[simem:s7], [sflag:s8] =	dma.local @!p0 [hbm:s6], $0xF7A  }
0x23: {  	s9 =	sor.u32 $0xD0000000, s2;
	s6 =	simm.s32 $0x108;
	_ =	swait.ge @!p0 [sflag:s8], $0x0  }
0x24: {  	s3 =	sadd.s32 $0x88, s3;
	s6 =	simm.s32 @!p1 $0x1082;
	[sflag:s4] =	ssyncset.s32 $0xFFFFF086  }
0x25: {  	[simem:s6], [sflag:s4] =	dma.local [hbm:s3], $0xF7A  }
0x26: {  	[smem:$0x3F97] =	sst s1;
	(tag) =	ssettag s2;
	_ =	strace s9  }
0x27: {  	s1 =	sld [smem:$0x3FA7]  }
0x28: {  	s2 =	sld [smem:$0x3FA8]  }
0x29: {  	s4 =	sld [smem:$0x3FAA]  }
0x2a: {  	p0 =	seq.s32 s5, $0x0;
	s5 =	sld [smem:$0x3FAB]  }
0x2b: {  	s6 =	sld [smem:$0x3FAC]  }
0x2c: {  	s7 =	sld [smem:$0x3FAD]  }
0x2d: {  	s3 =	simm.s32 $0x108;
	s8 =	sld [smem:$0x3FAE]  }
0x2e: {  	s3 =	simm.s32 @!p0 $0x1082;
	s9 =	sld [smem:$0x3FAF]  }
0x2f: {  	lr =	sadd.s32 s0, s3;
	s0 =	sld [smem:$0x3FA6]  }
0x30: {  	s3 =	sld [smem:$0x3FA9]  }
0x31: {  	[smem:$0x3FB2] =	sst s10  }
0x32: {  	s10 =	sld [smem:$0x3FB0];
	_ =	sdelay $0x3  }
0x33: {  	p0 =	seq.s32 s10, $0x1;
	s10 =	sld [smem:$0x3FB2];
	_ =	sdelay $0x3  }
0x34: {  	[smem:$0x3FB2] =	sst s10  }
0x35: {  	s10 =	sld [smem:$0x3FB1];
	_ =	sdelay $0x3  }
0x36: {  	p1 =	seq.s32 s10, $0x1;
	s10 =	sld [smem:$0x3FB2];
	_ =	sdelay $0x3  }
0x37: {  	[smem:$0x3FB2] =	sst s10  }
0x38: {  	s10 =	sld [smem:$0x3FB3]  }
0x39: {  	_ = 	snop;
	(pc) =	sbr.ind lr, $3  }
0x3a: {  	_ = 	snop  }
0x3b: {  	_ = 	snop  }
0x3c: {  	p2 =	seq.s32 s10, $0x1;
	s10 =	sld [smem:$0x3FB2]  }
0x3d: {  	_ =	shalt  }
0x3e: {  	_ =	shalt  }
0x3f: {  	_ =	shalt  }
0x40: {  	_ =	shalt  }
0x41: {  	_ =	shalt  }
0x42: {  	_ =	shalt  }
0x43: {  	_ =	shalt  }
0x44: {  	_ =	shalt  }
0x45: {  	_ =	shalt  }
0x46: {  	_ =	shalt  }
0x47: {  	_ =	shalt  }
0x48: {  	_ =	shalt  }
0x49: {  	_ =	shalt  }
0x4a: {  	_ =	shalt  }
0x4b: {  	_ =	shalt  }
0x4c: {  	_ =	shalt  }
0x4d: {  	_ =	shalt  }
0x4e: {  	_ =	shalt  }
0x4f: {  	_ =	shalt  }
0x50: {  	_ =	shalt  }
0x51: {  	_ =	shalt  }
0x52: {  	_ =	shalt  }
0x53: {  	_ =	shalt  }
0x54: {  	_ =	shalt  }
0x55: {  	_ =	shalt  }
0x56: {  	_ =	shalt  }
0x57: {  	_ =	shalt  }
0x58: {  	_ =	shalt  }
0x59: {  	_ =	shalt  }
0x5a: {  	_ =	shalt  }
0x5b: {  	_ =	shalt  }
0x5c: {  	_ =	shalt  }
0x5d: {  	_ =	shalt  }
0x5e: {  	_ =	shalt  }
0x5f: {  	_ =	shalt  }
0x60: {  	_ =	shalt  }
0x61: {  	_ =	shalt  }
0x62: {  	_ =	shalt  }
0x63: {  	_ =	shalt  }
0x64: {  	_ =	shalt  }
0x65: {  	_ =	shalt  }
0x66: {  	_ =	shalt  }
0x67: {  	_ =	shalt  }
0x68: {  	_ =	shalt  }
0x69: {  	_ =	shalt  }
0x6a: {  	_ =	shalt  }
0x6b: {  	_ =	shalt  }
0x6c: {  	_ =	shalt  }
0x6d: {  	_ =	shalt  }
0x6e: {  	_ =	shalt  }
0x6f: {  	_ =	shalt  }
0x70: {  	_ =	shalt  }
0x71: {  	_ =	shalt  }
0x72: {  	_ =	shalt  }
0x73: {  	_ =	shalt  }
0x74: {  	_ =	shalt  }
0x75: {  	_ =	shalt  }
0x76: {  	_ =	shalt  }
0x77: {  	_ =	shalt  }
0x78: {  	_ =	shalt  }
0x79: {  	_ =	shalt  }
0x7a: {  	_ =	shalt  }
0x7b: {  	_ =	shalt  }
0x7c: {  	_ =	shalt  }
0x7d: {  	_ =	shalt  }
0x7e: {  	_ =	shalt  }
0x7f: {  	_ =	shalt  }
0x80: {  	_ =	shalt  }
0x81: {  	_ =	shalt  }
0x82: {  	_ =	shalt  }
0x83: {  	_ =	shalt  }
0x84: {  	_ =	shalt  }
0x85: {  	_ =	shalt  }
0x86: {  	_ =	shalt  }
0x87: {  	_ =	shalt  }
.Lfunc_end0:
.L_simem_size_0:
called_computation_lowered:
.L_overlay_start_0:
0x88: {  	s2 =	sld [smem:$0x3FD9]  }
0x89: {  	s3 =	sld [smem:$0x3FFE];
	_ =	sdelay $0x1  }
0x8a: {  	s1 =	srdreg.scid  }
0x8b: {  	s0 =	sand.u32 $0x1, s1  }
0x8c: {  	s17 =	sshll.u32 s0, $0xA;
	s2 =	sadd.s32 s3, s2  }
0x8d: {  	s2 =	sadd.s32 s2, s17  }
0x8e: {  	[smem:$0x3FBE] =	sst s2  }
0x8f: {  	_ = 	snop  }
0x90: {  	s2 =	sld [smem:$0x3FD0];
	(tm) =	ssettm $0x1  }
0x91: {  	s18 =	sld [smem:$0x3FFB];
	_ =	sdelay $0x3  }
0x92: {  	_ =	strace s18  }
0x93: {  	s3 =	sld [smem:$0x3FFC];
	_ =	sdelay $0x3  }
0x94: {  	_ =	strace s3  }
0x95: {  	s3 =	sld [smem:$0x3FFD];
	_ =	sdelay $0x3  }
0x96: {  	_ =	strace s3  }
0x97: {  	_ =	strace $0x8FFFFFFF  }
0x98: {  	s19 =	sld [smem:$0x3FDB];
	_ =	sdelay $0x1  }
0x99: {  	s4 =	simm.s32 $_scs_section_size  }
0x9a: {  	s5 =	simm.s32 $_size__tile_overlayer_lowered;
	s6 =	simm.s32 $_tile_overlayer_lowered  }
0x9b: {  	s22 =	simm.s32 $0x1BFF;
	s21 =	sshll.u32 s6, $0x1;
	s3 =	sadd.s32 s4, s19  }
0x9c: {  	s7 =	simm.s32 $0x0;
	s20 =	sshll.u32 s5, $0x1;
	s5 =	sadd.s32 s21, s3  }
0x9d: {  	[timem:s7], [sflag:s22] =	dma.local [hbm:s5], s20  }
0x9e: {  	_ =	swait.ge [sflag:s22], s20  }
0x9f: {  	s4 =	ssub.s32 $0x0, s20;
	[sflag:s22] =	ssyncset.done $0x0  }
0xa0: {  	[sflag:s22] =	ssyncadd.s32 s4;
	_ =	sdelay $0x1  }
0xa1: {  	s23 =	simm.s32 $0x1B8B  }
0xa2: {  	_ =	swait.ge [sflag:s23], $0x1  }
0xa3: {  	[sflag:s23] =	ssyncset.done $0x0  }
0xa4: {  	s25 =	simm.s32 $0x1B8E;
	s24 =	sld [smem:$0x3FFE];
	[sflag:s23] =	ssyncadd.s32 $0xFFFFFFFF  }
0xa5: {  	s26 =	simm.s32 $execute0_lowered;
	[smem:$0x3FD2] =	sst s25  }
0xa6: {  	s5 =	sshll.u32 s26, $0x1;
	_ =	strace $0x80000046;
	[dreg:$0x1] =	wrdreg $0xFFFFFFFF  }
0xa7: {  	s28 =	simm.s32 $_size_execute0_lowered;
	s3 =	sadd.s32 s3, s5;
	[dreg:$0x0] =	wrdreg $0x0  }
0xa8: {  	s5 =	sshll.u32 s28, $0x1;
	[dreg:$0x2] =	wrdreg s3  }
0xa9: {  	[dreg:$0x3] =	wrdreg s5  }
0xaa: {  	[dreg:$0x4] =	wrdreg $0xC0  }
0xab: {  	_ =	task [dreg:s7], $0x5FFFF  }
0xac: {  	[dreg:$0x1] =	wrdreg $0xFFFFFFFF  }
0xad: {  	[dreg:$0x0] =	wrdreg $0x60  }
0xae: {  	[dreg:$0x2] =	wrdreg s24  }
0xaf: {  	[dreg:$0x3] =	wrdreg s2  }
0xb0: {  	[dreg:$0x4] =	wrdreg $0x68800  }
0xb1: {  	[dreg:$0x5] =	wrdreg $0x1A8800  }
0xb2: {  	[dreg:$0x6] =	wrdreg $0x9  }
0xb3: {  	_ =	task.clear_ibuf [dreg:s7], $0x7FFFF;
	_ =	strace $0x90000046  }
0xb4: {  	s29 =	simm.s32 $0x9;
	_ =	strace $0x80000048  }
0xb5: {  	_ =	swait.ge [sflag:s29], $0x1  }
0xb6: {  	[sflag:s29] =	ssyncadd.s32 $0xFFFFFFFF  }
0xb7: {  	_ =	strace $0x90000048  }
0xb8: {  	_ =	sfence  }
0xb9: {  	s30 =	sld [smem:$0x0];
	_ =	sdelay $0x2  }
0xba: {  	s31 =	sshll.u32 s1, $0xD;
	s1 =	sshrl.u32 s1, $0x2  }
0xbb: {  	s3 =	sand.u32 $0x4000, s31;
	s1 =	sadd.s32 s1, s30  }
0xbc: {  	s0 =	sor.u32 s3, s0;
	s1 =	sshll.u32 s1, $0x11  }
0xbd: {  	s0 =	sor.u32 s1, s0  }
0xbe: {  	s0 =	sadd.s32 $0x8F2B, s0  }
0xbf: {  	[sflag:s0] =	ssyncadd.remote.s32 $0x1  }
0xc0: {  	_ =	sfence.sel $0xFFFF  }
0xc1: {  	[dreg:$0x0] =	wrdreg $0xFFFFFFFF;
	(pc) =	sbr.abs _section_cstart, $3  }
0xc2: {  	[dreg:$0x1] =	wrdreg $0xFFFFFFFF  }
0xc3: {  	_ =	task.clear_ibuf [dreg:s7], $0x2FFFF;
	_ =	strace $0x9FFFFFFF  }
0xc4: {  	(tm) =	ssettm $0x7FFFFFFF  }
0xc5: {  	_ =	shalt  }
tec
execute0_lowered:
.L_overlay_start_1:
0x0: {  	(tag) =	ssettag $0x1  }
0x1: {  	s0 =	rddreg [dreg:$0x0]  }
0x2: {  	s18 =	rddreg [dreg:$0x1]  }
0x3: {  	s1 =	rddreg [dreg:$0x2]  }
0x4: {  	s2 =	rddreg [dreg:$0x3];
	s3 =	simm.s32 $0x0  }
0x5: {  	s5 =	stileid.u32;
	s9 =	srdreg.scid;
	s22 =	simm.s32 $0x1400  }
0x6: {  	s23 =	simm.s32 $0x80;
	s24 =	simm.s32 $0x2800;
	s25 =	simm.s32 $0x1  }
0x7: {  	s26 =	simm.s32 $0x0;
	[smem:$0x7FF] =	sst s3;
	s4 =	sadd.s32 $0x34C00, s0  }
0x8: {  	s6 =	sadd.s32 $0xCC00, s0;
	s14 =	sadd.s32 $0x7C00, s0;
	s12 =	smul.u32 $0x2800, s5  }
0x9: {  	s15 =	sadd.s32 $0x2C00, s0;
	s7 =	sadd.s32 $0x5D000, s0;
	s11 =	smul.u32 $0x50000, s5  }
0xa: {  	s8 =	sadd.s32 $0x5CE00, s0;
	s20 =	sand.u32 $0x1, s9;
	s16 =	smul.u32 $0x280, s5  }
0xb: {  	s9 =	sadd.s32 $0x5CC00, s0;
	s30 =	smul.u32 $0x500, s5;
	_ =	strace $0x80000047  }
0xc: {  	s10 =	ssub.s32 $0x2, s20;
	p0 =	sne.s32 s20, $0x0;
	s20 =	simm.s32 $0x6800  }
0xd: {  	s0 =	sadd.s32 s12, s0;
	s13 =	sshrl.u32 s10, $0x1;
	s29 =	sshrl.u32 s11, $0x2  }
0xe: {  	s11 =	sadd.s32 s16, s2;
	s17 =	sshrl.u32 s12, $0x3;
	s12 =	sadd.s32 s14, s30  }
.Ltmp0:
0xf: {  	s21 =	sshrl.u32 s16, $0x3;
	s19 =	ssub.s32 s10, s13;
	(pc) =	sbr.rel .LBB2_1-.Ltmp0, $4  }
0x10: {  	s10 =	sadd.s32 s29, s1;
	s13 =	sadd.s32 s15, s30;
	s17 =	sadd.s32 $0x280, s17  }
0x11: {  	s31 =	sadd.s32 $0x5F800, s0;
	s0 =	sadd.s32 $0x87800, s0;
	s18 =	sadd.s32 s18, s21  }
0x12: {  	s21 =	simm.s32 $0x2;
	s14 =	sadd.s32 s14, s17;
	[dreg:$0x5] =	wrdreg s31  }
0x13: {  	s15 =	sadd.s32 s15, s17;
	[dreg:$0x6] =	wrdreg s0;
	s19 =	smax.u32 s19, $0x1  }
.LBB2_21:
0x14: {  	s0 =	sshra.s32 s30, $0x2;
	[sflag:s21] =	ssyncadd.s32 $0xFFFFC000  }
0x15: {  	[tilespmem:s24], [sflag:$0x1] =	stream.indirect.gather [hbm4b:s6+s23], $0x80, s0, s23, $0xb8;
	[tilespmem:$0x1AB00] =	vst v63  }
0x16: {  	_ =	swait.ge [sflag:s25], $0x4000  }
0x17: {  	[sflag:s25] =	ssyncset.done $0x0  }
0x18: {  	s0 =	sadd.s32 $0x1400, s0;
	[sflag:s25] =	ssyncadd.s32 $0xFFFFC000  }
0x19: {  	[spmem:s1] =	stream.indirect.scatter.add.f32 [tilespmem:s24], [sflag:$0x2], $0x80, s0, s23, $0xb8;
	[tilespmem:$0x1AB00] =	vst v63  }
0x1a: {  	_ =	swait.ge [sflag:s21], $0x4000  }
0x1b: {  	[sflag:s21] =	ssyncset.done $0x0  }
0x1c: {  	[sflag:s21] =	ssyncadd.s32 $0xFFFFC000  }
0x1d: {  	[bflag:$0x0] =	sbarrier.arrive $0xFFFF  }
0x1e: {  	s31 =	rddreg [dreg:$0x6]  }
0x1f: {  	[hbm:s31], [sflag:s28] =	dma.local [spmem:s29], $0x2800  }
0x20: {  	_ =	swait.ge [sflag:s21], $0x2800  }
0x21: {  	[sflag:s21] =	ssyncset.done $0x0  }
0x22: {  	[sflag:s21] =	ssyncadd.s32 $0xFFFFD800  }
.LBB2_22:
0x23: {  	s26 =	sadd.s32 $0x1, s26  }
0x24: {  	p1 =	sne.s32 s26, s19  }
.Ltmp1:
0x25: {  	_ = 	snop;
	(pc) =	sbr.rel @!p1 .LBB2_23-.Ltmp1, $1  }
0x26: {  	_ =	sdelay $0x3  }
.LBB2_1:
0x27: {  	[tilespmem:s20], [sflag:$0x2] =	stream.linear.gather [hbm4b:s9+s3], $0x80, $0x38;
	[tilespmem:$0x1AB00] =	vst v63  }
0x28: {  	_ =	swait.ge [sflag:s21], $0x80  }
0x29: {  	s0 =	sshll.u32 s5, $0x6;
	[sflag:s21] =	ssyncset.done $0x0  }
0x2a: {  	s29 =	sshrl.u32 s10, $0x3;
	s28 =	sor.u32 $0x1C02, s0;
	[sflag:s21] =	ssyncadd.s32 $0xFFFFFF80  }
0x2b: {  	[spmem:s29], [sflag:s28] =	dma.local [hbm:s7], $0x2800  }
0x2c: {  	_ =	swait.ge [sflag:s21], $0x2800  }
0x2d: {  	[sflag:s21] =	ssyncset.done $0x0  }
0x2e: {  	s0 =	sshrl.u32 @!p0 s11, $0x3;
	[sflag:s21] =	ssyncadd.s32 $0xFFFFD800  }
0x2f: {  	[spmem:s0], [sflag:s28] =	dma.local @!p0 [hbm:s8], $0x50  }
0x30: {  	s0 =	simm.s32 @!p0 $0x2  }
0x31: {  	_ =	swait.ge @!p0 [sflag:s0], $0x50  }
0x32: {  	[sflag:s0] =	ssyncset.done @!p0 $0x0  }
0x33: {  	[sflag:s0] =	ssyncadd.s32 @!p0 $0xFFFFFFB0  }
0x34: {  	[bflag:$0x0] =	sbarrier.arrive $0xFFFF  }
0x35: {  	[tilespmem:s3], [sflag:$0x2] =	stream.linear.gather [hbm4b:s12+s3], $0x1400, $0x38;
	[tilespmem:$0x1AB00] =	vst v63  }
0x36: {  	_ =	swait.ge [sflag:s21], $0x1400  }
0x37: {  	[sflag:s21] =	ssyncset.done $0x0  }
.Ltmp2:
0x38: {  	[sflag:s21] =	ssyncadd.s32 $0xFFFFEC00;
	(pc) =	sbr.rel @p0 .LBB2_10-.Ltmp2, $4  }
0x39: {  	[tilespmem:s22], [sflag:$0x2] =	stream.linear.gather [hbm4b:s13+s3], $0x1400, $0x38;
	[tilespmem:$0x1AB00] =	vst v63  }
0x3a: {  	_ =	swait.ge [sflag:s21], $0x1400  }
0x3b: {  	[sflag:s21] =	ssyncset.done $0x0  }
0x3c: {  	[sflag:s21] =	ssyncadd.s32 $0xFFFFEC00  }
0x3d: {  	p2 =	por $0x0, $0x0  }
.Ltmp3:
0x3e: {  	_ = 	snop;
	(pc) =	sbr.rel @p2 .LBB2_7-.Ltmp3, $2  }
0x3f: {  	_ =	sdelay $0x2  }
0x40: {  	s30 =	simm.s32 $0x200;
	p1 =	por $0x0, $0x0;
	s0 =	simm.s32 $0x0  }
0x41: {  	s0 =	simm.s32 $0x0  }
0x42: {  	[tilespmem:s24], [sflag:$0x1] =	stream.indirect.gather [hbm4b:s4+s23], $0x80, s0, s23, $0xb8;
	[tilespmem:$0x1AB00] =	vst v63  }
0x43: {  	p2 =	por $0x0, $0x0;
	_ =	swait.ge [sflag:s25], $0x4000  }
.Ltmp4:
0x44: {  	[sflag:s25] =	ssyncset.done $0x0;
	(pc) =	sbr.rel @p2 .LBB2_4-.Ltmp4, $4  }
0x45: {  	s17 =	simm.s32 $0x1400;
	[sflag:s25] =	ssyncadd.s32 $0xFFFFC000  }
0x46: {  	[spmem:s1] =	stream.indirect.scatter.add.f32 [tilespmem:s24], [sflag:$0x2], $0x80, s17, s23, $0xb8;
	[tilespmem:$0x1AB00] =	vst v63  }
0x47: {  	_ =	swait.ge [sflag:s21], $0x4000  }
0x48: {  	s31 =	simm.s32 $0x400;
	p1 =	por $0x1, $0x1;
	[sflag:s21] =	ssyncset.done $0x0  }
.LBB2_5:
0x49: {  	s0 =	sshra.s32 s30, $0x2  }
0x4a: {  	[sflag:s21] =	ssyncadd.s32 $0xFFFFC000;
	s30 =	smov.u32 s31;
	s16 =	sadd.s32 $0x200, s31  }
0x4b: {  	[tilespmem:s24], [sflag:$0x1] =	stream.indirect.gather [hbm4b:s4+s23], $0x80, s0, s23, $0xb8;
	[tilespmem:$0x1AB00] =	vst v63  }
0x4c: {  	p2 =	seq.s32 s31, $0x4E00;
	_ =	swait.ge [sflag:s25], $0x4000  }
.Ltmp5:
0x4d: {  	[sflag:s25] =	ssyncset.done $0x0;
	(pc) =	sbr.rel @!p2 .LBB2_5-.Ltmp5, $4  }
0x4e: {  	s0 =	sadd.s32 $0x1400, s0;
	[sflag:s25] =	ssyncadd.s32 $0xFFFFC000  }
0x4f: {  	[spmem:s1] =	stream.indirect.scatter.add.f32 [tilespmem:s24], [sflag:$0x2], $0x80, s0, s23, $0xb8;
	[tilespmem:$0x1AB00] =	vst v63  }
0x50: {  	_ =	swait.ge [sflag:s21], $0x4000  }
0x51: {  	s31 =	smov.u32 s16;
	[sflag:s21] =	ssyncset.done $0x0  }
0x52: {  	s0 =	smov.u32 s30  }
.LBB2_7:
0x53: {  	s0 =	sshra.s32 s0, $0x2;
	[sflag:s21] =	ssyncadd.s32 @p1 $0xFFFFC000  }
0x54: {  	[tilespmem:s24], [sflag:$0x1] =	stream.indirect.gather [hbm4b:s4+s23], $0x80, s0, s23, $0xb8;
	[tilespmem:$0x1AB00] =	vst v63  }
0x55: {  	_ =	swait.ge [sflag:s25], $0x4000  }
0x56: {  	[sflag:s25] =	ssyncset.done $0x0  }
0x57: {  	s0 =	sadd.s32 $0x1400, s0;
	[sflag:s25] =	ssyncadd.s32 $0xFFFFC000  }
0x58: {  	[spmem:s1] =	stream.indirect.scatter.add.f32 [tilespmem:s24], [sflag:$0x2], $0x80, s0, s23, $0xb8;
	[tilespmem:$0x1AB00] =	vst v63  }
0x59: {  	_ =	swait.ge [sflag:s21], $0x4000  }
0x5a: {  	[sflag:s21] =	ssyncset.done $0x0  }
0x5b: {  	s31 =	simm.s32 $0x1400;
	[sflag:s21] =	ssyncadd.s32 $0xFFFFC000  }
0x5c: {  	[spmem:s2] =	stream.indirect.scatter.add.f32 [tilespmem:s20], [sflag:$0x2], $0x1, s31, s23, $0xb8;
	[tilespmem:$0x1AB00] =	vst v63  }
0x5d: {  	s30 =	simm.s32 $0x200;
	_ =	swait.ge [sflag:s21], $0x80  }
.LBB2_8:
0x5e: {  	s0 =	sshra.s32 s30, $0x2;
	[sflag:s21] =	ssyncset.done $0x0;
	p1 =	sne.s32 s30, $0x4E00  }
.Ltmp6:
0x5f: {  	s0 =	sadd.s32 $0x1400, s0;
	[sflag:s21] =	ssyncadd.s32 $0xFFFFFF80;
	(pc) =	sbr.rel @p1 .LBB2_8-.Ltmp6, $3  }
0x60: {  	[spmem:s2] =	stream.indirect.scatter.add.f32 [tilespmem:s20], [sflag:$0x2], $0x1, s0, s23, $0xb8;
	[tilespmem:$0x1AB00] =	vst v63  }
0x61: {  	s30 =	sadd.s32 $0x200, s30;
	_ =	sdelay $0x1  }
0x62: {  	_ =	swait.ge [sflag:s21], $0x80  }
.Ltmp7:
0x63: {  	(pc) =	sbr.rel .LBB2_13-.Ltmp7, $3  }
0x64: {  	_ =	sdelay $0x1  }
0x65: {  	[sflag:s21] =	ssyncset.done $0x0  }
0x66: {  	[sflag:s21] =	ssyncadd.s32 $0xFFFFFF80  }
.LBB2_10:
0x67: {  	s0 =	simm.s32 $0x0  }
0x68: {  	[tilespmem:s24], [sflag:$0x1] =	stream.indirect.gather [hbm4b:s6+s23], $0x80, s0, s23, $0xb8;
	[tilespmem:$0x1AB00] =	vst v63  }
0x69: {  	_ =	swait.ge [sflag:s25], $0x4000  }
0x6a: {  	[sflag:s25] =	ssyncset.done $0x0  }
0x6b: {  	s31 =	simm.s32 $0x1400;
	[sflag:s25] =	ssyncadd.s32 $0xFFFFC000  }
0x6c: {  	[spmem:s1] =	stream.indirect.scatter.add.f32 [tilespmem:s24], [sflag:$0x2], $0x80, s31, s23, $0xb8;
	[tilespmem:$0x1AB00] =	vst v63  }
0x6d: {  	_ =	swait.ge [sflag:s21], $0x4000  }
0x6e: {  	s30 =	simm.s32 $0x200;
	s0 =	simm.s32 $0x400;
	[sflag:s21] =	ssyncset.done $0x0  }
.LBB2_11:
0x6f: {  	s16 =	sshra.s32 s30, $0x2  }
0x70: {  	[sflag:s21] =	ssyncadd.s32 $0xFFFFC000;
	s30 =	smov.u32 s0;
	s31 =	sadd.s32 $0x200, s0  }
0x71: {  	[tilespmem:s24], [sflag:$0x1] =	stream.indirect.gather [hbm4b:s6+s23], $0x80, s16, s23, $0xb8;
	[tilespmem:$0x1AB00] =	vst v63  }
0x72: {  	p1 =	seq.s32 s0, $0x4E00;
	_ =	swait.ge [sflag:s25], $0x4000  }
.Ltmp8:
0x73: {  	[sflag:s25] =	ssyncset.done $0x0;
	(pc) =	sbr.rel @!p1 .LBB2_11-.Ltmp8, $4  }
0x74: {  	s0 =	sadd.s32 $0x1400, s16;
	[sflag:s25] =	ssyncadd.s32 $0xFFFFC000  }
0x75: {  	[spmem:s1] =	stream.indirect.scatter.add.f32 [tilespmem:s24], [sflag:$0x2], $0x80, s0, s23, $0xb8;
	[tilespmem:$0x1AB00] =	vst v63  }
0x76: {  	_ =	swait.ge [sflag:s21], $0x4000  }
0x77: {  	s0 =	smov.u32 s31;
	[sflag:s21] =	ssyncset.done $0x0  }
0x78: {  	s0 =	sshra.s32 s30, $0x2;
	[sflag:s21] =	ssyncadd.s32 $0xFFFFC000  }
0x79: {  	[tilespmem:s24], [sflag:$0x1] =	stream.indirect.gather [hbm4b:s6+s23], $0x80, s0, s23, $0xb8;
	[tilespmem:$0x1AB00] =	vst v63  }
0x7a: {  	_ =	swait.ge [sflag:s25], $0x4000  }
0x7b: {  	[sflag:s25] =	ssyncset.done $0x0  }
0x7c: {  	s0 =	sadd.s32 $0x1400, s0;
	[sflag:s25] =	ssyncadd.s32 $0xFFFFC000  }
0x7d: {  	[spmem:s1] =	stream.indirect.scatter.add.f32 [tilespmem:s24], [sflag:$0x2], $0x80, s0, s23, $0xb8;
	[tilespmem:$0x1AB00] =	vst v63  }
0x7e: {  	_ =	swait.ge [sflag:s21], $0x4000  }
0x7f: {  	[sflag:s21] =	ssyncset.done $0x0  }
0x80: {  	[sflag:s21] =	ssyncadd.s32 $0xFFFFC000  }
.LBB2_13:
0x81: {  	s0 =	simm.s32 $0x0  }
0x82: {  	[tilespmem:s0], [sflag:$0x2] =	stream.linear.gather [hbm4b:s14+s0], $0x1400, $0x38;
	[tilespmem:$0x1AB00] =	vst v63  }
0x83: {  	_ =	swait.ge [sflag:s21], $0x1400  }
0x84: {  	[sflag:s21] =	ssyncset.done $0x0  }
.Ltmp9:
0x85: {  	[sflag:s21] =	ssyncadd.s32 $0xFFFFEC00;
	(pc) =	sbr.rel @p0 .LBB2_19-.Ltmp9, $4  }
0x86: {  	[tilespmem:s22], [sflag:$0x2] =	stream.linear.gather [hbm4b:s15+s0], $0x1400, $0x38;
	[tilespmem:$0x1AB00] =	vst v63  }
0x87: {  	_ =	swait.ge [sflag:s21], $0x1400  }
0x88: {  	[sflag:s21] =	ssyncset.done $0x0  }
0x89: {  	s0 =	simm.s32 $0x0;
	[sflag:s21] =	ssyncadd.s32 $0xFFFFEC00  }
0x8a: {  	[tilespmem:s24], [sflag:$0x1] =	stream.indirect.gather [hbm4b:s4+s23], $0x80, s0, s23, $0xb8;
	[tilespmem:$0x1AB00] =	vst v63  }
0x8b: {  	_ =	swait.ge [sflag:s25], $0x4000  }
0x8c: {  	[sflag:s25] =	ssyncset.done $0x0  }
0x8d: {  	s17 =	simm.s32 $0x1400;
	[sflag:s25] =	ssyncadd.s32 $0xFFFFC000  }
0x8e: {  	[spmem:s1] =	stream.indirect.scatter.add.f32 [tilespmem:s24], [sflag:$0x2], $0x80, s17, s23, $0xb8;
	[tilespmem:$0x1AB00] =	vst v63  }
0x8f: {  	s30 =	simm.s32 $0x200;
	_ =	swait.ge [sflag:s21], $0x4000  }
0x90: {  	s0 =	simm.s32 $0x400;
	s31 =	simm.s32 $0x200;
	[sflag:s21] =	ssyncset.done $0x0  }
.LBB2_15:
0x91: {  	s16 =	sshra.s32 s31, $0x2  }
0x92: {  	[sflag:s21] =	ssyncadd.s32 $0xFFFFC000;
	s31 =	smov.u32 s0;
	s17 =	sadd.s32 $0x200, s0  }
0x93: {  	[tilespmem:s24], [sflag:$0x1] =	stream.indirect.gather [hbm4b:s4+s23], $0x80, s16, s23, $0xb8;
	[tilespmem:$0x1AB00] =	vst v63  }
0x94: {  	p1 =	seq.s32 s0, $0x4E00;
	_ =	swait.ge [sflag:s25], $0x4000  }
.Ltmp10:
0x95: {  	[sflag:s25] =	ssyncset.done $0x0;
	(pc) =	sbr.rel @!p1 .LBB2_15-.Ltmp10, $4  }
0x96: {  	s0 =	sadd.s32 $0x1400, s16;
	[sflag:s25] =	ssyncadd.s32 $0xFFFFC000  }
0x97: {  	[spmem:s1] =	stream.indirect.scatter.add.f32 [tilespmem:s24], [sflag:$0x2], $0x80, s0, s23, $0xb8;
	[tilespmem:$0x1AB00] =	vst v63  }
0x98: {  	_ =	swait.ge [sflag:s21], $0x4000  }
0x99: {  	s0 =	smov.u32 s17;
	[sflag:s21] =	ssyncset.done $0x0  }
0x9a: {  	s0 =	sshra.s32 s31, $0x2;
	[sflag:s21] =	ssyncadd.s32 $0xFFFFC000  }
0x9b: {  	[tilespmem:s24], [sflag:$0x1] =	stream.indirect.gather [hbm4b:s4+s23], $0x80, s0, s23, $0xb8;
	[tilespmem:$0x1AB00] =	vst v63  }
0x9c: {  	_ =	swait.ge [sflag:s25], $0x4000  }
0x9d: {  	[sflag:s25] =	ssyncset.done $0x0  }
0x9e: {  	s0 =	sadd.s32 $0x1400, s0;
	[sflag:s25] =	ssyncadd.s32 $0xFFFFC000  }
0x9f: {  	[spmem:s1] =	stream.indirect.scatter.add.f32 [tilespmem:s24], [sflag:$0x2], $0x80, s0, s23, $0xb8;
	[tilespmem:$0x1AB00] =	vst v63  }
0xa0: {  	_ =	swait.ge [sflag:s21], $0x4000  }
0xa1: {  	[sflag:s21] =	ssyncset.done $0x0  }
0xa2: {  	s31 =	simm.s32 $0x1400;
	[sflag:s21] =	ssyncadd.s32 $0xFFFFC000  }
0xa3: {  	[spmem:s2] =	stream.indirect.scatter.add.f32 [tilespmem:s20], [sflag:$0x2], $0x1, s31, s23, $0xb8;
	[tilespmem:$0x1AB00] =	vst v63  }
0xa4: {  	_ =	swait.ge [sflag:s21], $0x80  }
.LBB2_17:
0xa5: {  	s0 =	sshra.s32 s30, $0x2;
	[sflag:s21] =	ssyncset.done $0x0;
	p1 =	seq.s32 s30, $0x4E00  }
.Ltmp11:
0xa6: {  	s0 =	sadd.s32 $0x1400, s0;
	[sflag:s21] =	ssyncadd.s32 $0xFFFFFF80;
	(pc) =	sbr.rel @!p1 .LBB2_17-.Ltmp11, $3  }
0xa7: {  	[spmem:s2] =	stream.indirect.scatter.add.f32 [tilespmem:s20], [sflag:$0x2], $0x1, s0, s23, $0xb8;
	[tilespmem:$0x1AB00] =	vst v63  }
0xa8: {  	s30 =	sadd.s32 $0x200, s30;
	_ =	sdelay $0x1  }
0xa9: {  	_ =	swait.ge [sflag:s21], $0x80  }
0xaa: {  	[sflag:s21] =	ssyncset.done $0x0  }
0xab: {  	[sflag:s21] =	ssyncadd.s32 $0xFFFFFF80  }
0xac: {  	[bflag:$0x0] =	sbarrier.arrive $0xFFFF  }
0xad: {  	s0 =	rddreg [dreg:$0x5]  }
0xae: {  	[hbm:s0], [sflag:s28] =	dma.local [spmem:s29], $0x2800  }
0xaf: {  	_ =	swait.ge [sflag:s21], $0x2800  }
0xb0: {  	[sflag:s21] =	ssyncset.done $0x0  }
.Ltmp12:
0xb1: {  	s31 =	sshrl.u32 s11, $0x3;
	[sflag:s21] =	ssyncadd.s32 $0xFFFFD800;
	(pc) =	sbr.rel .LBB2_22-.Ltmp12, $4  }
0xb2: {  	[hbm:s18], [sflag:s28] =	dma.local [spmem:s31], $0x50  }
0xb3: {  	_ =	swait.ge [sflag:s21], $0x50  }
0xb4: {  	[sflag:s21] =	ssyncset.done $0x0  }
0xb5: {  	[sflag:s21] =	ssyncadd.s32 $0xFFFFFFB0  }
.LBB2_19:
0xb6: {  	[tilespmem:s24], [sflag:$0x1] =	stream.indirect.gather [hbm4b:s6+s23], $0x80, s0, s23, $0xb8;
	[tilespmem:$0x1AB00] =	vst v63  }
0xb7: {  	_ =	swait.ge [sflag:s25], $0x4000  }
0xb8: {  	[sflag:s25] =	ssyncset.done $0x0  }
0xb9: {  	s31 =	simm.s32 $0x1400;
	[sflag:s25] =	ssyncadd.s32 $0xFFFFC000  }
0xba: {  	[spmem:s1] =	stream.indirect.scatter.add.f32 [tilespmem:s24], [sflag:$0x2], $0x80, s31, s23, $0xb8;
	[tilespmem:$0x1AB00] =	vst v63  }
0xbb: {  	_ =	swait.ge [sflag:s21], $0x4000  }
0xbc: {  	s30 =	simm.s32 $0x200;
	s0 =	simm.s32 $0x400;
	[sflag:s21] =	ssyncset.done $0x0  }
.LBB2_20:
0xbd: {  	s16 =	sshra.s32 s30, $0x2  }
0xbe: {  	[sflag:s21] =	ssyncadd.s32 $0xFFFFC000;
	s30 =	smov.u32 s0;
	s17 =	sadd.s32 $0x200, s0  }
0xbf: {  	[tilespmem:s24], [sflag:$0x1] =	stream.indirect.gather [hbm4b:s6+s23], $0x80, s16, s23, $0xb8;
	[tilespmem:$0x1AB00] =	vst v63  }
0xc0: {  	p1 =	seq.s32 s0, $0x4E00;
	_ =	swait.ge [sflag:s25], $0x4000  }
.Ltmp13:
0xc1: {  	[sflag:s25] =	ssyncset.done $0x0;
	(pc) =	sbr.rel @!p1 .LBB2_20-.Ltmp13, $4  }
0xc2: {  	s0 =	sadd.s32 $0x1400, s16;
	[sflag:s25] =	ssyncadd.s32 $0xFFFFC000  }
0xc3: {  	[spmem:s1] =	stream.indirect.scatter.add.f32 [tilespmem:s24], [sflag:$0x2], $0x80, s0, s23, $0xb8;
	[tilespmem:$0x1AB00] =	vst v63  }
0xc4: {  	_ =	swait.ge [sflag:s21], $0x4000  }
0xc5: {  	s0 =	smov.u32 s17;
	[sflag:s21] =	ssyncset.done $0x0  }
.Ltmp14:
0xc6: {  	_ = 	snop;
	(pc) =	sbr.rel .LBB2_21-.Ltmp14, $1  }
0xc7: {  	_ =	sdelay $0x3  }
.LBB2_4:
.Ltmp15:
0xc8: {  	(pc) =	sbr.rel .LBB2_7-.Ltmp15, $2  }
0xc9: {  	_ =	sdelay $0x2  }
0xca: {  	s0 =	simm.s32 $0x200  }
.LBB2_23:
0xcb: {  	_ =	sfence.sel $0x180000  }
0xcc: {  	[bflag:$0x0] =	sbarrier.arrive $0xFFFF  }
0xcd: {  	_ =	strace $0x90000047  }
0xce: {  	[bflag:$0x2] =	sbarrier.arrive $0xFFFF  }
0xcf: {  	p0 =	sne.s32 s5, $0x0;
	s0 =	rddreg [dreg:$0x4]  }
0xd0: {  	s0 =	sadd.s32 @!p0 $0x100000, s0  }
0xd1: {  	[sflag:s0] =	ssyncadd.tile.s32 @!p0 $0x1;
	_ =	shalt  }
.Lfunc_end2:
_tile_overlayer_lowered:
.L_overlay_start_2:
0xd2: {  	(tag) =	ssettag $0x2  }
0xd3: {  	s0 =	rddreg [dreg:$0x0];
	s2 =	stileid.u32  }
0xd4: {  	s1 =	rddreg [dreg:$0x1];
	p0 =	sne.s32 s2, $0x0  }
0xd5: {  	s3 =	rddreg [dreg:$0x2];
	[bflag:$0x3] =	sbarrier.arrive $0xFFFF;
	s2 =	simm.s32 @!p0 $0x1C02  }
0xd6: {  	[timem:s3], [sflag:s2] =	dma.local @!p0 [hbm:s0], s1  }
0xd7: {  	s0 =	simm.s32 @!p0 $0x2  }
0xd8: {  	_ =	swait.ge @!p0 [sflag:s0], s1  }
0xd9: {  	s1 =	ssub.s32 @!p0 $0x0, s1;
	[sflag:s0] =	ssyncset.done @!p0 $0x0  }
0xda: {  	[sflag:s0] =	ssyncadd.s32 @!p0 s1  }
0xdb: {  	[bflag:$0x3] =	sbarrier.arrive $0xFFFF  }
0xdc: {  	_ =	shalt  }

// kernel: kernel.9.cloned.1.call-start
scs
__scs_entry_jumppad:
0x0: {  	(pc) =	sbr.rel $0x88, $3  }
0x1: {  	(tag) =	ssettag $0x0;
	lr =	simm.s32 $0x1  }
0x2: {  	[smem:$0x3F97] =	sst lr;
	_ =	strace $0xD0000000  }
0x3: {  	_ = 	snop  }
0x4: {  	_ = 	snop  }
0x5: {  	_ = 	snop  }
0x6: {  	_ = 	snop  }
0x7: {  	_ = 	snop  }
__scs_overlays_trampoline_lowered:
0x8: {  	[smem:$0x3FA6] =	sst s0  }
0x9: {  	[smem:$0x3FA7] =	sst s1  }
0xa: {  	[smem:$0x3FA8] =	sst s2  }
0xb: {  	[smem:$0x3FA9] =	sst s3  }
0xc: {  	[smem:$0x3FAA] =	sst s4  }
0xd: {  	[smem:$0x3FAB] =	sst s5  }
0xe: {  	[smem:$0x3FAC] =	sst s6  }
0xf: {  	[smem:$0x3FAD] =	sst s7  }
0x10: {  	[smem:$0x3FAE] =	sst s8  }
0x11: {  	[smem:$0x3FAF] =	sst s9;
	s0 =	simm.s32 @!p0 $0x0  }
0x12: {  	s1 =	sld [smem:$0x3F95];
	s0 =	simm.s32 @p0 $0x1  }
0x13: {  	[smem:$0x3FB0] =	sst s0;
	s0 =	simm.s32 @!p1 $0x0  }
0x14: {  	s2 =	sld [smem:$0x3F94];
	s0 =	simm.s32 @p1 $0x1  }
0x15: {  	[smem:$0x3FB1] =	sst s0;
	s0 =	simm.s32 @!p2 $0x0  }
0x16: {  	s3 =	sld [smem:$0x3FDB];
	s0 =	simm.s32 @p2 $0x1  }
0x17: {  	s4 =	simm.s32 $0x1BF5;
	[smem:$0x3FB3] =	sst s0  }
0x18: {  	s0 =	sld [smem:$0x3F96];
	_ =	swait.ge [sflag:s4], $0x0  }
0x19: {  	s7 =	sld [smem:$0x3F97]  }
0x1a: {  	s8 =	sadd.s32 $0xFFFFE003, lr  }
0x1b: {  	s9 =	sadd.s32 $0xFFFFFEF7, lr;
	s5 =	simm.s32 $0xFFFFFFFF;
	p2 =	slt.u32 s8, $0xFFFFF086  }
0x1c: {  	p1 =	slt.u32 s9, $0xF7A;
	s5 =	simm.s32 @!p2 $0x0  }
0x1d: {  	s5 =	simm.s32 @p1 $0x1;
	p0 =	seq.s32 s7, s2  }
0x1e: {  	s7 =	smul.u32 @!p0 $0xF7A, s2;
	p2 =	seq.s32 @!p0 s5, $0x0  }
0x1f: {  	s9 =	smul.u32 $0xF7A, s1;
	s8 =	simm.s32 @!p0 $0x1BF5;
	p2 =	por !p2, p0  }
0x20: {  	[sflag:s8] =	ssyncset.s32 @!p0 $0xFFFFF086;
	s6 =	sadd.s32 @!p0 s3, s7;
	s7 =	simm.s32 @!p0 $0x108  }
0x21: {  	s3 =	sadd.s32 s3, s9;
	s6 =	sadd.s32 @!p0 $0x88, s6;
	s7 =	simm.s32 @p2 $0x1082  }
0x22: {  	[simem:s7], [sflag:s8] =	dma.local @!p0 [hbm:s6], $0xF7A  }
0x23: {  	s9 =	sor.u32 $0xD0000000, s2;
	s6 =	simm.s32 $0x108;
	_ =	swait.ge @!p0 [sflag:s8], $0x0  }
0x24: {  	s3 =	sadd.s32 $0x88, s3;
	s6 =	simm.s32 @!p1 $0x1082;
	[sflag:s4] =	ssyncset.s32 $0xFFFFF086  }
0x25: {  	[simem:s6], [sflag:s4] =	dma.local [hbm:s3], $0xF7A  }
0x26: {  	[smem:$0x3F97] =	sst s1;
	(tag) =	ssettag s2;
	_ =	strace s9  }
0x27: {  	s1 =	sld [smem:$0x3FA7]  }
0x28: {  	s2 =	sld [smem:$0x3FA8]  }
0x29: {  	s4 =	sld [smem:$0x3FAA]  }
0x2a: {  	p0 =	seq.s32 s5, $0x0;
	s5 =	sld [smem:$0x3FAB]  }
0x2b: {  	s6 =	sld [smem:$0x3FAC]  }
0x2c: {  	s7 =	sld [smem:$0x3FAD]  }
0x2d: {  	s3 =	simm.s32 $0x108;
	s8 =	sld [smem:$0x3FAE]  }
0x2e: {  	s3 =	simm.s32 @!p0 $0x1082;
	s9 =	sld [smem:$0x3FAF]  }
0x2f: {  	lr =	sadd.s32 s0, s3;
	s0 =	sld [smem:$0x3FA6]  }
0x30: {  	s3 =	sld [smem:$0x3FA9]  }
0x31: {  	[smem:$0x3FB2] =	sst s10  }
0x32: {  	s10 =	sld [smem:$0x3FB0];
	_ =	sdelay $0x3  }
0x33: {  	p0 =	seq.s32 s10, $0x1;
	s10 =	sld [smem:$0x3FB2];
	_ =	sdelay $0x3  }
0x34: {  	[smem:$0x3FB2] =	sst s10  }
0x35: {  	s10 =	sld [smem:$0x3FB1];
	_ =	sdelay $0x3  }
0x36: {  	p1 =	seq.s32 s10, $0x1;
	s10 =	sld [smem:$0x3FB2];
	_ =	sdelay $0x3  }
0x37: {  	[smem:$0x3FB2] =	sst s10  }
0x38: {  	s10 =	sld [smem:$0x3FB3]  }
0x39: {  	_ = 	snop;
	(pc) =	sbr.ind lr, $3  }
0x3a: {  	_ = 	snop  }
0x3b: {  	_ = 	snop  }
0x3c: {  	p2 =	seq.s32 s10, $0x1;
	s10 =	sld [smem:$0x3FB2]  }
0x3d: {  	_ =	shalt  }
0x3e: {  	_ =	shalt  }
0x3f: {  	_ =	shalt  }
0x40: {  	_ =	shalt  }
0x41: {  	_ =	shalt  }
0x42: {  	_ =	shalt  }
0x43: {  	_ =	shalt  }
0x44: {  	_ =	shalt  }
0x45: {  	_ =	shalt  }
0x46: {  	_ =	shalt  }
0x47: {  	_ =	shalt  }
0x48: {  	_ =	shalt  }
0x49: {  	_ =	shalt  }
0x4a: {  	_ =	shalt  }
0x4b: {  	_ =	shalt  }
0x4c: {  	_ =	shalt  }
0x4d: {  	_ =	shalt  }
0x4e: {  	_ =	shalt  }
0x4f: {  	_ =	shalt  }
0x50: {  	_ =	shalt  }
0x51: {  	_ =	shalt  }
0x52: {  	_ =	shalt  }
0x53: {  	_ =	shalt  }
0x54: {  	_ =	shalt  }
0x55: {  	_ =	shalt  }
0x56: {  	_ =	shalt  }
0x57: {  	_ =	shalt  }
0x58: {  	_ =	shalt  }
0x59: {  	_ =	shalt  }
0x5a: {  	_ =	shalt  }
0x5b: {  	_ =	shalt  }
0x5c: {  	_ =	shalt  }
0x5d: {  	_ =	shalt  }
0x5e: {  	_ =	shalt  }
0x5f: {  	_ =	shalt  }
0x60: {  	_ =	shalt  }
0x61: {  	_ =	shalt  }
0x62: {  	_ =	shalt  }
0x63: {  	_ =	shalt  }
0x64: {  	_ =	shalt  }
0x65: {  	_ =	shalt  }
0x66: {  	_ =	shalt  }
0x67: {  	_ =	shalt  }
0x68: {  	_ =	shalt  }
0x69: {  	_ =	shalt  }
0x6a: {  	_ =	shalt  }
0x6b: {  	_ =	shalt  }
0x6c: {  	_ =	shalt  }
0x6d: {  	_ =	shalt  }
0x6e: {  	_ =	shalt  }
0x6f: {  	_ =	shalt  }
0x70: {  	_ =	shalt  }
0x71: {  	_ =	shalt  }
0x72: {  	_ =	shalt  }
0x73: {  	_ =	shalt  }
0x74: {  	_ =	shalt  }
0x75: {  	_ =	shalt  }
0x76: {  	_ =	shalt  }
0x77: {  	_ =	shalt  }
0x78: {  	_ =	shalt  }
0x79: {  	_ =	shalt  }
0x7a: {  	_ =	shalt  }
0x7b: {  	_ =	shalt  }
0x7c: {  	_ =	shalt  }
0x7d: {  	_ =	shalt  }
0x7e: {  	_ =	shalt  }
0x7f: {  	_ =	shalt  }
0x80: {  	_ =	shalt  }
0x81: {  	_ =	shalt  }
0x82: {  	_ =	shalt  }
0x83: {  	_ =	shalt  }
0x84: {  	_ =	shalt  }
0x85: {  	_ =	shalt  }
0x86: {  	_ =	shalt  }
0x87: {  	_ =	shalt  }
.Lfunc_end0:
.L_simem_size_0:
called_computation.1_lowered:
.L_overlay_start_0:
0x88: {  	s2 =	sld [smem:$0x3FD9]  }
0x89: {  	s3 =	sld [smem:$0x3FFE];
	_ =	sdelay $0x1  }
0x8a: {  	s1 =	srdreg.scid  }
0x8b: {  	s0 =	sand.u32 $0x1, s1  }
0x8c: {  	s16 =	sshll.u32 s0, $0xA;
	s2 =	sadd.s32 s3, s2  }
0x8d: {  	s2 =	sadd.s32 s2, s16  }
0x8e: {  	[smem:$0x3FBE] =	sst s2  }
0x8f: {  	_ = 	snop  }
0x90: {  	(tm) =	ssettm $0x1  }
0x91: {  	s17 =	sld [smem:$0x3FFB];
	_ =	sdelay $0x3  }
0x92: {  	_ =	strace s17  }
0x93: {  	s2 =	sld [smem:$0x3FFC];
	_ =	sdelay $0x3  }
0x94: {  	_ =	strace s2  }
0x95: {  	s2 =	sld [smem:$0x3FFD];
	_ =	sdelay $0x3  }
0x96: {  	_ =	strace s2  }
0x97: {  	_ =	strace $0x8FFFFFFF  }
0x98: {  	s18 =	sld [smem:$0x3FDB];
	_ =	sdelay $0x1  }
0x99: {  	s19 =	simm.s32 $_scs_section_size  }
0x9a: {  	s4 =	simm.s32 $_size__tile_overlayer_lowered;
	s5 =	simm.s32 $_tile_overlayer_lowered  }
0x9b: {  	s22 =	simm.s32 $0x1BFF;
	s21 =	sshll.u32 s5, $0x1;
	s2 =	sadd.s32 s19, s18  }
0x9c: {  	s6 =	simm.s32 $0x0;
	s20 =	sshll.u32 s4, $0x1;
	s4 =	sadd.s32 s21, s2  }
0x9d: {  	[timem:s6], [sflag:s22] =	dma.local [hbm:s4], s20  }
0x9e: {  	_ =	swait.ge [sflag:s22], s20  }
0x9f: {  	s3 =	ssub.s32 $0x0, s20;
	[sflag:s22] =	ssyncset.done $0x0  }
0xa0: {  	[sflag:s22] =	ssyncadd.s32 s3;
	_ =	sdelay $0x1  }
0xa1: {  	s23 =	simm.s32 $0x1B8B  }
0xa2: {  	_ =	swait.ge [sflag:s23], $0x1  }
0xa3: {  	[sflag:s23] =	ssyncset.done $0x0  }
0xa4: {  	s25 =	simm.s32 $0x1B8E;
	s24 =	sld [smem:$0x3FFE];
	[sflag:s23] =	ssyncadd.s32 $0xFFFFFFFF  }
0xa5: {  	s26 =	simm.s32 $execute0_lowered;
	[smem:$0x3FD2] =	sst s25  }
0xa6: {  	s4 =	sshll.u32 s26, $0x1;
	_ =	strace $0x80000049;
	[dreg:$0x1] =	wrdreg $0xFFFFFFFF  }
0xa7: {  	s28 =	simm.s32 $_size_execute0_lowered;
	s2 =	sadd.s32 s2, s4;
	[dreg:$0x0] =	wrdreg $0x0  }
0xa8: {  	s4 =	sshll.u32 s28, $0x1;
	[dreg:$0x2] =	wrdreg s2  }
0xa9: {  	[dreg:$0x3] =	wrdreg s4  }
0xaa: {  	[dreg:$0x4] =	wrdreg $0xC0  }
0xab: {  	_ =	task [dreg:s6], $0x5FFFF  }
0xac: {  	[dreg:$0x1] =	wrdreg $0xFFFFFFFF  }
0xad: {  	[dreg:$0x0] =	wrdreg $0x60  }
0xae: {  	[dreg:$0x2] =	wrdreg s24  }
0xaf: {  	[dreg:$0x3] =	wrdreg $0x68800  }
0xb0: {  	[dreg:$0x4] =	wrdreg $0x9  }
0xb1: {  	_ =	task.clear_ibuf [dreg:s6], $0x5FFFF;
	_ =	strace $0x90000049  }
0xb2: {  	s29 =	simm.s32 $0x9;
	_ =	strace $0x8000004B  }
0xb3: {  	_ =	swait.ge [sflag:s29], $0x1  }
0xb4: {  	[sflag:s29] =	ssyncadd.s32 $0xFFFFFFFF  }
0xb5: {  	_ =	strace $0x9000004B  }
0xb6: {  	_ =	sfence  }
0xb7: {  	s30 =	sld [smem:$0x0];
	_ =	sdelay $0x2  }
0xb8: {  	s31 =	sshll.u32 s1, $0xD;
	s1 =	sshrl.u32 s1, $0x2  }
0xb9: {  	s3 =	sand.u32 $0x4000, s31;
	s1 =	sadd.s32 s1, s30  }
0xba: {  	s0 =	sor.u32 s3, s0;
	s1 =	sshll.u32 s1, $0x11  }
0xbb: {  	s0 =	sor.u32 s1, s0  }
0xbc: {  	s0 =	sadd.s32 $0x8F2B, s0  }
0xbd: {  	[sflag:s0] =	ssyncadd.remote.s32 $0x1  }
0xbe: {  	_ =	sfence.sel $0xFFFF  }
0xbf: {  	[dreg:$0x0] =	wrdreg $0xFFFFFFFF;
	(pc) =	sbr.abs _section_cstart, $3  }
0xc0: {  	[dreg:$0x1] =	wrdreg $0xFFFFFFFF  }
0xc1: {  	_ =	task.clear_ibuf [dreg:s6], $0x2FFFF;
	_ =	strace $0x9FFFFFFF  }
0xc2: {  	(tm) =	ssettm $0x7FFFFFFF  }
0xc3: {  	_ =	shalt  }
tec
execute0_lowered:
.L_overlay_start_1:
0x0: {  	(tag) =	ssettag $0x1  }
0x1: {  	s0 =	rddreg [dreg:$0x0]  }
0x2: {  	s1 =	rddreg [dreg:$0x1];
	s2 =	simm.s32 $0x0  }
0x3: {  	s11 =	srdreg.scid;
	s7 =	stileid.u32;
	s22 =	simm.s32 $0x2  }
0x4: {  	s24 =	simm.s32 $0x1400;
	s25 =	simm.s32 $0x80;
	s26 =	simm.s32 $0x2800  }
0x5: {  	s28 =	simm.s32 $0x1;
	[smem:$0x7FF] =	sst s2;
	s3 =	sadd.s32 $0x34C00, s0  }
0x6: {  	s4 =	sadd.s32 $0x5F800, s0;
	s5 =	sadd.s32 $0x87800, s0;
	s6 =	sadd.s32 $0xAF800, s0  }
0x7: {  	s18 =	sadd.s32 $0x7C00, s0;
	s19 =	sadd.s32 $0x2C00, s0;
	s8 =	sadd.s32 $0x5D000, s0  }
0x8: {  	s9 =	sadd.s32 $0x5CC00, s0;
	s10 =	sadd.s32 $0xD7800, s0;
	s15 =	smul.u32 $0x50000, s7  }
0x9: {  	s21 =	sand.u32 $0x1, s11;
	s11 =	sadd.s32 $0xFF800, s0;
	s12 =	smul.u32 $0x2800, s7  }
0xa: {  	s29 =	simm.s32 $0x0;
	s13 =	sadd.s32 $0x127800, s0;
	s14 =	sadd.s32 $0x14F800, s0  }
0xb: {  	s17 =	smul.u32 $0x500, s7;
	s31 =	sshll.u32 s7, $0x6;
	_ =	strace $0x8000004A  }
.Ltmp0:
0xc: {  	s16 =	ssub.s32 $0x2, s21;
	p0 =	sne.s32 s21, $0x0;
	(pc) =	sbr.rel .LBB2_1-.Ltmp0, $4  }
0xd: {  	s23 =	sor.u32 $0x1C02, s31;
	s30 =	sshrl.u32 s16, $0x1;
	s15 =	sshrl.u32 s15, $0x2  }
0xe: {  	s20 =	sshrl.u32 s12, $0x3;
	s0 =	ssub.s32 s16, s30;
	s15 =	sadd.s32 s15, s1  }
0xf: {  	s20 =	sadd.s32 $0x280, s20;
	s16 =	sadd.s32 s18, s17;
	s17 =	sadd.s32 s19, s17  }
0x10: {  	s18 =	sadd.s32 s18, s20;
	s19 =	sadd.s32 s19, s20;
	s20 =	smax.u32 s0, $0x1  }
.LBB2_25:
0x11: {  	s0 =	sshra.s32 s31, $0x2;
	[sflag:s22] =	ssyncadd.s32 $0xFFFFC000  }
0x12: {  	[tilespmem:s26], [sflag:$0x1] =	stream.indirect.gather [hbm4b:s6+s25], $0x80, s0, s25, $0xb8;
	[tilespmem:$0x1A880] =	vst v63  }
0x13: {  	_ =	swait.ge [sflag:s28], $0x4000  }
0x14: {  	[sflag:s28] =	ssyncset.done $0x0  }
0x15: {  	s0 =	sadd.s32 $0x1400, s0;
	[sflag:s28] =	ssyncadd.s32 $0xFFFFC000  }
0x16: {  	[spmem:s1] =	stream.indirect.scatter.add.f32 [tilespmem:s26], [sflag:$0x2], $0x80, s0, s25, $0xb8;
	[tilespmem:$0x1A880] =	vst v63  }
0x17: {  	_ =	swait.ge [sflag:s22], $0x4000  }
0x18: {  	[sflag:s22] =	ssyncset.done $0x0  }
0x19: {  	s0 =	smov.u32 s14;
	[sflag:s22] =	ssyncadd.s32 $0xFFFFC000  }
.LBB2_26:
0x1a: {  	s29 =	sadd.s32 $0x1, s29  }
0x1b: {  	p1 =	sne.s32 s29, s20  }
.Ltmp1:
0x1c: {  	s0 =	sadd.s32 s0, s12;
	[bflag:$0x0] =	sbarrier.arrive $0xFFFF;
	(pc) =	sbr.rel @!p1 .LBB2_27-.Ltmp1, $4  }
0x1d: {  	[hbm:s0], [sflag:s23] =	dma.local [spmem:s30], $0x2800  }
0x1e: {  	_ =	swait.ge [sflag:s22], $0x2800  }
0x1f: {  	[sflag:s22] =	ssyncset.done $0x0  }
0x20: {  	[sflag:s22] =	ssyncadd.s32 $0xFFFFD800  }
.LBB2_1:
0x21: {  	s0 =	simm.s32 $0x6800  }
0x22: {  	[tilespmem:s0], [sflag:$0x2] =	stream.linear.gather [hbm4b:s9+s2], $0x80, $0x38;
	[tilespmem:$0x1A880] =	vst v63  }
0x23: {  	_ =	swait.ge [sflag:s22], $0x80  }
0x24: {  	[sflag:s22] =	ssyncset.done $0x0  }
0x25: {  	s30 =	sshrl.u32 s15, $0x3;
	[sflag:s22] =	ssyncadd.s32 $0xFFFFFF80  }
0x26: {  	[spmem:s30], [sflag:s23] =	dma.local [hbm:s8], $0x2800  }
0x27: {  	_ =	swait.ge [sflag:s22], $0x2800  }
0x28: {  	[sflag:s22] =	ssyncset.done $0x0  }
0x29: {  	[sflag:s22] =	ssyncadd.s32 $0xFFFFD800  }
0x2a: {  	[bflag:$0x0] =	sbarrier.arrive $0xFFFF  }
0x2b: {  	[tilespmem:s2], [sflag:$0x2] =	stream.linear.gather [hbm4b:s16+s2], $0x1400, $0x38;
	[tilespmem:$0x1A880] =	vst v63  }
0x2c: {  	_ =	swait.ge [sflag:s22], $0x1400  }
0x2d: {  	[sflag:s22] =	ssyncset.done $0x0  }
.Ltmp2:
0x2e: {  	[sflag:s22] =	ssyncadd.s32 $0xFFFFEC00;
	(pc) =	sbr.rel @p0 .LBB2_5-.Ltmp2, $4  }
0x2f: {  	[tilespmem:s24], [sflag:$0x2] =	stream.linear.gather [hbm4b:s17+s2], $0x1400, $0x38;
	[tilespmem:$0x1A880] =	vst v63  }
0x30: {  	_ =	swait.ge [sflag:s22], $0x1400  }
0x31: {  	[sflag:s22] =	ssyncset.done $0x0  }
0x32: {  	s0 =	simm.s32 $0x0;
	[sflag:s22] =	ssyncadd.s32 $0xFFFFEC00  }
0x33: {  	[tilespmem:s26], [sflag:$0x1] =	stream.indirect.gather [hbm4b:s3+s25], $0x80, s0, s25, $0xb8;
	[tilespmem:$0x1A880] =	vst v63  }
0x34: {  	_ =	swait.ge [sflag:s28], $0x4000  }
0x35: {  	[sflag:s28] =	ssyncset.done $0x0  }
0x36: {  	s21 =	simm.s32 $0x1400;
	[sflag:s28] =	ssyncadd.s32 $0xFFFFC000  }
0x37: {  	[spmem:s1] =	stream.indirect.scatter.add.f32 [tilespmem:s26], [sflag:$0x2], $0x80, s21, s25, $0xb8;
	[tilespmem:$0x1A880] =	vst v63  }
0x38: {  	_ =	swait.ge [sflag:s22], $0x4000  }
0x39: {  	s31 =	simm.s32 $0x200;
	s0 =	simm.s32 $0x400;
	[sflag:s22] =	ssyncset.done $0x0  }
.LBB2_3:
0x3a: {  	s7 =	sshra.s32 s31, $0x2  }
0x3b: {  	[sflag:s22] =	ssyncadd.s32 $0xFFFFC000;
	s31 =	smov.u32 s0;
	s21 =	sadd.s32 $0x200, s0  }
0x3c: {  	[tilespmem:s26], [sflag:$0x1] =	stream.indirect.gather [hbm4b:s3+s25], $0x80, s7, s25, $0xb8;
	[tilespmem:$0x1A880] =	vst v63  }
0x3d: {  	p1 =	seq.s32 s0, $0x4E00;
	_ =	swait.ge [sflag:s28], $0x4000  }
.Ltmp3:
0x3e: {  	[sflag:s28] =	ssyncset.done $0x0;
	(pc) =	sbr.rel @!p1 .LBB2_3-.Ltmp3, $4  }
0x3f: {  	s0 =	sadd.s32 $0x1400, s7;
	[sflag:s28] =	ssyncadd.s32 $0xFFFFC000  }
0x40: {  	[spmem:s1] =	stream.indirect.scatter.add.f32 [tilespmem:s26], [sflag:$0x2], $0x80, s0, s25, $0xb8;
	[tilespmem:$0x1A880] =	vst v63  }
0x41: {  	_ =	swait.ge [sflag:s22], $0x4000  }
0x42: {  	s0 =	smov.u32 s21;
	[sflag:s22] =	ssyncset.done $0x0  }
0x43: {  	s0 =	sshra.s32 s31, $0x2;
	[sflag:s22] =	ssyncadd.s32 $0xFFFFC000  }
0x44: {  	[tilespmem:s26], [sflag:$0x1] =	stream.indirect.gather [hbm4b:s3+s25], $0x80, s0, s25, $0xb8;
	[tilespmem:$0x1A880] =	vst v63  }
0x45: {  	_ =	swait.ge [sflag:s28], $0x4000  }
0x46: {  	[sflag:s28] =	ssyncset.done $0x0  }
.Ltmp4:
0x47: {  	s0 =	sadd.s32 $0x1400, s0;
	[sflag:s28] =	ssyncadd.s32 $0xFFFFC000;
	(pc) =	sbr.rel .LBB2_8-.Ltmp4, $4  }
0x48: {  	[spmem:s1] =	stream.indirect.scatter.add.f32 [tilespmem:s26], [sflag:$0x2], $0x80, s0, s25, $0xb8;
	[tilespmem:$0x1A880] =	vst v63  }
0x49: {  	_ =	swait.ge [sflag:s22], $0x4000  }
0x4a: {  	[sflag:s22] =	ssyncset.done $0x0  }
0x4b: {  	[sflag:s22] =	ssyncadd.s32 $0xFFFFC000  }
.LBB2_5:
0x4c: {  	[tilespmem:s26], [sflag:$0x1] =	stream.indirect.gather [hbm4b:s5+s25], $0x80, s0, s25, $0xb8;
	[tilespmem:$0x1A880] =	vst v63  }
0x4d: {  	_ =	swait.ge [sflag:s28], $0x4000  }
0x4e: {  	[sflag:s28] =	ssyncset.done $0x0  }
0x4f: {  	s21 =	simm.s32 $0x1400;
	[sflag:s28] =	ssyncadd.s32 $0xFFFFC000  }
0x50: {  	[spmem:s1] =	stream.indirect.scatter.add.f32 [tilespmem:s26], [sflag:$0x2], $0x80, s21, s25, $0xb8;
	[tilespmem:$0x1A880] =	vst v63  }
0x51: {  	_ =	swait.ge [sflag:s22], $0x4000  }
0x52: {  	s31 =	simm.s32 $0x200;
	s0 =	simm.s32 $0x400;
	[sflag:s22] =	ssyncset.done $0x0  }
.LBB2_6:
0x53: {  	s7 =	sshra.s32 s31, $0x2  }
0x54: {  	[sflag:s22] =	ssyncadd.s32 $0xFFFFC000;
	s31 =	smov.u32 s0;
	s21 =	sadd.s32 $0x200, s0  }
0x55: {  	[tilespmem:s26], [sflag:$0x1] =	stream.indirect.gather [hbm4b:s5+s25], $0x80, s7, s25, $0xb8;
	[tilespmem:$0x1A880] =	vst v63  }
0x56: {  	p1 =	sne.s32 s0, $0x4E00;
	_ =	swait.ge [sflag:s28], $0x4000  }
.Ltmp5:
0x57: {  	[sflag:s28] =	ssyncset.done $0x0;
	(pc) =	sbr.rel @p1 .LBB2_6-.Ltmp5, $4  }
0x58: {  	s0 =	sadd.s32 $0x1400, s7;
	[sflag:s28] =	ssyncadd.s32 $0xFFFFC000  }
0x59: {  	[spmem:s1] =	stream.indirect.scatter.add.f32 [tilespmem:s26], [sflag:$0x2], $0x80, s0, s25, $0xb8;
	[tilespmem:$0x1A880] =	vst v63  }
0x5a: {  	_ =	swait.ge [sflag:s22], $0x4000  }
0x5b: {  	s0 =	smov.u32 s21;
	[sflag:s22] =	ssyncset.done $0x0  }
0x5c: {  	s0 =	sshra.s32 s31, $0x2;
	[sflag:s22] =	ssyncadd.s32 $0xFFFFC000  }
0x5d: {  	[tilespmem:s26], [sflag:$0x1] =	stream.indirect.gather [hbm4b:s5+s25], $0x80, s0, s25, $0xb8;
	[tilespmem:$0x1A880] =	vst v63  }
0x5e: {  	_ =	swait.ge [sflag:s28], $0x4000  }
0x5f: {  	[sflag:s28] =	ssyncset.done $0x0  }
0x60: {  	s0 =	sadd.s32 $0x1400, s0;
	[sflag:s28] =	ssyncadd.s32 $0xFFFFC000  }
0x61: {  	[spmem:s1] =	stream.indirect.scatter.add.f32 [tilespmem:s26], [sflag:$0x2], $0x80, s0, s25, $0xb8;
	[tilespmem:$0x1A880] =	vst v63  }
0x62: {  	_ =	swait.ge [sflag:s22], $0x4000  }
0x63: {  	[sflag:s22] =	ssyncset.done $0x0  }
0x64: {  	[sflag:s22] =	ssyncadd.s32 $0xFFFFC000  }
.LBB2_8:
0x65: {  	s0 =	simm.s32 $0x0  }
0x66: {  	[tilespmem:s0], [sflag:$0x2] =	stream.linear.gather [hbm4b:s18+s0], $0x1400, $0x38;
	[tilespmem:$0x1A880] =	vst v63  }
0x67: {  	_ =	swait.ge [sflag:s22], $0x1400  }
0x68: {  	[sflag:s22] =	ssyncset.done $0x0  }
.Ltmp6:
0x69: {  	[sflag:s22] =	ssyncadd.s32 $0xFFFFEC00;
	(pc) =	sbr.rel @p0 .LBB2_12-.Ltmp6, $4  }
0x6a: {  	[tilespmem:s24], [sflag:$0x2] =	stream.linear.gather [hbm4b:s19+s0], $0x1400, $0x38;
	[tilespmem:$0x1A880] =	vst v63  }
0x6b: {  	_ =	swait.ge [sflag:s22], $0x1400  }
0x6c: {  	[sflag:s22] =	ssyncset.done $0x0  }
0x6d: {  	s0 =	simm.s32 $0x0;
	[sflag:s22] =	ssyncadd.s32 $0xFFFFEC00  }
0x6e: {  	[tilespmem:s26], [sflag:$0x1] =	stream.indirect.gather [hbm4b:s3+s25], $0x80, s0, s25, $0xb8;
	[tilespmem:$0x1A880] =	vst v63  }
0x6f: {  	_ =	swait.ge [sflag:s28], $0x4000  }
0x70: {  	[sflag:s28] =	ssyncset.done $0x0  }
0x71: {  	s21 =	simm.s32 $0x1400;
	[sflag:s28] =	ssyncadd.s32 $0xFFFFC000  }
0x72: {  	[spmem:s1] =	stream.indirect.scatter.add.f32 [tilespmem:s26], [sflag:$0x2], $0x80, s21, s25, $0xb8;
	[tilespmem:$0x1A880] =	vst v63  }
0x73: {  	_ =	swait.ge [sflag:s22], $0x4000  }
0x74: {  	s31 =	simm.s32 $0x200;
	s0 =	simm.s32 $0x400;
	[sflag:s22] =	ssyncset.done $0x0  }
.LBB2_10:
0x75: {  	s7 =	sshra.s32 s31, $0x2  }
0x76: {  	[sflag:s22] =	ssyncadd.s32 $0xFFFFC000;
	s31 =	smov.u32 s0;
	s21 =	sadd.s32 $0x200, s0  }
0x77: {  	[tilespmem:s26], [sflag:$0x1] =	stream.indirect.gather [hbm4b:s3+s25], $0x80, s7, s25, $0xb8;
	[tilespmem:$0x1A880] =	vst v63  }
0x78: {  	p1 =	seq.s32 s0, $0x4E00;
	_ =	swait.ge [sflag:s28], $0x4000  }
.Ltmp7:
0x79: {  	[sflag:s28] =	ssyncset.done $0x0;
	(pc) =	sbr.rel @!p1 .LBB2_10-.Ltmp7, $4  }
0x7a: {  	s0 =	sadd.s32 $0x1400, s7;
	[sflag:s28] =	ssyncadd.s32 $0xFFFFC000  }
0x7b: {  	[spmem:s1] =	stream.indirect.scatter.add.f32 [tilespmem:s26], [sflag:$0x2], $0x80, s0, s25, $0xb8;
	[tilespmem:$0x1A880] =	vst v63  }
0x7c: {  	_ =	swait.ge [sflag:s22], $0x4000  }
0x7d: {  	s0 =	smov.u32 s21;
	[sflag:s22] =	ssyncset.done $0x0  }
0x7e: {  	s0 =	sshra.s32 s31, $0x2;
	[sflag:s22] =	ssyncadd.s32 $0xFFFFC000  }
0x7f: {  	[tilespmem:s26], [sflag:$0x1] =	stream.indirect.gather [hbm4b:s3+s25], $0x80, s0, s25, $0xb8;
	[tilespmem:$0x1A880] =	vst v63  }
0x80: {  	_ =	swait.ge [sflag:s28], $0x4000  }
0x81: {  	[sflag:s28] =	ssyncset.done $0x0  }
.Ltmp8:
0x82: {  	s0 =	sadd.s32 $0x1400, s0;
	[sflag:s28] =	ssyncadd.s32 $0xFFFFC000;
	(pc) =	sbr.rel .LBB2_15-.Ltmp8, $4  }
0x83: {  	[spmem:s1] =	stream.indirect.scatter.add.f32 [tilespmem:s26], [sflag:$0x2], $0x80, s0, s25, $0xb8;
	[tilespmem:$0x1A880] =	vst v63  }
0x84: {  	_ =	swait.ge [sflag:s22], $0x4000  }
0x85: {  	[sflag:s22] =	ssyncset.done $0x0  }
0x86: {  	s0 =	smov.u32 s10;
	[sflag:s22] =	ssyncadd.s32 $0xFFFFC000  }
.LBB2_12:
0x87: {  	[tilespmem:s26], [sflag:$0x1] =	stream.indirect.gather [hbm4b:s5+s25], $0x80, s0, s25, $0xb8;
	[tilespmem:$0x1A880] =	vst v63  }
0x88: {  	_ =	swait.ge [sflag:s28], $0x4000  }
0x89: {  	[sflag:s28] =	ssyncset.done $0x0  }
0x8a: {  	s21 =	simm.s32 $0x1400;
	[sflag:s28] =	ssyncadd.s32 $0xFFFFC000  }
0x8b: {  	[spmem:s1] =	stream.indirect.scatter.add.f32 [tilespmem:s26], [sflag:$0x2], $0x80, s21, s25, $0xb8;
	[tilespmem:$0x1A880] =	vst v63  }
0x8c: {  	_ =	swait.ge [sflag:s22], $0x4000  }
0x8d: {  	s31 =	simm.s32 $0x200;
	s0 =	simm.s32 $0x400;
	[sflag:s22] =	ssyncset.done $0x0  }
.LBB2_13:
0x8e: {  	s7 =	sshra.s32 s31, $0x2  }
0x8f: {  	[sflag:s22] =	ssyncadd.s32 $0xFFFFC000;
	s31 =	smov.u32 s0;
	s21 =	sadd.s32 $0x200, s0  }
0x90: {  	[tilespmem:s26], [sflag:$0x1] =	stream.indirect.gather [hbm4b:s5+s25], $0x80, s7, s25, $0xb8;
	[tilespmem:$0x1A880] =	vst v63  }
0x91: {  	p1 =	sne.s32 s0, $0x4E00;
	_ =	swait.ge [sflag:s28], $0x4000  }
.Ltmp9:
0x92: {  	[sflag:s28] =	ssyncset.done $0x0;
	(pc) =	sbr.rel @p1 .LBB2_13-.Ltmp9, $4  }
0x93: {  	s0 =	sadd.s32 $0x1400, s7;
	[sflag:s28] =	ssyncadd.s32 $0xFFFFC000  }
0x94: {  	[spmem:s1] =	stream.indirect.scatter.add.f32 [tilespmem:s26], [sflag:$0x2], $0x80, s0, s25, $0xb8;
	[tilespmem:$0x1A880] =	vst v63  }
0x95: {  	_ =	swait.ge [sflag:s22], $0x4000  }
0x96: {  	s0 =	smov.u32 s21;
	[sflag:s22] =	ssyncset.done $0x0  }
0x97: {  	s0 =	sshra.s32 s31, $0x2;
	[sflag:s22] =	ssyncadd.s32 $0xFFFFC000  }
0x98: {  	[tilespmem:s26], [sflag:$0x1] =	stream.indirect.gather [hbm4b:s5+s25], $0x80, s0, s25, $0xb8;
	[tilespmem:$0x1A880] =	vst v63  }
0x99: {  	_ =	swait.ge [sflag:s28], $0x4000  }
0x9a: {  	[sflag:s28] =	ssyncset.done $0x0  }
0x9b: {  	s0 =	sadd.s32 $0x1400, s0;
	[sflag:s28] =	ssyncadd.s32 $0xFFFFC000  }
0x9c: {  	[spmem:s1] =	stream.indirect.scatter.add.f32 [tilespmem:s26], [sflag:$0x2], $0x80, s0, s25, $0xb8;
	[tilespmem:$0x1A880] =	vst v63  }
0x9d: {  	_ =	swait.ge [sflag:s22], $0x4000  }
0x9e: {  	[sflag:s22] =	ssyncset.done $0x0  }
0x9f: {  	s0 =	smov.u32 s13;
	[sflag:s22] =	ssyncadd.s32 $0xFFFFC000  }
.LBB2_15:
0xa0: {  	s0 =	sadd.s32 s0, s12;
	[bflag:$0x0] =	sbarrier.arrive $0xFFFF  }
0xa1: {  	[hbm:s0], [sflag:s23] =	dma.local [spmem:s30], $0x2800  }
0xa2: {  	_ =	swait.ge [sflag:s22], $0x2800  }
0xa3: {  	[sflag:s22] =	ssyncset.done $0x0  }
0xa4: {  	[sflag:s22] =	ssyncadd.s32 $0xFFFFD800  }
0xa5: {  	[spmem:s30], [sflag:s23] =	dma.local [hbm:s8], $0x2800  }
0xa6: {  	_ =	swait.ge [sflag:s22], $0x2800  }
0xa7: {  	[sflag:s22] =	ssyncset.done $0x0  }
0xa8: {  	[sflag:s22] =	ssyncadd.s32 $0xFFFFD800  }
0xa9: {  	s31 =	simm.s32 $0x0;
	[bflag:$0x0] =	sbarrier.arrive $0xFFFF  }
0xaa: {  	[tilespmem:s31], [sflag:$0x2] =	stream.linear.gather [hbm4b:s16+s31], $0x1400, $0x38;
	[tilespmem:$0x1A880] =	vst v63  }
0xab: {  	_ =	swait.ge [sflag:s22], $0x1400  }
0xac: {  	[sflag:s22] =	ssyncset.done $0x0  }
.Ltmp10:
0xad: {  	[sflag:s22] =	ssyncadd.s32 $0xFFFFEC00;
	(pc) =	sbr.rel @p0 .LBB2_21-.Ltmp10, $4  }
0xae: {  	[tilespmem:s24], [sflag:$0x2] =	stream.linear.gather [hbm4b:s17+s31], $0x1400, $0x38;
	[tilespmem:$0x1A880] =	vst v63  }
0xaf: {  	_ =	swait.ge [sflag:s22], $0x1400  }
0xb0: {  	[sflag:s22] =	ssyncset.done $0x0  }
0xb1: {  	s0 =	simm.s32 $0x0;
	[sflag:s22] =	ssyncadd.s32 $0xFFFFEC00  }
0xb2: {  	[tilespmem:s26], [sflag:$0x1] =	stream.indirect.gather [hbm4b:s4+s25], $0x80, s0, s25, $0xb8;
	[tilespmem:$0x1A880] =	vst v63  }
0xb3: {  	_ =	swait.ge [sflag:s28], $0x4000  }
0xb4: {  	[sflag:s28] =	ssyncset.done $0x0  }
0xb5: {  	s21 =	simm.s32 $0x1400;
	[sflag:s28] =	ssyncadd.s32 $0xFFFFC000  }
0xb6: {  	[spmem:s1] =	stream.indirect.scatter.add.f32 [tilespmem:s26], [sflag:$0x2], $0x80, s21, s25, $0xb8;
	[tilespmem:$0x1A880] =	vst v63  }
0xb7: {  	_ =	swait.ge [sflag:s22], $0x4000  }
0xb8: {  	s31 =	simm.s32 $0x200;
	s0 =	simm.s32 $0x400;
	[sflag:s22] =	ssyncset.done $0x0  }
.LBB2_17:
0xb9: {  	s7 =	sshra.s32 s31, $0x2  }
0xba: {  	[sflag:s22] =	ssyncadd.s32 $0xFFFFC000;
	s31 =	smov.u32 s0;
	s21 =	sadd.s32 $0x200, s0  }
0xbb: {  	[tilespmem:s26], [sflag:$0x1] =	stream.indirect.gather [hbm4b:s4+s25], $0x80, s7, s25, $0xb8;
	[tilespmem:$0x1A880] =	vst v63  }
0xbc: {  	p1 =	seq.s32 s0, $0x4E00;
	_ =	swait.ge [sflag:s28], $0x4000  }
.Ltmp11:
0xbd: {  	[sflag:s28] =	ssyncset.done $0x0;
	(pc) =	sbr.rel @!p1 .LBB2_17-.Ltmp11, $4  }
0xbe: {  	s0 =	sadd.s32 $0x1400, s7;
	[sflag:s28] =	ssyncadd.s32 $0xFFFFC000  }
0xbf: {  	[spmem:s1] =	stream.indirect.scatter.add.f32 [tilespmem:s26], [sflag:$0x2], $0x80, s0, s25, $0xb8;
	[tilespmem:$0x1A880] =	vst v63  }
0xc0: {  	_ =	swait.ge [sflag:s22], $0x4000  }
0xc1: {  	s0 =	smov.u32 s21;
	[sflag:s22] =	ssyncset.done $0x0  }
0xc2: {  	s0 =	sshra.s32 s31, $0x2;
	[sflag:s22] =	ssyncadd.s32 $0xFFFFC000  }
0xc3: {  	[tilespmem:s26], [sflag:$0x1] =	stream.indirect.gather [hbm4b:s4+s25], $0x80, s0, s25, $0xb8;
	[tilespmem:$0x1A880] =	vst v63  }
0xc4: {  	_ =	swait.ge [sflag:s28], $0x4000  }
0xc5: {  	[sflag:s28] =	ssyncset.done $0x0  }
0xc6: {  	s0 =	sadd.s32 $0x1400, s0;
	[sflag:s28] =	ssyncadd.s32 $0xFFFFC000  }
0xc7: {  	[spmem:s1] =	stream.indirect.scatter.add.f32 [tilespmem:s26], [sflag:$0x2], $0x80, s0, s25, $0xb8;
	[tilespmem:$0x1A880] =	vst v63  }
0xc8: {  	_ =	swait.ge [sflag:s22], $0x4000  }
0xc9: {  	[sflag:s22] =	ssyncset.done $0x0  }
0xca: {  	s21 =	simm.s32 $0x0;
	[sflag:s22] =	ssyncadd.s32 $0xFFFFC000  }
0xcb: {  	[tilespmem:s21], [sflag:$0x2] =	stream.linear.gather [hbm4b:s18+s21], $0x1400, $0x38;
	[tilespmem:$0x1A880] =	vst v63  }
0xcc: {  	_ =	swait.ge [sflag:s22], $0x1400  }
0xcd: {  	[sflag:s22] =	ssyncset.done $0x0  }
0xce: {  	[sflag:s22] =	ssyncadd.s32 $0xFFFFEC00  }
0xcf: {  	[tilespmem:s24], [sflag:$0x2] =	stream.linear.gather [hbm4b:s19+s21], $0x1400, $0x38;
	[tilespmem:$0x1A880] =	vst v63  }
0xd0: {  	_ =	swait.ge [sflag:s22], $0x1400  }
0xd1: {  	[sflag:s22] =	ssyncset.done $0x0  }
0xd2: {  	s7 =	simm.s32 $0x0;
	[sflag:s22] =	ssyncadd.s32 $0xFFFFEC00  }
0xd3: {  	[tilespmem:s26], [sflag:$0x1] =	stream.indirect.gather [hbm4b:s4+s25], $0x80, s7, s25, $0xb8;
	[tilespmem:$0x1A880] =	vst v63  }
0xd4: {  	_ =	swait.ge [sflag:s28], $0x4000  }
0xd5: {  	[sflag:s28] =	ssyncset.done $0x0  }
0xd6: {  	s21 =	simm.s32 $0x1400;
	[sflag:s28] =	ssyncadd.s32 $0xFFFFC000  }
0xd7: {  	[spmem:s1] =	stream.indirect.scatter.add.f32 [tilespmem:s26], [sflag:$0x2], $0x80, s21, s25, $0xb8;
	[tilespmem:$0x1A880] =	vst v63  }
0xd8: {  	_ =	swait.ge [sflag:s22], $0x4000  }
0xd9: {  	s31 =	simm.s32 $0x200;
	s0 =	simm.s32 $0x400;
	[sflag:s22] =	ssyncset.done $0x0  }
.LBB2_19:
0xda: {  	s7 =	sshra.s32 s31, $0x2  }
0xdb: {  	[sflag:s22] =	ssyncadd.s32 $0xFFFFC000;
	s31 =	smov.u32 s0;
	s21 =	sadd.s32 $0x200, s0  }
0xdc: {  	[tilespmem:s26], [sflag:$0x1] =	stream.indirect.gather [hbm4b:s4+s25], $0x80, s7, s25, $0xb8;
	[tilespmem:$0x1A880] =	vst v63  }
0xdd: {  	p1 =	seq.s32 s0, $0x4E00;
	_ =	swait.ge [sflag:s28], $0x4000  }
.Ltmp12:
0xde: {  	[sflag:s28] =	ssyncset.done $0x0;
	(pc) =	sbr.rel @!p1 .LBB2_19-.Ltmp12, $4  }
0xdf: {  	s0 =	sadd.s32 $0x1400, s7;
	[sflag:s28] =	ssyncadd.s32 $0xFFFFC000  }
0xe0: {  	[spmem:s1] =	stream.indirect.scatter.add.f32 [tilespmem:s26], [sflag:$0x2], $0x80, s0, s25, $0xb8;
	[tilespmem:$0x1A880] =	vst v63  }
0xe1: {  	_ =	swait.ge [sflag:s22], $0x4000  }
0xe2: {  	s0 =	smov.u32 s21;
	[sflag:s22] =	ssyncset.done $0x0  }
0xe3: {  	s0 =	sshra.s32 s31, $0x2;
	[sflag:s22] =	ssyncadd.s32 $0xFFFFC000  }
0xe4: {  	[tilespmem:s26], [sflag:$0x1] =	stream.indirect.gather [hbm4b:s4+s25], $0x80, s0, s25, $0xb8;
	[tilespmem:$0x1A880] =	vst v63  }
0xe5: {  	_ =	swait.ge [sflag:s28], $0x4000  }
0xe6: {  	[sflag:s28] =	ssyncset.done $0x0  }
.Ltmp13:
0xe7: {  	s0 =	sadd.s32 $0x1400, s0;
	[sflag:s28] =	ssyncadd.s32 $0xFFFFC000;
	(pc) =	sbr.rel .LBB2_26-.Ltmp13, $4  }
0xe8: {  	[spmem:s1] =	stream.indirect.scatter.add.f32 [tilespmem:s26], [sflag:$0x2], $0x80, s0, s25, $0xb8;
	[tilespmem:$0x1A880] =	vst v63  }
0xe9: {  	_ =	swait.ge [sflag:s22], $0x4000  }
0xea: {  	[sflag:s22] =	ssyncset.done $0x0  }
0xeb: {  	s0 =	smov.u32 s11;
	[sflag:s22] =	ssyncadd.s32 $0xFFFFC000  }
.LBB2_21:
0xec: {  	[tilespmem:s26], [sflag:$0x1] =	stream.indirect.gather [hbm4b:s6+s25], $0x80, s0, s25, $0xb8;
	[tilespmem:$0x1A880] =	vst v63  }
0xed: {  	_ =	swait.ge [sflag:s28], $0x4000  }
0xee: {  	[sflag:s28] =	ssyncset.done $0x0  }
0xef: {  	s21 =	simm.s32 $0x1400;
	[sflag:s28] =	ssyncadd.s32 $0xFFFFC000  }
0xf0: {  	[spmem:s1] =	stream.indirect.scatter.add.f32 [tilespmem:s26], [sflag:$0x2], $0x80, s21, s25, $0xb8;
	[tilespmem:$0x1A880] =	vst v63  }
0xf1: {  	_ =	swait.ge [sflag:s22], $0x4000  }
0xf2: {  	s31 =	simm.s32 $0x200;
	s0 =	simm.s32 $0x400;
	[sflag:s22] =	ssyncset.done $0x0  }
.LBB2_22:
0xf3: {  	s7 =	sshra.s32 s31, $0x2  }
0xf4: {  	[sflag:s22] =	ssyncadd.s32 $0xFFFFC000;
	s31 =	smov.u32 s0;
	s21 =	sadd.s32 $0x200, s0  }
0xf5: {  	[tilespmem:s26], [sflag:$0x1] =	stream.indirect.gather [hbm4b:s6+s25], $0x80, s7, s25, $0xb8;
	[tilespmem:$0x1A880] =	vst v63  }
0xf6: {  	p1 =	sne.s32 s0, $0x4E00;
	_ =	swait.ge [sflag:s28], $0x4000  }
.Ltmp14:
0xf7: {  	[sflag:s28] =	ssyncset.done $0x0;
	(pc) =	sbr.rel @p1 .LBB2_22-.Ltmp14, $4  }
0xf8: {  	s0 =	sadd.s32 $0x1400, s7;
	[sflag:s28] =	ssyncadd.s32 $0xFFFFC000  }
0xf9: {  	[spmem:s1] =	stream.indirect.scatter.add.f32 [tilespmem:s26], [sflag:$0x2], $0x80, s0, s25, $0xb8;
	[tilespmem:$0x1A880] =	vst v63  }
0xfa: {  	_ =	swait.ge [sflag:s22], $0x4000  }
0xfb: {  	s0 =	smov.u32 s21;
	[sflag:s22] =	ssyncset.done $0x0  }
0xfc: {  	s0 =	sshra.s32 s31, $0x2;
	[sflag:s22] =	ssyncadd.s32 $0xFFFFC000  }
0xfd: {  	[tilespmem:s26], [sflag:$0x1] =	stream.indirect.gather [hbm4b:s6+s25], $0x80, s0, s25, $0xb8;
	[tilespmem:$0x1A880] =	vst v63  }
0xfe: {  	_ =	swait.ge [sflag:s28], $0x4000  }
0xff: {  	[sflag:s28] =	ssyncset.done $0x0  }
0x100: {  	s0 =	sadd.s32 $0x1400, s0;
	[sflag:s28] =	ssyncadd.s32 $0xFFFFC000  }
0x101: {  	[spmem:s1] =	stream.indirect.scatter.add.f32 [tilespmem:s26], [sflag:$0x2], $0x80, s0, s25, $0xb8;
	[tilespmem:$0x1A880] =	vst v63  }
0x102: {  	_ =	swait.ge [sflag:s22], $0x4000  }
0x103: {  	[sflag:s22] =	ssyncset.done $0x0  }
0x104: {  	s21 =	simm.s32 $0x0;
	[sflag:s22] =	ssyncadd.s32 $0xFFFFC000  }
0x105: {  	[tilespmem:s21], [sflag:$0x2] =	stream.linear.gather [hbm4b:s18+s21], $0x1400, $0x38;
	[tilespmem:$0x1A880] =	vst v63  }
0x106: {  	_ =	swait.ge [sflag:s22], $0x1400  }
0x107: {  	[sflag:s22] =	ssyncset.done $0x0  }
0x108: {  	[sflag:s22] =	ssyncadd.s32 $0xFFFFEC00  }
0x109: {  	[tilespmem:s24], [sflag:$0x2] =	stream.linear.gather [hbm4b:s19+s21], $0x1400, $0x38;
	[tilespmem:$0x1A880] =	vst v63  }
0x10a: {  	_ =	swait.ge [sflag:s22], $0x1400  }
0x10b: {  	[sflag:s22] =	ssyncset.done $0x0  }
0x10c: {  	s7 =	simm.s32 $0x0;
	[sflag:s22] =	ssyncadd.s32 $0xFFFFEC00  }
0x10d: {  	[tilespmem:s26], [sflag:$0x1] =	stream.indirect.gather [hbm4b:s6+s25], $0x80, s7, s25, $0xb8;
	[tilespmem:$0x1A880] =	vst v63  }
0x10e: {  	_ =	swait.ge [sflag:s28], $0x4000  }
0x10f: {  	[sflag:s28] =	ssyncset.done $0x0  }
0x110: {  	s21 =	simm.s32 $0x1400;
	[sflag:s28] =	ssyncadd.s32 $0xFFFFC000  }
0x111: {  	[spmem:s1] =	stream.indirect.scatter.add.f32 [tilespmem:s26], [sflag:$0x2], $0x80, s21, s25, $0xb8;
	[tilespmem:$0x1A880] =	vst v63  }
0x112: {  	_ =	swait.ge [sflag:s22], $0x4000  }
0x113: {  	s31 =	simm.s32 $0x200;
	s0 =	simm.s32 $0x400;
	[sflag:s22] =	ssyncset.done $0x0  }
.LBB2_24:
0x114: {  	s7 =	sshra.s32 s31, $0x2  }
0x115: {  	[sflag:s22] =	ssyncadd.s32 $0xFFFFC000;
	s31 =	smov.u32 s0;
	s21 =	sadd.s32 $0x200, s0  }
0x116: {  	[tilespmem:s26], [sflag:$0x1] =	stream.indirect.gather [hbm4b:s6+s25], $0x80, s7, s25, $0xb8;
	[tilespmem:$0x1A880] =	vst v63  }
0x117: {  	p1 =	sne.s32 s0, $0x4E00;
	_ =	swait.ge [sflag:s28], $0x4000  }
.Ltmp15:
0x118: {  	[sflag:s28] =	ssyncset.done $0x0;
	(pc) =	sbr.rel @p1 .LBB2_24-.Ltmp15, $4  }
0x119: {  	s0 =	sadd.s32 $0x1400, s7;
	[sflag:s28] =	ssyncadd.s32 $0xFFFFC000  }
0x11a: {  	[spmem:s1] =	stream.indirect.scatter.add.f32 [tilespmem:s26], [sflag:$0x2], $0x80, s0, s25, $0xb8;
	[tilespmem:$0x1A880] =	vst v63  }
0x11b: {  	_ =	swait.ge [sflag:s22], $0x4000  }
0x11c: {  	s0 =	smov.u32 s21;
	[sflag:s22] =	ssyncset.done $0x0  }
.Ltmp16:
0x11d: {  	_ = 	snop;
	(pc) =	sbr.rel .LBB2_25-.Ltmp16, $1  }
0x11e: {  	_ =	sdelay $0x3  }
.LBB2_27:
0x11f: {  	_ =	sfence.sel $0x180000  }
0x120: {  	[bflag:$0x0] =	sbarrier.arrive $0xFFFF  }
0x121: {  	_ =	strace $0x9000004A  }
0x122: {  	s0 =	stileid.u32;
	[bflag:$0x2] =	sbarrier.arrive $0xFFFF  }
0x123: {  	p0 =	sne.s32 s0, $0x0;
	s0 =	rddreg [dreg:$0x2]  }
0x124: {  	s0 =	sadd.s32 @!p0 $0x100000, s0  }
0x125: {  	[sflag:s0] =	ssyncadd.tile.s32 @!p0 $0x1;
	_ =	shalt  }
.Lfunc_end2:
_tile_overlayer_lowered:
.L_overlay_start_2:
0x126: {  	(tag) =	ssettag $0x2  }
0x127: {  	s0 =	rddreg [dreg:$0x0];
	s2 =	stileid.u32  }
0x128: {  	s1 =	rddreg [dreg:$0x1];
	p0 =	sne.s32 s2, $0x0  }
0x129: {  	s3 =	rddreg [dreg:$0x2];
	[bflag:$0x3] =	sbarrier.arrive $0xFFFF;
	s2 =	simm.s32 @!p0 $0x1C02  }
0x12a: {  	[timem:s3], [sflag:s2] =	dma.local @!p0 [hbm:s0], s1  }
0x12b: {  	s0 =	simm.s32 @!p0 $0x2  }
0x12c: {  	_ =	swait.ge @!p0 [sflag:s0], s1  }
0x12d: {  	s1 =	ssub.s32 @!p0 $0x0, s1;
	[sflag:s0] =	ssyncset.done @!p0 $0x0  }
0x12e: {  	[sflag:s0] =	ssyncadd.s32 @!p0 s1  }
0x12f: {  	[bflag:$0x3] =	sbarrier.arrive $0xFFFF  }
0x130: {  	_ =	shalt  }

</sc_bundles>
